<compile_context>
chip_gen: v7x
topology: tpu7x:2x2x1
jax: 0.10.2.dev20260603
libtpu: 0.0.44.dev20260713+nightly
codegen_flags: <defaults>
</compile_context>

<pallas_src>
import functools

import jax
import jax.numpy as jnp
from jax import lax
from jax.experimental import pallas as pl
from jax.experimental.pallas import tpu as pltpu
from jax.experimental.pallas import tpu_sc as plsc

_NC = 2
_NS = 16
_NW = _NC * _NS
_L = 16
_BBLK = 128


@functools.partial(jax.jit, static_argnums=(3,))
def _embedding_lookup(tokens4, token_table, position_embedding, T):
    S7, NB4, S8, BL = tokens4.shape
    B = NB4 * BL
    V, D = token_table.shape
    CB = D // 8
    NB = B // _BBLK
    NG = _BBLK // _L
    KP = T // 2

    mesh = plsc.VectorSubcoreMesh(core_axis_name="c", subcore_axis_name="s")

    @functools.partial(
        pl.kernel,
        mesh=mesh,
        compiler_params=pltpu.CompilerParams(
            use_tc_tiling_on_sc=False, needs_layout_passes=False),
        out_type=jax.ShapeDtypeStruct((T, CB, NB, 8, _BBLK), jnp.float32),
        scratch_types=[
            pltpu.VMEM((S7, S8, _BBLK), jnp.int32),
            pltpu.VMEM((_BBLK, D), jnp.float32),
            pltpu.VMEM((_BBLK, D), jnp.float32),
            pltpu.VMEM((CB, 8, _BBLK), jnp.float32),
            pltpu.VMEM((CB, 8, _BBLK), jnp.float32),
            pltpu.VMEM((T, D), jnp.float32),
            pltpu.SemaphoreType.DMA,
            pltpu.SemaphoreType.DMA,
            pltpu.SemaphoreType.DMA,
            pltpu.SemaphoreType.DMA,
        ],
    )
    def emb_kernel(tok_hbm, tab_hbm, pos_hbm, out_hbm,
                   idx_v, gbuf0, gbuf1, obuf0, obuf1, pos_v,
                   g_sem0, g_sem1, w_sem0, w_sem1):
        w = lax.axis_index("s") * _NC + lax.axis_index("c")
        pltpu.sync_copy(tok_hbm.at[:, w, :, :], idx_v)
        pltpu.sync_copy(pos_hbm, pos_v)

        lane = lax.iota(jnp.int32, _L)
        row_ids = [lane + bg * _L for bg in range(NG)]

        def idx_row(t):
            return idx_v.at[lax.shift_right_logical(t, 3), lax.bitwise_and(t, 7)]

        def start_gather(t, gbuf, gsem):
            pltpu.async_copy(tab_hbm.at[idx_row(t)], gbuf, gsem)

        def wait_gather(t, gbuf, gsem):
            pltpu.make_async_copy(tab_hbm.at[idx_row(t)], gbuf, gsem).wait()

        def start_write(t, obuf, wsem):
            pltpu.async_copy(obuf, out_hbm.at[t, :, w, :, :], wsem)

        def wait_write(t, obuf, wsem):
            pltpu.make_async_copy(obuf, out_hbm.at[t, :, w, :, :], wsem).wait()

        def transpose_add(t, gbuf, obuf):
            t_splat = jnp.full((_L,), 0, dtype=jnp.int32) + t

            @plsc.parallel_loop(0, _L, unroll=2)
            def _diag_s(sft):
                rot = lax.bitwise_and(lane + sft, _L - 1)
                for q in range(D // _L):
                    col_ids = rot + q * _L
                    p = plsc.load_gather(pos_v, [t_splat, col_ids])
                    cb_ids = lax.shift_right_logical(col_ids, 3)
                    ci_ids = lax.bitwise_and(col_ids, 7)
                    for bg in range(NG):
                        v = plsc.load_gather(gbuf, [row_ids[bg], col_ids])
                        plsc.store_scatter(
                            obuf, [cb_ids, ci_ids, row_ids[bg]], v + p)

        start_gather(0, gbuf0, g_sem0)
        start_gather(1, gbuf1, g_sem1)

        def pair_body(k, carry):
            t0 = 2 * k
            t1 = t0 + 1

            wait_gather(t0, gbuf0, g_sem0)

            @pl.when(k > 0)
            def _():
                wait_write(t0 - 2, obuf0, w_sem0)

            transpose_add(t0, gbuf0, obuf0)
            start_write(t0, obuf0, w_sem0)

            @pl.when(k < KP - 1)
            def _():
                start_gather(t0 + 2, gbuf0, g_sem0)

            wait_gather(t1, gbuf1, g_sem1)

            @pl.when(k > 0)
            def _():
                wait_write(t1 - 2, obuf1, w_sem1)

            transpose_add(t1, gbuf1, obuf1)
            start_write(t1, obuf1, w_sem1)

            @pl.when(k < KP - 1)
            def _():
                start_gather(t1 + 2, gbuf1, g_sem1)

            return carry

        lax.fori_loop(0, KP, pair_body, 0)

        wait_write(T - 2, obuf0, w_sem0)
        wait_write(T - 1, obuf1, w_sem1)

    return emb_kernel(tokens4, token_table, position_embedding)


def kernel(tokens, token_table, position_embedding):
    B, T = tokens.shape
    D = token_table.shape[1]
    tp = T + (-T) % 8
    tokens_p = jnp.pad(tokens.T.astype(jnp.int32), ((0, tp - T), (0, 0)))
    tokens4 = (tokens_p.reshape(tp // 8, 8, B // 128, 128)
               .transpose(0, 2, 1, 3))
    out5 = _embedding_lookup(tokens4, token_table, position_embedding, T)
    return out5.transpose(2, 4, 0, 1, 3).reshape(B, T, D)

# --- scband reference (transcript-rebuilt; emitter-appended) ---
"""Pipeline reference for scband-clipembedding-6150393168633 (READ-ONLY COPY).

The authoritative reference and input builder live on the scoring server;
editing this copy changes nothing except your own understanding.
"""

import jax, jax.numpy as jnp
import numpy as np

N_VOCAB = 100000
N_EMBD = 64
N_TOKENS = 50
BATCH = 4096

def setup_inputs(seed: int = 0) -> dict:
    key = jax.random.key(seed)
    k_tok, k_tab, k_pos = jax.random.split(key, 3)
    tokens = jax.random.randint(k_tok, (BATCH, N_TOKENS), 0, N_VOCAB, dtype=jnp.int64 if jax.config.jax_enable_x64 else jnp.int32)
    token_table = jax.random.normal(k_tab, (N_VOCAB, N_EMBD), dtype=jnp.float32) * 0.02
    position_embedding = jax.random.normal(k_pos, (N_TOKENS, N_EMBD), dtype=jnp.float32) * 0.02
    return {"tokens": tokens, "token_table": token_table, "position_embedding": position_embedding}

def reference(tokens, token_table, position_embedding):
    # x = token_embedding(tokens)
    x = jnp.take(token_table, tokens, axis=0)  # [B, n_tokens, n_embd]
    # x += position_embedding (broadcast over batch)
    x = x + position_embedding[None, :, :]
    return x

if __name__ == "__main__":
    import jax
    _d = setup_inputs()
    print(jax.jit(kernel)(*tuple(_d.values())))

</pallas_src>

<mosaic_0001>
#map = affine_map<(d0, d1) -> (0, 0, 0, 0)>
#map1 = affine_map<(d0, d1) -> (0, 0)>
#map2 = affine_map<(d0, d1) -> (0, 0, 0, 0, 0)>
module attributes {stable_mosaic.version = 14 : i64} {
  func.func @emb_kernel(%arg0: i32, %arg1: i32, %arg2: memref<7x32x8x128xi32, #tpu.memory_space<hbm>>, %arg3: memref<100000x64xf32, #tpu.memory_space<hbm>>, %arg4: memref<50x64xf32, #tpu.memory_space<hbm>>, %arg5: memref<50x8x32x8x128xf32, #tpu.memory_space<hbm>>, %arg6: memref<7x8x128xi32, #tpu.memory_space<vmem>>, %arg7: memref<128x64xf32, #tpu.memory_space<vmem>>, %arg8: memref<128x64xf32, #tpu.memory_space<vmem>>, %arg9: memref<8x8x128xf32, #tpu.memory_space<vmem>>, %arg10: memref<8x8x128xf32, #tpu.memory_space<vmem>>, %arg11: memref<50x64xf32, #tpu.memory_space<vmem>>, %arg12: memref<!tpu.dma_semaphore, #tpu.memory_space<semaphore_mem>>, %arg13: memref<!tpu.dma_semaphore, #tpu.memory_space<semaphore_mem>>, %arg14: memref<!tpu.dma_semaphore, #tpu.memory_space<semaphore_mem>>, %arg15: memref<!tpu.dma_semaphore, #tpu.memory_space<semaphore_mem>>) attributes {dimension_semantics = [#tpu.dimension_semantics<core_parallel>, #tpu.dimension_semantics<subcore_parallel>], iteration_bounds = array<i64: 2, 16>, scalar_prefetch = 0 : i64, scratch_operands = 10 : i64, tpu.core_type = #tpu.core_type<sc_vector_subcore>, window_params = [{transform_indices = #map}, {transform_indices = #map1}, {transform_indices = #map1}, {transform_indices = #map2}]} {
    %mul3A = arith.constant 2 : i32
    %mul3A_0 = arith.muli %arg1, %mul3A : i32
    %add3A = arith.addi %mul3A_0, %arg0 : i32
    "tpu.region"() ({
      %run_scoped3A = tpu.sem_alloc : memref<!tpu.dma_semaphore, #tpu.memory_space<semaphore_mem>>
      %dma_start3A_72 = arith.constant 0 : i32
      %dma_start3A_73 = arith.constant 0 : i32
      %dma_start3A_74 = arith.constant 0 : i32
      %dma_start3A_75 = tpu.memref_slice %arg2[%dma_start3A_72, %add3A, %dma_start3A_73, %dma_start3A_74] : memref<7x32x8x128xi32, #tpu.memory_space<hbm>> -> memref<7x1x8x128xi32, #tpu.memory_space<hbm>>
      %dma_start3A_76 = tpu.memref_squeeze %dma_start3A_75 : memref<7x1x8x128xi32, #tpu.memory_space<hbm>> -> memref<7x8x128xi32, #tpu.memory_space<hbm>>
      %dma_start3A_77 = arith.constant 0 : i32
      %dma_start3A_78 = arith.constant 0 : i32
      %dma_start3A_79 = arith.constant 0 : i32
      %dma_start3A_80 = tpu.memref_slice %arg2[%dma_start3A_77, %add3A, %dma_start3A_78, %dma_start3A_79] : memref<7x32x8x128xi32, #tpu.memory_space<hbm>> -> memref<7x1x8x128xi32, #tpu.memory_space<hbm>>
      %dma_start3A_81 = tpu.memref_squeeze %dma_start3A_80 : memref<7x1x8x128xi32, #tpu.memory_space<hbm>> -> memref<7x8x128xi32, #tpu.memory_space<hbm>>
      tpu.enqueue_dma source(%dma_start3A_81 : memref<7x8x128xi32, #tpu.memory_space<hbm>>) target(%arg6 : memref<7x8x128xi32, #tpu.memory_space<vmem>>) target_semaphore(%run_scoped3A : memref<!tpu.dma_semaphore, #tpu.memory_space<semaphore_mem>>)
      %dma_wait3A_82 = arith.constant 0 : i32
      %dma_wait3A_83 = arith.constant 0 : i32
      %dma_wait3A_84 = arith.constant 0 : i32
      %dma_wait3A_85 = tpu.memref_slice %arg2[%dma_wait3A_82, %add3A, %dma_wait3A_83, %dma_wait3A_84] : memref<7x32x8x128xi32, #tpu.memory_space<hbm>> -> memref<7x1x8x128xi32, #tpu.memory_space<hbm>>
      %dma_wait3A_86 = tpu.memref_squeeze %dma_wait3A_85 : memref<7x1x8x128xi32, #tpu.memory_space<hbm>> -> memref<7x8x128xi32, #tpu.memory_space<hbm>>
      %dma_wait3A_87 = arith.constant 0 : i32
      %dma_wait3A_88 = arith.constant 0 : i32
      %dma_wait3A_89 = arith.constant 0 : i32
      %dma_wait3A_90 = tpu.memref_slice %arg2[%dma_wait3A_87, %add3A, %dma_wait3A_88, %dma_wait3A_89] : memref<7x32x8x128xi32, #tpu.memory_space<hbm>> -> memref<7x1x8x128xi32, #tpu.memory_space<hbm>>
      %dma_wait3A_91 = tpu.memref_squeeze %dma_wait3A_90 : memref<7x1x8x128xi32, #tpu.memory_space<hbm>> -> memref<7x8x128xi32, #tpu.memory_space<hbm>>
      tpu.wait_dma2 semaphore(%run_scoped3A : memref<!tpu.dma_semaphore, #tpu.memory_space<semaphore_mem>>) src(%dma_wait3A_91 : memref<7x8x128xi32, #tpu.memory_space<hbm>>) dst(%arg6 : memref<7x8x128xi32, #tpu.memory_space<vmem>>)
      tpu.yield
    }) : () -> ()
    "tpu.region"() ({
      %run_scoped3A = tpu.sem_alloc : memref<!tpu.dma_semaphore, #tpu.memory_space<semaphore_mem>>
      tpu.enqueue_dma source(%arg4 : memref<50x64xf32, #tpu.memory_space<hbm>>) target(%arg11 : memref<50x64xf32, #tpu.memory_space<vmem>>) target_semaphore(%run_scoped3A : memref<!tpu.dma_semaphore, #tpu.memory_space<semaphore_mem>>)
      tpu.wait_dma2 semaphore(%run_scoped3A : memref<!tpu.dma_semaphore, #tpu.memory_space<semaphore_mem>>) src(%arg4 : memref<50x64xf32, #tpu.memory_space<hbm>>) dst(%arg11 : memref<50x64xf32, #tpu.memory_space<vmem>>)
      tpu.yield
    }) : () -> ()
    %iota3A = tpu.iota {dimensions = array<i32: 0>} : vector<16xi32>
    %add3A_1 = arith.constant 0 : i32
    %add3A_2 = vector.broadcast %add3A_1 : i32 to vector<16xi32>
    %add3A_3 = arith.addi %iota3A, %add3A_2 : vector<16xi32>
    %add3A_4 = arith.constant 16 : i32
    %add3A_5 = vector.broadcast %add3A_4 : i32 to vector<16xi32>
    %add3A_6 = arith.addi %iota3A, %add3A_5 : vector<16xi32>
    %add3A_7 = arith.constant 32 : i32
    %add3A_8 = vector.broadcast %add3A_7 : i32 to vector<16xi32>
    %add3A_9 = arith.addi %iota3A, %add3A_8 : vector<16xi32>
    %add3A_10 = arith.constant 48 : i32
    %add3A_11 = vector.broadcast %add3A_10 : i32 to vector<16xi32>
    %add3A_12 = arith.addi %iota3A, %add3A_11 : vector<16xi32>
    %add3A_13 = arith.constant 64 : i32
    %add3A_14 = vector.broadcast %add3A_13 : i32 to vector<16xi32>
    %add3A_15 = arith.addi %iota3A, %add3A_14 : vector<16xi32>
    %add3A_16 = arith.constant 80 : i32
    %add3A_17 = vector.broadcast %add3A_16 : i32 to vector<16xi32>
    %add3A_18 = arith.addi %iota3A, %add3A_17 : vector<16xi32>
    %add3A_19 = arith.constant 96 : i32
    %add3A_20 = vector.broadcast %add3A_19 : i32 to vector<16xi32>
    %add3A_21 = arith.addi %iota3A, %add3A_20 : vector<16xi32>
    %add3A_22 = arith.constant 112 : i32
    %add3A_23 = vector.broadcast %add3A_22 : i32 to vector<16xi32>
    %add3A_24 = arith.addi %iota3A, %add3A_23 : vector<16xi32>
    %shift_right_logical3A = arith.constant 0 : i32
    %shift_right_logical3A_25 = arith.constant 3 : i32
    %shift_right_logical3A_26 = arith.shrui %shift_right_logical3A, %shift_right_logical3A_25 : i32
    %and3A = arith.constant 0 : i32
    %and3A_27 = arith.constant 7 : i32
    %and3A_28 = arith.andi %and3A, %and3A_27 : i32
    %dma_start3A = arith.constant 0 : i32
    %dma_start3A_29 = tpu.memref_slice %arg6[%shift_right_logical3A_26, %and3A_28, %dma_start3A] : memref<7x8x128xi32, #tpu.memory_space<vmem>> -> memref<1x1x128xi32, #tpu.memory_space<vmem>>
    %dma_start3A_30 = tpu.memref_squeeze %dma_start3A_29 : memref<1x1x128xi32, #tpu.memory_space<vmem>> -> memref<128xi32, #tpu.memory_space<vmem>>
    %dma_start3A_31 = arith.constant 0 : i32
    %dma_start3A_32 = arith.constant 0 : i32
    %dma_start3A_33 = tpu.memref_slice %arg3[%dma_start3A_31, %dma_start3A_32] : memref<100000x64xf32, #tpu.memory_space<hbm>> -> memref<100000x64xf32, #tpu.memory_space<hbm>>
    tpu.enqueue_indirect_dma source(%dma_start3A_33 : memref<100000x64xf32, #tpu.memory_space<hbm>>) target(%arg7 : memref<128x64xf32, #tpu.memory_space<vmem>>) offsets(%dma_start3A_30 : memref<128xi32, #tpu.memory_space<vmem>>) semaphore(%arg12 : memref<!tpu.dma_semaphore, #tpu.memory_space<semaphore_mem>>)
    %shift_right_logical3A_34 = arith.constant 1 : i32
    %shift_right_logical3A_35 = arith.constant 3 : i32
    %shift_right_logical3A_36 = arith.shrui %shift_right_logical3A_34, %shift_right_logical3A_35 : i32
    %and3A_37 = arith.constant 1 : i32
    %and3A_38 = arith.constant 7 : i32
    %and3A_39 = arith.andi %and3A_37, %and3A_38 : i32
    %dma_start3A_40 = arith.constant 0 : i32
    %dma_start3A_41 = tpu.memref_slice %arg6[%shift_right_logical3A_36, %and3A_39, %dma_start3A_40] : memref<7x8x128xi32, #tpu.memory_space<vmem>> -> memref<1x1x128xi32, #tpu.memory_space<vmem>>
    %dma_start3A_42 = tpu.memref_squeeze %dma_start3A_41 : memref<1x1x128xi32, #tpu.memory_space<vmem>> -> memref<128xi32, #tpu.memory_space<vmem>>
    %dma_start3A_43 = arith.constant 0 : i32
    %dma_start3A_44 = arith.constant 0 : i32
    %dma_start3A_45 = tpu.memref_slice %arg3[%dma_start3A_43, %dma_start3A_44] : memref<100000x64xf32, #tpu.memory_space<hbm>> -> memref<100000x64xf32, #tpu.memory_space<hbm>>
    tpu.enqueue_indirect_dma source(%dma_start3A_45 : memref<100000x64xf32, #tpu.memory_space<hbm>>) target(%arg8 : memref<128x64xf32, #tpu.memory_space<vmem>>) offsets(%dma_start3A_42 : memref<128xi32, #tpu.memory_space<vmem>>) semaphore(%arg13 : memref<!tpu.dma_semaphore, #tpu.memory_space<semaphore_mem>>)
    %scan3A = arith.constant 0 : i32
    %scan3A_46 = arith.constant 0 : i32
    %scan3A_47 = arith.constant 25 : i32
    %scan3A_48 = arith.addi %scan3A_46, %scan3A_47 : i32
    %scan3A_49 = arith.constant 1 : i32
    scf.for %scan3A_72 = %scan3A_46 to %scan3A_48 step %scan3A_49  : i32 {
      %mul3A_73 = arith.constant 2 : i32
      %mul3A_74 = arith.muli %mul3A_73, %scan3A_72 : i32
      %add3A_75 = arith.constant 1 : i32
      %add3A_76 = arith.addi %mul3A_74, %add3A_75 : i32
      %shift_right_logical3A_77 = arith.constant 3 : i32
      %shift_right_logical3A_78 = arith.shrui %mul3A_74, %shift_right_logical3A_77 : i32
      %and3A_79 = arith.constant 7 : i32
      %and3A_80 = arith.andi %mul3A_74, %and3A_79 : i32
      %dma_wait3A_81 = arith.constant 0 : i32
      %dma_wait3A_82 = tpu.memref_slice %arg6[%shift_right_logical3A_78, %and3A_80, %dma_wait3A_81] : memref<7x8x128xi32, #tpu.memory_space<vmem>> -> memref<1x1x128xi32, #tpu.memory_space<vmem>>
      %dma_wait3A_83 = tpu.memref_squeeze %dma_wait3A_82 : memref<1x1x128xi32, #tpu.memory_space<vmem>> -> memref<128xi32, #tpu.memory_space<vmem>>
      %dma_wait3A_84 = arith.constant 0 : i32
      %dma_wait3A_85 = arith.constant 0 : i32
      %dma_wait3A_86 = tpu.memref_slice %arg3[%dma_wait3A_84, %dma_wait3A_85] : memref<100000x64xf32, #tpu.memory_space<hbm>> -> memref<100000x64xf32, #tpu.memory_space<hbm>>
      tpu.wait_indirect_dma semaphore(%arg12 : memref<!tpu.dma_semaphore, #tpu.memory_space<semaphore_mem>>) src(%dma_wait3A_86 : memref<100000x64xf32, #tpu.memory_space<hbm>>) dst(%arg7 : memref<128x64xf32, #tpu.memory_space<vmem>>)
      %gt3A = arith.constant 0 : i32
      %gt3A_87 = arith.cmpi sgt, %scan3A_72, %gt3A : i32
      %convert_element_type3A = arith.extui %gt3A_87 : i1 to i32
      %cond3A = arith.constant 0 : i32
      %cond3A_88 = arith.cmpi ne, %convert_element_type3A, %cond3A : i32
      scf.if %cond3A_88 {
        %sub3A = arith.constant 2 : i32
        %sub3A_145 = arith.subi %mul3A_74, %sub3A : i32
        %dma_wait3A_146 = arith.constant 0 : i32
        %dma_wait3A_147 = arith.constant 0 : i32
        %dma_wait3A_148 = arith.constant 0 : i32
        %dma_wait3A_149 = tpu.memref_slice %arg5[%sub3A_145, %dma_wait3A_146, %add3A, %dma_wait3A_147, %dma_wait3A_148] : memref<50x8x32x8x128xf32, #tpu.memory_space<hbm>> -> memref<1x8x1x8x128xf32, #tpu.memory_space<hbm>>
        %dma_wait3A_150 = tpu.memref_squeeze %dma_wait3A_149 : memref<1x8x1x8x128xf32, #tpu.memory_space<hbm>> -> memref<8x8x128xf32, #tpu.memory_space<hbm>>
        %dma_wait3A_151 = arith.constant 0 : i32
        %dma_wait3A_152 = arith.constant 0 : i32
        %dma_wait3A_153 = arith.constant 0 : i32
        %dma_wait3A_154 = tpu.memref_slice %arg5[%sub3A_145, %dma_wait3A_151, %add3A, %dma_wait3A_152, %dma_wait3A_153] : memref<50x8x32x8x128xf32, #tpu.memory_space<hbm>> -> memref<1x8x1x8x128xf32, #tpu.memory_space<hbm>>
        %dma_wait3A_155 = tpu.memref_squeeze %dma_wait3A_154 : memref<1x8x1x8x128xf32, #tpu.memory_space<hbm>> -> memref<8x8x128xf32, #tpu.memory_space<hbm>>
        tpu.wait_dma2 semaphore(%arg14 : memref<!tpu.dma_semaphore, #tpu.memory_space<semaphore_mem>>) src(%arg9 : memref<8x8x128xf32, #tpu.memory_space<vmem>>) dst(%dma_wait3A_155 : memref<8x8x128xf32, #tpu.memory_space<hbm>>)
      } else {
      }
      %broadcast_in_dim3A = arith.constant 0 : i32
      %broadcast_in_dim3A_89 = vector.broadcast %broadcast_in_dim3A : i32 to vector<16xi32>
      %add3A_90 = vector.broadcast %mul3A_74 : i32 to vector<16xi32>
      %add3A_91 = arith.addi %broadcast_in_dim3A_89, %add3A_90 : vector<16xi32>
      %parallel_loop3A = arith.constant 0 : i32
      %parallel_loop3A_92 = arith.constant 16 : i32
      %parallel_loop3A_93 = arith.constant 1 : i32
      scf.for %parallel_loop3A_145 = %parallel_loop3A to %parallel_loop3A_92 step %parallel_loop3A_93  : i32 {
        %parallel_loop3A_146 = vector.broadcast %parallel_loop3A_145 : i32 to vector<16xi32>
        %parallel_loop3A_147 = arith.addi %iota3A, %parallel_loop3A_146 : vector<16xi32>
        %parallel_loop3A_148 = arith.constant 15 : i32
        %parallel_loop3A_149 = vector.broadcast %parallel_loop3A_148 : i32 to vector<16xi32>
        %parallel_loop3A_150 = arith.andi %parallel_loop3A_147, %parallel_loop3A_149 : vector<16xi32>
        %parallel_loop3A_151 = arith.constant 0 : i32
        %parallel_loop3A_152 = vector.broadcast %parallel_loop3A_151 : i32 to vector<16xi32>
        %parallel_loop3A_153 = arith.addi %parallel_loop3A_150, %parallel_loop3A_152 : vector<16xi32>
        %parallel_loop3A_154 = tpu.vector_load_idx %arg11[%add3A_91, %parallel_loop3A_153] : memref<50x64xf32, #tpu.memory_space<vmem>>[vector<16xi32>, vector<16xi32>], vector<16xf32>,
        %parallel_loop3A_155 = arith.constant 3 : i32
        %parallel_loop3A_156 = vector.broadcast %parallel_loop3A_155 : i32 to vector<16xi32>
        %parallel_loop3A_157 = arith.shrui %parallel_loop3A_153, %parallel_loop3A_156 : vector<16xi32>
        %parallel_loop3A_158 = arith.constant 7 : i32
        %parallel_loop3A_159 = vector.broadcast %parallel_loop3A_158 : i32 to vector<16xi32>
        %parallel_loop3A_160 = arith.andi %parallel_loop3A_153, %parallel_loop3A_159 : vector<16xi32>
        %parallel_loop3A_161 = tpu.vector_load_idx %arg7[%add3A_3, %parallel_loop3A_153] : memref<128x64xf32, #tpu.memory_space<vmem>>[vector<16xi32>, vector<16xi32>], vector<16xf32>,
        %parallel_loop3A_162 = arith.addf %parallel_loop3A_161, %parallel_loop3A_154 : vector<16xf32>
        tpu.vector_store_idx %arg9[%parallel_loop3A_157, %parallel_loop3A_160, %add3A_3], %parallel_loop3A_162 : memref<8x8x128xf32, #tpu.memory_space<vmem>>[vector<16xi32>, vector<16xi32>, vector<16xi32>], vector<16xf32>,
        %parallel_loop3A_163 = tpu.vector_load_idx %arg7[%add3A_6, %parallel_loop3A_153] : memref<128x64xf32, #tpu.memory_space<vmem>>[vector<16xi32>, vector<16xi32>], vector<16xf32>,
        %parallel_loop3A_164 = arith.addf %parallel_loop3A_163, %parallel_loop3A_154 : vector<16xf32>
        tpu.vector_store_idx %arg9[%parallel_loop3A_157, %parallel_loop3A_160, %add3A_6], %parallel_loop3A_164 : memref<8x8x128xf32, #tpu.memory_space<vmem>>[vector<16xi32>, vector<16xi32>, vector<16xi32>], vector<16xf32>,
        %parallel_loop3A_165 = tpu.vector_load_idx %arg7[%add3A_9, %parallel_loop3A_153] : memref<128x64xf32, #tpu.memory_space<vmem>>[vector<16xi32>, vector<16xi32>], vector<16xf32>,
        %parallel_loop3A_166 = arith.addf %parallel_loop3A_165, %parallel_loop3A_154 : vector<16xf32>
        tpu.vector_store_idx %arg9[%parallel_loop3A_157, %parallel_loop3A_160, %add3A_9], %parallel_loop3A_166 : memref<8x8x128xf32, #tpu.memory_space<vmem>>[vector<16xi32>, vector<16xi32>, vector<16xi32>], vector<16xf32>,
        %parallel_loop3A_167 = tpu.vector_load_idx %arg7[%add3A_12, %parallel_loop3A_153] : memref<128x64xf32, #tpu.memory_space<vmem>>[vector<16xi32>, vector<16xi32>], vector<16xf32>,
        %parallel_loop3A_168 = arith.addf %parallel_loop3A_167, %parallel_loop3A_154 : vector<16xf32>
        tpu.vector_store_idx %arg9[%parallel_loop3A_157, %parallel_loop3A_160, %add3A_12], %parallel_loop3A_168 : memref<8x8x128xf32, #tpu.memory_space<vmem>>[vector<16xi32>, vector<16xi32>, vector<16xi32>], vector<16xf32>,
        %parallel_loop3A_169 = tpu.vector_load_idx %arg7[%add3A_15, %parallel_loop3A_153] : memref<128x64xf32, #tpu.memory_space<vmem>>[vector<16xi32>, vector<16xi32>], vector<16xf32>,
        %parallel_loop3A_170 = arith.addf %parallel_loop3A_169, %parallel_loop3A_154 : vector<16xf32>
        tpu.vector_store_idx %arg9[%parallel_loop3A_157, %parallel_loop3A_160, %add3A_15], %parallel_loop3A_170 : memref<8x8x128xf32, #tpu.memory_space<vmem>>[vector<16xi32>, vector<16xi32>, vector<16xi32>], vector<16xf32>,
        %parallel_loop3A_171 = tpu.vector_load_idx %arg7[%add3A_18, %parallel_loop3A_153] : memref<128x64xf32, #tpu.memory_space<vmem>>[vector<16xi32>, vector<16xi32>], vector<16xf32>,
        %parallel_loop3A_172 = arith.addf %parallel_loop3A_171, %parallel_loop3A_154 : vector<16xf32>
        tpu.vector_store_idx %arg9[%parallel_loop3A_157, %parallel_loop3A_160, %add3A_18], %parallel_loop3A_172 : memref<8x8x128xf32, #tpu.memory_space<vmem>>[vector<16xi32>, vector<16xi32>, vector<16xi32>], vector<16xf32>,
        %parallel_loop3A_173 = tpu.vector_load_idx %arg7[%add3A_21, %parallel_loop3A_153] : memref<128x64xf32, #tpu.memory_space<vmem>>[vector<16xi32>, vector<16xi32>], vector<16xf32>,
        %parallel_loop3A_174 = arith.addf %parallel_loop3A_173, %parallel_loop3A_154 : vector<16xf32>
        tpu.vector_store_idx %arg9[%parallel_loop3A_157, %parallel_loop3A_160, %add3A_21], %parallel_loop3A_174 : memref<8x8x128xf32, #tpu.memory_space<vmem>>[vector<16xi32>, vector<16xi32>, vector<16xi32>], vector<16xf32>,
        %parallel_loop3A_175 = tpu.vector_load_idx %arg7[%add3A_24, %parallel_loop3A_153] : memref<128x64xf32, #tpu.memory_space<vmem>>[vector<16xi32>, vector<16xi32>], vector<16xf32>,
        %parallel_loop3A_176 = arith.addf %parallel_loop3A_175, %parallel_loop3A_154 : vector<16xf32>
        tpu.vector_store_idx %arg9[%parallel_loop3A_157, %parallel_loop3A_160, %add3A_24], %parallel_loop3A_176 : memref<8x8x128xf32, #tpu.memory_space<vmem>>[vector<16xi32>, vector<16xi32>, vector<16xi32>], vector<16xf32>,
        %parallel_loop3A_177 = arith.constant 16 : i32
        %parallel_loop3A_178 = vector.broadcast %parallel_loop3A_177 : i32 to vector<16xi32>
        %parallel_loop3A_179 = arith.addi %parallel_loop3A_150, %parallel_loop3A_178 : vector<16xi32>
        %parallel_loop3A_180 = tpu.vector_load_idx %arg11[%add3A_91, %parallel_loop3A_179] : memref<50x64xf32, #tpu.memory_space<vmem>>[vector<16xi32>, vector<16xi32>], vector<16xf32>,
        %parallel_loop3A_181 = arith.constant 3 : i32
        %parallel_loop3A_182 = vector.broadcast %parallel_loop3A_181 : i32 to vector<16xi32>
        %parallel_loop3A_183 = arith.shrui %parallel_loop3A_179, %parallel_loop3A_182 : vector<16xi32>
        %parallel_loop3A_184 = arith.constant 7 : i32
        %parallel_loop3A_185 = vector.broadcast %parallel_loop3A_184 : i32 to vector<16xi32>
        %parallel_loop3A_186 = arith.andi %parallel_loop3A_179, %parallel_loop3A_185 : vector<16xi32>
        %parallel_loop3A_187 = tpu.vector_load_idx %arg7[%add3A_3, %parallel_loop3A_179] : memref<128x64xf32, #tpu.memory_space<vmem>>[vector<16xi32>, vector<16xi32>], vector<16xf32>,
        %parallel_loop3A_188 = arith.addf %parallel_loop3A_187, %parallel_loop3A_180 : vector<16xf32>
        tpu.vector_store_idx %arg9[%parallel_loop3A_183, %parallel_loop3A_186, %add3A_3], %parallel_loop3A_188 : memref<8x8x128xf32, #tpu.memory_space<vmem>>[vector<16xi32>, vector<16xi32>, vector<16xi32>], vector<16xf32>,
        %parallel_loop3A_189 = tpu.vector_load_idx %arg7[%add3A_6, %parallel_loop3A_179] : memref<128x64xf32, #tpu.memory_space<vmem>>[vector<16xi32>, vector<16xi32>], vector<16xf32>,
        %parallel_loop3A_190 = arith.addf %parallel_loop3A_189, %parallel_loop3A_180 : vector<16xf32>
        tpu.vector_store_idx %arg9[%parallel_loop3A_183, %parallel_loop3A_186, %add3A_6], %parallel_loop3A_190 : memref<8x8x128xf32, #tpu.memory_space<vmem>>[vector<16xi32>, vector<16xi32>, vector<16xi32>], vector<16xf32>,
        %parallel_loop3A_191 = tpu.vector_load_idx %arg7[%add3A_9, %parallel_loop3A_179] : memref<128x64xf32, #tpu.memory_space<vmem>>[vector<16xi32>, vector<16xi32>], vector<16xf32>,
        %parallel_loop3A_192 = arith.addf %parallel_loop3A_191, %parallel_loop3A_180 : vector<16xf32>
        tpu.vector_store_idx %arg9[%parallel_loop3A_183, %parallel_loop3A_186, %add3A_9], %parallel_loop3A_192 : memref<8x8x128xf32, #tpu.memory_space<vmem>>[vector<16xi32>, vector<16xi32>, vector<16xi32>], vector<16xf32>,
        %parallel_loop3A_193 = tpu.vector_load_idx %arg7[%add3A_12, %parallel_loop3A_179] : memref<128x64xf32, #tpu.memory_space<vmem>>[vector<16xi32>, vector<16xi32>], vector<16xf32>,
        %parallel_loop3A_194 = arith.addf %parallel_loop3A_193, %parallel_loop3A_180 : vector<16xf32>
        tpu.vector_store_idx %arg9[%parallel_loop3A_183, %parallel_loop3A_186, %add3A_12], %parallel_loop3A_194 : memref<8x8x128xf32, #tpu.memory_space<vmem>>[vector<16xi32>, vector<16xi32>, vector<16xi32>], vector<16xf32>,
        %parallel_loop3A_195 = tpu.vector_load_idx %arg7[%add3A_15, %parallel_loop3A_179] : memref<128x64xf32, #tpu.memory_space<vmem>>[vector<16xi32>, vector<16xi32>], vector<16xf32>,
        %parallel_loop3A_196 = arith.addf %parallel_loop3A_195, %parallel_loop3A_180 : vector<16xf32>
        tpu.vector_store_idx %arg9[%parallel_loop3A_183, %parallel_loop3A_186, %add3A_15], %parallel_loop3A_196 : memref<8x8x128xf32, #tpu.memory_space<vmem>>[vector<16xi32>, vector<16xi32>, vector<16xi32>], vector<16xf32>,
        %parallel_loop3A_197 = tpu.vector_load_idx %arg7[%add3A_18, %parallel_loop3A_179] : memref<128x64xf32, #tpu.memory_space<vmem>>[vector<16xi32>, vector<16xi32>], vector<16xf32>,
        %parallel_loop3A_198 = arith.addf %parallel_loop3A_197, %parallel_loop3A_180 : vector<16xf32>
        tpu.vector_store_idx %arg9[%parallel_loop3A_183, %parallel_loop3A_186, %add3A_18], %parallel_loop3A_198 : memref<8x8x128xf32, #tpu.memory_space<vmem>>[vector<16xi32>, vector<16xi32>, vector<16xi32>], vector<16xf32>,
        %parallel_loop3A_199 = tpu.vector_load_idx %arg7[%add3A_21, %parallel_loop3A_179] : memref<128x64xf32, #tpu.memory_space<vmem>>[vector<16xi32>, vector<16xi32>], vector<16xf32>,
        %parallel_loop3A_200 = arith.addf %parallel_loop3A_199, %parallel_loop3A_180 : vector<16xf32>
        tpu.vector_store_idx %arg9[%parallel_loop3A_183, %parallel_loop3A_186, %add3A_21], %parallel_loop3A_200 : memref<8x8x128xf32, #tpu.memory_space<vmem>>[vector<16xi32>, vector<16xi32>, vector<16xi32>], vector<16xf32>,
        %parallel_loop3A_201 = tpu.vector_load_idx %arg7[%add3A_24, %parallel_loop3A_179] : memref<128x64xf32, #tpu.memory_space<vmem>>[vector<16xi32>, vector<16xi32>], vector<16xf32>,
        %parallel_loop3A_202 = arith.addf %parallel_loop3A_201, %parallel_loop3A_180 : vector<16xf32>
        tpu.vector_store_idx %arg9[%parallel_loop3A_183, %parallel_loop3A_186, %add3A_24], %parallel_loop3A_202 : memref<8x8x128xf32, #tpu.memory_space<vmem>>[vector<16xi32>, vector<16xi32>, vector<16xi32>], vector<16xf32>,
        %parallel_loop3A_203 = arith.constant 32 : i32
        %parallel_loop3A_204 = vector.broadcast %parallel_loop3A_203 : i32 to vector<16xi32>
        %parallel_loop3A_205 = arith.addi %parallel_loop3A_150, %parallel_loop3A_204 : vector<16xi32>
        %parallel_loop3A_206 = tpu.vector_load_idx %arg11[%add3A_91, %parallel_loop3A_205] : memref<50x64xf32, #tpu.memory_space<vmem>>[vector<16xi32>, vector<16xi32>], vector<16xf32>,
        %parallel_loop3A_207 = arith.constant 3 : i32
        %parallel_loop3A_208 = vector.broadcast %parallel_loop3A_207 : i32 to vector<16xi32>
        %parallel_loop3A_209 = arith.shrui %parallel_loop3A_205, %parallel_loop3A_208 : vector<16xi32>
        %parallel_loop3A_210 = arith.constant 7 : i32
        %parallel_loop3A_211 = vector.broadcast %parallel_loop3A_210 : i32 to vector<16xi32>
        %parallel_loop3A_212 = arith.andi %parallel_loop3A_205, %parallel_loop3A_211 : vector<16xi32>
        %parallel_loop3A_213 = tpu.vector_load_idx %arg7[%add3A_3, %parallel_loop3A_205] : memref<128x64xf32, #tpu.memory_space<vmem>>[vector<16xi32>, vector<16xi32>], vector<16xf32>,
        %parallel_loop3A_214 = arith.addf %parallel_loop3A_213, %parallel_loop3A_206 : vector<16xf32>
        tpu.vector_store_idx %arg9[%parallel_loop3A_209, %parallel_loop3A_212, %add3A_3], %parallel_loop3A_214 : memref<8x8x128xf32, #tpu.memory_space<vmem>>[vector<16xi32>, vector<16xi32>, vector<16xi32>], vector<16xf32>,
        %parallel_loop3A_215 = tpu.vector_load_idx %arg7[%add3A_6, %parallel_loop3A_205] : memref<128x64xf32, #tpu.memory_space<vmem>>[vector<16xi32>, vector<16xi32>], vector<16xf32>,
        %parallel_loop3A_216 = arith.addf %parallel_loop3A_215, %parallel_loop3A_206 : vector<16xf32>
        tpu.vector_store_idx %arg9[%parallel_loop3A_209, %parallel_loop3A_212, %add3A_6], %parallel_loop3A_216 : memref<8x8x128xf32, #tpu.memory_space<vmem>>[vector<16xi32>, vector<16xi32>, vector<16xi32>], vector<16xf32>,
        %parallel_loop3A_217 = tpu.vector_load_idx %arg7[%add3A_9, %parallel_loop3A_205] : memref<128x64xf32, #tpu.memory_space<vmem>>[vector<16xi32>, vector<16xi32>], vector<16xf32>,
        %parallel_loop3A_218 = arith.addf %parallel_loop3A_217, %parallel_loop3A_206 : vector<16xf32>
        tpu.vector_store_idx %arg9[%parallel_loop3A_209, %parallel_loop3A_212, %add3A_9], %parallel_loop3A_218 : memref<8x8x128xf32, #tpu.memory_space<vmem>>[vector<16xi32>, vector<16xi32>, vector<16xi32>], vector<16xf32>,
        %parallel_loop3A_219 = tpu.vector_load_idx %arg7[%add3A_12, %parallel_loop3A_205] : memref<128x64xf32, #tpu.memory_space<vmem>>[vector<16xi32>, vector<16xi32>], vector<16xf32>,
        %parallel_loop3A_220 = arith.addf %parallel_loop3A_219, %parallel_loop3A_206 : vector<16xf32>
        tpu.vector_store_idx %arg9[%parallel_loop3A_209, %parallel_loop3A_212, %add3A_12], %parallel_loop3A_220 : memref<8x8x128xf32, #tpu.memory_space<vmem>>[vector<16xi32>, vector<16xi32>, vector<16xi32>], vector<16xf32>,
        %parallel_loop3A_221 = tpu.vector_load_idx %arg7[%add3A_15, %parallel_loop3A_205] : memref<128x64xf32, #tpu.memory_space<vmem>>[vector<16xi32>, vector<16xi32>], vector<16xf32>,
        %parallel_loop3A_222 = arith.addf %parallel_loop3A_221, %parallel_loop3A_206 : vector<16xf32>
        tpu.vector_store_idx %arg9[%parallel_loop3A_209, %parallel_loop3A_212, %add3A_15], %parallel_loop3A_222 : memref<8x8x128xf32, #tpu.memory_space<vmem>>[vector<16xi32>, vector<16xi32>, vector<16xi32>], vector<16xf32>,
        %parallel_loop3A_223 = tpu.vector_load_idx %arg7[%add3A_18, %parallel_loop3A_205] : memref<128x64xf32, #tpu.memory_space<vmem>>[vector<16xi32>, vector<16xi32>], vector<16xf32>,
        %parallel_loop3A_224 = arith.addf %parallel_loop3A_223, %parallel_loop3A_206 : vector<16xf32>
        tpu.vector_store_idx %arg9[%parallel_loop3A_209, %parallel_loop3A_212, %add3A_18], %parallel_loop3A_224 : memref<8x8x128xf32, #tpu.memory_space<vmem>>[vector<16xi32>, vector<16xi32>, vector<16xi32>], vector<16xf32>,
        %parallel_loop3A_225 = tpu.vector_load_idx %arg7[%add3A_21, %parallel_loop3A_205] : memref<128x64xf32, #tpu.memory_space<vmem>>[vector<16xi32>, vector<16xi32>], vector<16xf32>,
        %parallel_loop3A_226 = arith.addf %parallel_loop3A_225, %parallel_loop3A_206 : vector<16xf32>
        tpu.vector_store_idx %arg9[%parallel_loop3A_209, %parallel_loop3A_212, %add3A_21], %parallel_loop3A_226 : memref<8x8x128xf32, #tpu.memory_space<vmem>>[vector<16xi32>, vector<16xi32>, vector<16xi32>], vector<16xf32>,
        %parallel_loop3A_227 = tpu.vector_load_idx %arg7[%add3A_24, %parallel_loop3A_205] : memref<128x64xf32, #tpu.memory_space<vmem>>[vector<16xi32>, vector<16xi32>], vector<16xf32>,
        %parallel_loop3A_228 = arith.addf %parallel_loop3A_227, %parallel_loop3A_206 : vector<16xf32>
        tpu.vector_store_idx %arg9[%parallel_loop3A_209, %parallel_loop3A_212, %add3A_24], %parallel_loop3A_228 : memref<8x8x128xf32, #tpu.memory_space<vmem>>[vector<16xi32>, vector<16xi32>, vector<16xi32>], vector<16xf32>,
        %parallel_loop3A_229 = arith.constant 48 : i32
        %parallel_loop3A_230 = vector.broadcast %parallel_loop3A_229 : i32 to vector<16xi32>
        %parallel_loop3A_231 = arith.addi %parallel_loop3A_150, %parallel_loop3A_230 : vector<16xi32>
        %parallel_loop3A_232 = tpu.vector_load_idx %arg11[%add3A_91, %parallel_loop3A_231] : memref<50x64xf32, #tpu.memory_space<vmem>>[vector<16xi32>, vector<16xi32>], vector<16xf32>,
        %parallel_loop3A_233 = arith.constant 3 : i32
        %parallel_loop3A_234 = vector.broadcast %parallel_loop3A_233 : i32 to vector<16xi32>
        %parallel_loop3A_235 = arith.shrui %parallel_loop3A_231, %parallel_loop3A_234 : vector<16xi32>
        %parallel_loop3A_236 = arith.constant 7 : i32
        %parallel_loop3A_237 = vector.broadcast %parallel_loop3A_236 : i32 to vector<16xi32>
        %parallel_loop3A_238 = arith.andi %parallel_loop3A_231, %parallel_loop3A_237 : vector<16xi32>
        %parallel_loop3A_239 = tpu.vector_load_idx %arg7[%add3A_3, %parallel_loop3A_231] : memref<128x64xf32, #tpu.memory_space<vmem>>[vector<16xi32>, vector<16xi32>], vector<16xf32>,
        %parallel_loop3A_240 = arith.addf %parallel_loop3A_239, %parallel_loop3A_232 : vector<16xf32>
        tpu.vector_store_idx %arg9[%parallel_loop3A_235, %parallel_loop3A_238, %add3A_3], %parallel_loop3A_240 : memref<8x8x128xf32, #tpu.memory_space<vmem>>[vector<16xi32>, vector<16xi32>, vector<16xi32>], vector<16xf32>,
        %parallel_loop3A_241 = tpu.vector_load_idx %arg7[%add3A_6, %parallel_loop3A_231] : memref<128x64xf32, #tpu.memory_space<vmem>>[vector<16xi32>, vector<16xi32>], vector<16xf32>,
        %parallel_loop3A_242 = arith.addf %parallel_loop3A_241, %parallel_loop3A_232 : vector<16xf32>
        tpu.vector_store_idx %arg9[%parallel_loop3A_235, %parallel_loop3A_238, %add3A_6], %parallel_loop3A_242 : memref<8x8x128xf32, #tpu.memory_space<vmem>>[vector<16xi32>, vector<16xi32>, vector<16xi32>], vector<16xf32>,
        %parallel_loop3A_243 = tpu.vector_load_idx %arg7[%add3A_9, %parallel_loop3A_231] : memref<128x64xf32, #tpu.memory_space<vmem>>[vector<16xi32>, vector<16xi32>], vector<16xf32>,
        %parallel_loop3A_244 = arith.addf %parallel_loop3A_243, %parallel_loop3A_232 : vector<16xf32>
        tpu.vector_store_idx %arg9[%parallel_loop3A_235, %parallel_loop3A_238, %add3A_9], %parallel_loop3A_244 : memref<8x8x128xf32, #tpu.memory_space<vmem>>[vector<16xi32>, vector<16xi32>, vector<16xi32>], vector<16xf32>,
        %parallel_loop3A_245 = tpu.vector_load_idx %arg7[%add3A_12, %parallel_loop3A_231] : memref<128x64xf32, #tpu.memory_space<vmem>>[vector<16xi32>, vector<16xi32>], vector<16xf32>,
        %parallel_loop3A_246 = arith.addf %parallel_loop3A_245, %parallel_loop3A_232 : vector<16xf32>
        tpu.vector_store_idx %arg9[%parallel_loop3A_235, %parallel_loop3A_238, %add3A_12], %parallel_loop3A_246 : memref<8x8x128xf32, #tpu.memory_space<vmem>>[vector<16xi32>, vector<16xi32>, vector<16xi32>], vector<16xf32>,
        %parallel_loop3A_247 = tpu.vector_load_idx %arg7[%add3A_15, %parallel_loop3A_231] : memref<128x64xf32, #tpu.memory_space<vmem>>[vector<16xi32>, vector<16xi32>], vector<16xf32>,
        %parallel_loop3A_248 = arith.addf %parallel_loop3A_247, %parallel_loop3A_232 : vector<16xf32>
        tpu.vector_store_idx %arg9[%parallel_loop3A_235, %parallel_loop3A_238, %add3A_15], %parallel_loop3A_248 : memref<8x8x128xf32, #tpu.memory_space<vmem>>[vector<16xi32>, vector<16xi32>, vector<16xi32>], vector<16xf32>,
        %parallel_loop3A_249 = tpu.vector_load_idx %arg7[%add3A_18, %parallel_loop3A_231] : memref<128x64xf32, #tpu.memory_space<vmem>>[vector<16xi32>, vector<16xi32>], vector<16xf32>,
        %parallel_loop3A_250 = arith.addf %parallel_loop3A_249, %parallel_loop3A_232 : vector<16xf32>
        tpu.vector_store_idx %arg9[%parallel_loop3A_235, %parallel_loop3A_238, %add3A_18], %parallel_loop3A_250 : memref<8x8x128xf32, #tpu.memory_space<vmem>>[vector<16xi32>, vector<16xi32>, vector<16xi32>], vector<16xf32>,
        %parallel_loop3A_251 = tpu.vector_load_idx %arg7[%add3A_21, %parallel_loop3A_231] : memref<128x64xf32, #tpu.memory_space<vmem>>[vector<16xi32>, vector<16xi32>], vector<16xf32>,
        %parallel_loop3A_252 = arith.addf %parallel_loop3A_251, %parallel_loop3A_232 : vector<16xf32>
        tpu.vector_store_idx %arg9[%parallel_loop3A_235, %parallel_loop3A_238, %add3A_21], %parallel_loop3A_252 : memref<8x8x128xf32, #tpu.memory_space<vmem>>[vector<16xi32>, vector<16xi32>, vector<16xi32>], vector<16xf32>,
        %parallel_loop3A_253 = tpu.vector_load_idx %arg7[%add3A_24, %parallel_loop3A_231] : memref<128x64xf32, #tpu.memory_space<vmem>>[vector<16xi32>, vector<16xi32>], vector<16xf32>,
        %parallel_loop3A_254 = arith.addf %parallel_loop3A_253, %parallel_loop3A_232 : vector<16xf32>
        tpu.vector_store_idx %arg9[%parallel_loop3A_235, %parallel_loop3A_238, %add3A_24], %parallel_loop3A_254 : memref<8x8x128xf32, #tpu.memory_space<vmem>>[vector<16xi32>, vector<16xi32>, vector<16xi32>], vector<16xf32>,
      } {sc.loop_unroll_factor = 2 : i64, sc.parallel_access}
      %dma_start3A_94 = arith.constant 0 : i32
      %dma_start3A_95 = arith.constant 0 : i32
      %dma_start3A_96 = arith.constant 0 : i32
      %dma_start3A_97 = tpu.memref_slice %arg5[%mul3A_74, %dma_start3A_94, %add3A, %dma_start3A_95, %dma_start3A_96] : memref<50x8x32x8x128xf32, #tpu.memory_space<hbm>> -> memref<1x8x1x8x128xf32, #tpu.memory_space<hbm>>
      %dma_start3A_98 = tpu.memref_squeeze %dma_start3A_97 : memref<1x8x1x8x128xf32, #tpu.memory_space<hbm>> -> memref<8x8x128xf32, #tpu.memory_space<hbm>>
      %dma_start3A_99 = arith.constant 0 : i32
      %dma_start3A_100 = arith.constant 0 : i32
      %dma_start3A_101 = arith.constant 0 : i32
      %dma_start3A_102 = tpu.memref_slice %arg5[%mul3A_74, %dma_start3A_99, %add3A, %dma_start3A_100, %dma_start3A_101] : memref<50x8x32x8x128xf32, #tpu.memory_space<hbm>> -> memref<1x8x1x8x128xf32, #tpu.memory_space<hbm>>
      %dma_start3A_103 = tpu.memref_squeeze %dma_start3A_102 : memref<1x8x1x8x128xf32, #tpu.memory_space<hbm>> -> memref<8x8x128xf32, #tpu.memory_space<hbm>>
      tpu.enqueue_dma source(%arg9 : memref<8x8x128xf32, #tpu.memory_space<vmem>>) target(%dma_start3A_103 : memref<8x8x128xf32, #tpu.memory_space<hbm>>) target_semaphore(%arg14 : memref<!tpu.dma_semaphore, #tpu.memory_space<semaphore_mem>>)
      %lt3A = arith.constant 24 : i32
      %lt3A_104 = arith.cmpi slt, %scan3A_72, %lt3A : i32
      %convert_element_type3A_105 = arith.extui %lt3A_104 : i1 to i32
      %cond3A_106 = arith.constant 0 : i32
      %cond3A_107 = arith.cmpi ne, %convert_element_type3A_105, %cond3A_106 : i32
      scf.if %cond3A_107 {
        %add3A_145 = arith.constant 2 : i32
        %add3A_146 = arith.addi %mul3A_74, %add3A_145 : i32
        %shift_right_logical3A_147 = arith.constant 3 : i32
        %shift_right_logical3A_148 = arith.shrui %add3A_146, %shift_right_logical3A_147 : i32
        %and3A_149 = arith.constant 7 : i32
        %and3A_150 = arith.andi %add3A_146, %and3A_149 : i32
        %dma_start3A_151 = arith.constant 0 : i32
        %dma_start3A_152 = tpu.memref_slice %arg6[%shift_right_logical3A_148, %and3A_150, %dma_start3A_151] : memref<7x8x128xi32, #tpu.memory_space<vmem>> -> memref<1x1x128xi32, #tpu.memory_space<vmem>>
        %dma_start3A_153 = tpu.memref_squeeze %dma_start3A_152 : memref<1x1x128xi32, #tpu.memory_space<vmem>> -> memref<128xi32, #tpu.memory_space<vmem>>
        %dma_start3A_154 = arith.constant 0 : i32
        %dma_start3A_155 = arith.constant 0 : i32
        %dma_start3A_156 = tpu.memref_slice %arg3[%dma_start3A_154, %dma_start3A_155] : memref<100000x64xf32, #tpu.memory_space<hbm>> -> memref<100000x64xf32, #tpu.memory_space<hbm>>
        tpu.enqueue_indirect_dma source(%dma_start3A_156 : memref<100000x64xf32, #tpu.memory_space<hbm>>) target(%arg7 : memref<128x64xf32, #tpu.memory_space<vmem>>) offsets(%dma_start3A_153 : memref<128xi32, #tpu.memory_space<vmem>>) semaphore(%arg12 : memref<!tpu.dma_semaphore, #tpu.memory_space<semaphore_mem>>)
      } else {
      }
      %shift_right_logical3A_108 = arith.constant 3 : i32
      %shift_right_logical3A_109 = arith.shrui %add3A_76, %shift_right_logical3A_108 : i32
      %and3A_110 = arith.constant 7 : i32
      %and3A_111 = arith.andi %add3A_76, %and3A_110 : i32
      %dma_wait3A_112 = arith.constant 0 : i32
      %dma_wait3A_113 = tpu.memref_slice %arg6[%shift_right_logical3A_109, %and3A_111, %dma_wait3A_112] : memref<7x8x128xi32, #tpu.memory_space<vmem>> -> memref<1x1x128xi32, #tpu.memory_space<vmem>>
      %dma_wait3A_114 = tpu.memref_squeeze %dma_wait3A_113 : memref<1x1x128xi32, #tpu.memory_space<vmem>> -> memref<128xi32, #tpu.memory_space<vmem>>
      %dma_wait3A_115 = arith.constant 0 : i32
      %dma_wait3A_116 = arith.constant 0 : i32
      %dma_wait3A_117 = tpu.memref_slice %arg3[%dma_wait3A_115, %dma_wait3A_116] : memref<100000x64xf32, #tpu.memory_space<hbm>> -> memref<100000x64xf32, #tpu.memory_space<hbm>>
      tpu.wait_indirect_dma semaphore(%arg13 : memref<!tpu.dma_semaphore, #tpu.memory_space<semaphore_mem>>) src(%dma_wait3A_117 : memref<100000x64xf32, #tpu.memory_space<hbm>>) dst(%arg8 : memref<128x64xf32, #tpu.memory_space<vmem>>)
      %gt3A_118 = arith.constant 0 : i32
      %gt3A_119 = arith.cmpi sgt, %scan3A_72, %gt3A_118 : i32
      %convert_element_type3A_120 = arith.extui %gt3A_119 : i1 to i32
      %cond3A_121 = arith.constant 0 : i32
      %cond3A_122 = arith.cmpi ne, %convert_element_type3A_120, %cond3A_121 : i32
      scf.if %cond3A_122 {
        %sub3A = arith.constant 2 : i32
        %sub3A_145 = arith.subi %add3A_76, %sub3A : i32
        %dma_wait3A_146 = arith.constant 0 : i32
        %dma_wait3A_147 = arith.constant 0 : i32
        %dma_wait3A_148 = arith.constant 0 : i32
        %dma_wait3A_149 = tpu.memref_slice %arg5[%sub3A_145, %dma_wait3A_146, %add3A, %dma_wait3A_147, %dma_wait3A_148] : memref<50x8x32x8x128xf32, #tpu.memory_space<hbm>> -> memref<1x8x1x8x128xf32, #tpu.memory_space<hbm>>
        %dma_wait3A_150 = tpu.memref_squeeze %dma_wait3A_149 : memref<1x8x1x8x128xf32, #tpu.memory_space<hbm>> -> memref<8x8x128xf32, #tpu.memory_space<hbm>>
        %dma_wait3A_151 = arith.constant 0 : i32
        %dma_wait3A_152 = arith.constant 0 : i32
        %dma_wait3A_153 = arith.constant 0 : i32
        %dma_wait3A_154 = tpu.memref_slice %arg5[%sub3A_145, %dma_wait3A_151, %add3A, %dma_wait3A_152, %dma_wait3A_153] : memref<50x8x32x8x128xf32, #tpu.memory_space<hbm>> -> memref<1x8x1x8x128xf32, #tpu.memory_space<hbm>>
        %dma_wait3A_155 = tpu.memref_squeeze %dma_wait3A_154 : memref<1x8x1x8x128xf32, #tpu.memory_space<hbm>> -> memref<8x8x128xf32, #tpu.memory_space<hbm>>
        tpu.wait_dma2 semaphore(%arg15 : memref<!tpu.dma_semaphore, #tpu.memory_space<semaphore_mem>>) src(%arg10 : memref<8x8x128xf32, #tpu.memory_space<vmem>>) dst(%dma_wait3A_155 : memref<8x8x128xf32, #tpu.memory_space<hbm>>)
      } else {
      }
      %broadcast_in_dim3A_123 = arith.constant 0 : i32
      %broadcast_in_dim3A_124 = vector.broadcast %broadcast_in_dim3A_123 : i32 to vector<16xi32>
      %add3A_125 = vector.broadcast %add3A_76 : i32 to vector<16xi32>
      %add3A_126 = arith.addi %broadcast_in_dim3A_124, %add3A_125 : vector<16xi32>
      %parallel_loop3A_127 = arith.constant 0 : i32
      %parallel_loop3A_128 = arith.constant 16 : i32
      %parallel_loop3A_129 = arith.constant 1 : i32
      scf.for %parallel_loop3A_145 = %parallel_loop3A_127 to %parallel_loop3A_128 step %parallel_loop3A_129  : i32 {
        %parallel_loop3A_146 = vector.broadcast %parallel_loop3A_145 : i32 to vector<16xi32>
        %parallel_loop3A_147 = arith.addi %iota3A, %parallel_loop3A_146 : vector<16xi32>
        %parallel_loop3A_148 = arith.constant 15 : i32
        %parallel_loop3A_149 = vector.broadcast %parallel_loop3A_148 : i32 to vector<16xi32>
        %parallel_loop3A_150 = arith.andi %parallel_loop3A_147, %parallel_loop3A_149 : vector<16xi32>
        %parallel_loop3A_151 = arith.constant 0 : i32
        %parallel_loop3A_152 = vector.broadcast %parallel_loop3A_151 : i32 to vector<16xi32>
        %parallel_loop3A_153 = arith.addi %parallel_loop3A_150, %parallel_loop3A_152 : vector<16xi32>
        %parallel_loop3A_154 = tpu.vector_load_idx %arg11[%add3A_126, %parallel_loop3A_153] : memref<50x64xf32, #tpu.memory_space<vmem>>[vector<16xi32>, vector<16xi32>], vector<16xf32>,
        %parallel_loop3A_155 = arith.constant 3 : i32
        %parallel_loop3A_156 = vector.broadcast %parallel_loop3A_155 : i32 to vector<16xi32>
        %parallel_loop3A_157 = arith.shrui %parallel_loop3A_153, %parallel_loop3A_156 : vector<16xi32>
        %parallel_loop3A_158 = arith.constant 7 : i32
        %parallel_loop3A_159 = vector.broadcast %parallel_loop3A_158 : i32 to vector<16xi32>
        %parallel_loop3A_160 = arith.andi %parallel_loop3A_153, %parallel_loop3A_159 : vector<16xi32>
        %parallel_loop3A_161 = tpu.vector_load_idx %arg8[%add3A_3, %parallel_loop3A_153] : memref<128x64xf32, #tpu.memory_space<vmem>>[vector<16xi32>, vector<16xi32>], vector<16xf32>,
        %parallel_loop3A_162 = arith.addf %parallel_loop3A_161, %parallel_loop3A_154 : vector<16xf32>
        tpu.vector_store_idx %arg10[%parallel_loop3A_157, %parallel_loop3A_160, %add3A_3], %parallel_loop3A_162 : memref<8x8x128xf32, #tpu.memory_space<vmem>>[vector<16xi32>, vector<16xi32>, vector<16xi32>], vector<16xf32>,
        %parallel_loop3A_163 = tpu.vector_load_idx %arg8[%add3A_6, %parallel_loop3A_153] : memref<128x64xf32, #tpu.memory_space<vmem>>[vector<16xi32>, vector<16xi32>], vector<16xf32>,
        %parallel_loop3A_164 = arith.addf %parallel_loop3A_163, %parallel_loop3A_154 : vector<16xf32>
        tpu.vector_store_idx %arg10[%parallel_loop3A_157, %parallel_loop3A_160, %add3A_6], %parallel_loop3A_164 : memref<8x8x128xf32, #tpu.memory_space<vmem>>[vector<16xi32>, vector<16xi32>, vector<16xi32>], vector<16xf32>,
        %parallel_loop3A_165 = tpu.vector_load_idx %arg8[%add3A_9, %parallel_loop3A_153] : memref<128x64xf32, #tpu.memory_space<vmem>>[vector<16xi32>, vector<16xi32>], vector<16xf32>,
        %parallel_loop3A_166 = arith.addf %parallel_loop3A_165, %parallel_loop3A_154 : vector<16xf32>
        tpu.vector_store_idx %arg10[%parallel_loop3A_157, %parallel_loop3A_160, %add3A_9], %parallel_loop3A_166 : memref<8x8x128xf32, #tpu.memory_space<vmem>>[vector<16xi32>, vector<16xi32>, vector<16xi32>], vector<16xf32>,
        %parallel_loop3A_167 = tpu.vector_load_idx %arg8[%add3A_12, %parallel_loop3A_153] : memref<128x64xf32, #tpu.memory_space<vmem>>[vector<16xi32>, vector<16xi32>], vector<16xf32>,
        %parallel_loop3A_168 = arith.addf %parallel_loop3A_167, %parallel_loop3A_154 : vector<16xf32>
        tpu.vector_store_idx %arg10[%parallel_loop3A_157, %parallel_loop3A_160, %add3A_12], %parallel_loop3A_168 : memref<8x8x128xf32, #tpu.memory_space<vmem>>[vector<16xi32>, vector<16xi32>, vector<16xi32>], vector<16xf32>,
        %parallel_loop3A_169 = tpu.vector_load_idx %arg8[%add3A_15, %parallel_loop3A_153] : memref<128x64xf32, #tpu.memory_space<vmem>>[vector<16xi32>, vector<16xi32>], vector<16xf32>,
        %parallel_loop3A_170 = arith.addf %parallel_loop3A_169, %parallel_loop3A_154 : vector<16xf32>
        tpu.vector_store_idx %arg10[%parallel_loop3A_157, %parallel_loop3A_160, %add3A_15], %parallel_loop3A_170 : memref<8x8x128xf32, #tpu.memory_space<vmem>>[vector<16xi32>, vector<16xi32>, vector<16xi32>], vector<16xf32>,
        %parallel_loop3A_171 = tpu.vector_load_idx %arg8[%add3A_18, %parallel_loop3A_153] : memref<128x64xf32, #tpu.memory_space<vmem>>[vector<16xi32>, vector<16xi32>], vector<16xf32>,
        %parallel_loop3A_172 = arith.addf %parallel_loop3A_171, %parallel_loop3A_154 : vector<16xf32>
        tpu.vector_store_idx %arg10[%parallel_loop3A_157, %parallel_loop3A_160, %add3A_18], %parallel_loop3A_172 : memref<8x8x128xf32, #tpu.memory_space<vmem>>[vector<16xi32>, vector<16xi32>, vector<16xi32>], vector<16xf32>,
        %parallel_loop3A_173 = tpu.vector_load_idx %arg8[%add3A_21, %parallel_loop3A_153] : memref<128x64xf32, #tpu.memory_space<vmem>>[vector<16xi32>, vector<16xi32>], vector<16xf32>,
        %parallel_loop3A_174 = arith.addf %parallel_loop3A_173, %parallel_loop3A_154 : vector<16xf32>
        tpu.vector_store_idx %arg10[%parallel_loop3A_157, %parallel_loop3A_160, %add3A_21], %parallel_loop3A_174 : memref<8x8x128xf32, #tpu.memory_space<vmem>>[vector<16xi32>, vector<16xi32>, vector<16xi32>], vector<16xf32>,
        %parallel_loop3A_175 = tpu.vector_load_idx %arg8[%add3A_24, %parallel_loop3A_153] : memref<128x64xf32, #tpu.memory_space<vmem>>[vector<16xi32>, vector<16xi32>], vector<16xf32>,
        %parallel_loop3A_176 = arith.addf %parallel_loop3A_175, %parallel_loop3A_154 : vector<16xf32>
        tpu.vector_store_idx %arg10[%parallel_loop3A_157, %parallel_loop3A_160, %add3A_24], %parallel_loop3A_176 : memref<8x8x128xf32, #tpu.memory_space<vmem>>[vector<16xi32>, vector<16xi32>, vector<16xi32>], vector<16xf32>,
        %parallel_loop3A_177 = arith.constant 16 : i32
        %parallel_loop3A_178 = vector.broadcast %parallel_loop3A_177 : i32 to vector<16xi32>
        %parallel_loop3A_179 = arith.addi %parallel_loop3A_150, %parallel_loop3A_178 : vector<16xi32>
        %parallel_loop3A_180 = tpu.vector_load_idx %arg11[%add3A_126, %parallel_loop3A_179] : memref<50x64xf32, #tpu.memory_space<vmem>>[vector<16xi32>, vector<16xi32>], vector<16xf32>,
        %parallel_loop3A_181 = arith.constant 3 : i32
        %parallel_loop3A_182 = vector.broadcast %parallel_loop3A_181 : i32 to vector<16xi32>
        %parallel_loop3A_183 = arith.shrui %parallel_loop3A_179, %parallel_loop3A_182 : vector<16xi32>
        %parallel_loop3A_184 = arith.constant 7 : i32
        %parallel_loop3A_185 = vector.broadcast %parallel_loop3A_184 : i32 to vector<16xi32>
        %parallel_loop3A_186 = arith.andi %parallel_loop3A_179, %parallel_loop3A_185 : vector<16xi32>
        %parallel_loop3A_187 = tpu.vector_load_idx %arg8[%add3A_3, %parallel_loop3A_179] : memref<128x64xf32, #tpu.memory_space<vmem>>[vector<16xi32>, vector<16xi32>], vector<16xf32>,
        %parallel_loop3A_188 = arith.addf %parallel_loop3A_187, %parallel_loop3A_180 : vector<16xf32>
        tpu.vector_store_idx %arg10[%parallel_loop3A_183, %parallel_loop3A_186, %add3A_3], %parallel_loop3A_188 : memref<8x8x128xf32, #tpu.memory_space<vmem>>[vector<16xi32>, vector<16xi32>, vector<16xi32>], vector<16xf32>,
        %parallel_loop3A_189 = tpu.vector_load_idx %arg8[%add3A_6, %parallel_loop3A_179] : memref<128x64xf32, #tpu.memory_space<vmem>>[vector<16xi32>, vector<16xi32>], vector<16xf32>,
        %parallel_loop3A_190 = arith.addf %parallel_loop3A_189, %parallel_loop3A_180 : vector<16xf32>
        tpu.vector_store_idx %arg10[%parallel_loop3A_183, %parallel_loop3A_186, %add3A_6], %parallel_loop3A_190 : memref<8x8x128xf32, #tpu.memory_space<vmem>>[vector<16xi32>, vector<16xi32>, vector<16xi32>], vector<16xf32>,
        %parallel_loop3A_191 = tpu.vector_load_idx %arg8[%add3A_9, %parallel_loop3A_179] : memref<128x64xf32, #tpu.memory_space<vmem>>[vector<16xi32>, vector<16xi32>], vector<16xf32>,
        %parallel_loop3A_192 = arith.addf %parallel_loop3A_191, %parallel_loop3A_180 : vector<16xf32>
        tpu.vector_store_idx %arg10[%parallel_loop3A_183, %parallel_loop3A_186, %add3A_9], %parallel_loop3A_192 : memref<8x8x128xf32, #tpu.memory_space<vmem>>[vector<16xi32>, vector<16xi32>, vector<16xi32>], vector<16xf32>,
        %parallel_loop3A_193 = tpu.vector_load_idx %arg8[%add3A_12, %parallel_loop3A_179] : memref<128x64xf32, #tpu.memory_space<vmem>>[vector<16xi32>, vector<16xi32>], vector<16xf32>,
        %parallel_loop3A_194 = arith.addf %parallel_loop3A_193, %parallel_loop3A_180 : vector<16xf32>
        tpu.vector_store_idx %arg10[%parallel_loop3A_183, %parallel_loop3A_186, %add3A_12], %parallel_loop3A_194 : memref<8x8x128xf32, #tpu.memory_space<vmem>>[vector<16xi32>, vector<16xi32>, vector<16xi32>], vector<16xf32>,
        %parallel_loop3A_195 = tpu.vector_load_idx %arg8[%add3A_15, %parallel_loop3A_179] : memref<128x64xf32, #tpu.memory_space<vmem>>[vector<16xi32>, vector<16xi32>], vector<16xf32>,
        %parallel_loop3A_196 = arith.addf %parallel_loop3A_195, %parallel_loop3A_180 : vector<16xf32>
        tpu.vector_store_idx %arg10[%parallel_loop3A_183, %parallel_loop3A_186, %add3A_15], %parallel_loop3A_196 : memref<8x8x128xf32, #tpu.memory_space<vmem>>[vector<16xi32>, vector<16xi32>, vector<16xi32>], vector<16xf32>,
        %parallel_loop3A_197 = tpu.vector_load_idx %arg8[%add3A_18, %parallel_loop3A_179] : memref<128x64xf32, #tpu.memory_space<vmem>>[vector<16xi32>, vector<16xi32>], vector<16xf32>,
        %parallel_loop3A_198 = arith.addf %parallel_loop3A_197, %parallel_loop3A_180 : vector<16xf32>
        tpu.vector_store_idx %arg10[%parallel_loop3A_183, %parallel_loop3A_186, %add3A_18], %parallel_loop3A_198 : memref<8x8x128xf32, #tpu.memory_space<vmem>>[vector<16xi32>, vector<16xi32>, vector<16xi32>], vector<16xf32>,
        %parallel_loop3A_199 = tpu.vector_load_idx %arg8[%add3A_21, %parallel_loop3A_179] : memref<128x64xf32, #tpu.memory_space<vmem>>[vector<16xi32>, vector<16xi32>], vector<16xf32>,
        %parallel_loop3A_200 = arith.addf %parallel_loop3A_199, %parallel_loop3A_180 : vector<16xf32>
        tpu.vector_store_idx %arg10[%parallel_loop3A_183, %parallel_loop3A_186, %add3A_21], %parallel_loop3A_200 : memref<8x8x128xf32, #tpu.memory_space<vmem>>[vector<16xi32>, vector<16xi32>, vector<16xi32>], vector<16xf32>,
        %parallel_loop3A_201 = tpu.vector_load_idx %arg8[%add3A_24, %parallel_loop3A_179] : memref<128x64xf32, #tpu.memory_space<vmem>>[vector<16xi32>, vector<16xi32>], vector<16xf32>,
        %parallel_loop3A_202 = arith.addf %parallel_loop3A_201, %parallel_loop3A_180 : vector<16xf32>
        tpu.vector_store_idx %arg10[%parallel_loop3A_183, %parallel_loop3A_186, %add3A_24], %parallel_loop3A_202 : memref<8x8x128xf32, #tpu.memory_space<vmem>>[vector<16xi32>, vector<16xi32>, vector<16xi32>], vector<16xf32>,
        %parallel_loop3A_203 = arith.constant 32 : i32
        %parallel_loop3A_204 = vector.broadcast %parallel_loop3A_203 : i32 to vector<16xi32>
        %parallel_loop3A_205 = arith.addi %parallel_loop3A_150, %parallel_loop3A_204 : vector<16xi32>
        %parallel_loop3A_206 = tpu.vector_load_idx %arg11[%add3A_126, %parallel_loop3A_205] : memref<50x64xf32, #tpu.memory_space<vmem>>[vector<16xi32>, vector<16xi32>], vector<16xf32>,
        %parallel_loop3A_207 = arith.constant 3 : i32
        %parallel_loop3A_208 = vector.broadcast %parallel_loop3A_207 : i32 to vector<16xi32>
        %parallel_loop3A_209 = arith.shrui %parallel_loop3A_205, %parallel_loop3A_208 : vector<16xi32>
        %parallel_loop3A_210 = arith.constant 7 : i32
        %parallel_loop3A_211 = vector.broadcast %parallel_loop3A_210 : i32 to vector<16xi32>
        %parallel_loop3A_212 = arith.andi %parallel_loop3A_205, %parallel_loop3A_211 : vector<16xi32>
        %parallel_loop3A_213 = tpu.vector_load_idx %arg8[%add3A_3, %parallel_loop3A_205] : memref<128x64xf32, #tpu.memory_space<vmem>>[vector<16xi32>, vector<16xi32>], vector<16xf32>,
        %parallel_loop3A_214 = arith.addf %parallel_loop3A_213, %parallel_loop3A_206 : vector<16xf32>
        tpu.vector_store_idx %arg10[%parallel_loop3A_209, %parallel_loop3A_212, %add3A_3], %parallel_loop3A_214 : memref<8x8x128xf32, #tpu.memory_space<vmem>>[vector<16xi32>, vector<16xi32>, vector<16xi32>], vector<16xf32>,
        %parallel_loop3A_215 = tpu.vector_load_idx %arg8[%add3A_6, %parallel_loop3A_205] : memref<128x64xf32, #tpu.memory_space<vmem>>[vector<16xi32>, vector<16xi32>], vector<16xf32>,
        %parallel_loop3A_216 = arith.addf %parallel_loop3A_215, %parallel_loop3A_206 : vector<16xf32>
        tpu.vector_store_idx %arg10[%parallel_loop3A_209, %parallel_loop3A_212, %add3A_6], %parallel_loop3A_216 : memref<8x8x128xf32, #tpu.memory_space<vmem>>[vector<16xi32>, vector<16xi32>, vector<16xi32>], vector<16xf32>,
        %parallel_loop3A_217 = tpu.vector_load_idx %arg8[%add3A_9, %parallel_loop3A_205] : memref<128x64xf32, #tpu.memory_space<vmem>>[vector<16xi32>, vector<16xi32>], vector<16xf32>,
        %parallel_loop3A_218 = arith.addf %parallel_loop3A_217, %parallel_loop3A_206 : vector<16xf32>
        tpu.vector_store_idx %arg10[%parallel_loop3A_209, %parallel_loop3A_212, %add3A_9], %parallel_loop3A_218 : memref<8x8x128xf32, #tpu.memory_space<vmem>>[vector<16xi32>, vector<16xi32>, vector<16xi32>], vector<16xf32>,
        %parallel_loop3A_219 = tpu.vector_load_idx %arg8[%add3A_12, %parallel_loop3A_205] : memref<128x64xf32, #tpu.memory_space<vmem>>[vector<16xi32>, vector<16xi32>], vector<16xf32>,
        %parallel_loop3A_220 = arith.addf %parallel_loop3A_219, %parallel_loop3A_206 : vector<16xf32>
        tpu.vector_store_idx %arg10[%parallel_loop3A_209, %parallel_loop3A_212, %add3A_12], %parallel_loop3A_220 : memref<8x8x128xf32, #tpu.memory_space<vmem>>[vector<16xi32>, vector<16xi32>, vector<16xi32>], vector<16xf32>,
        %parallel_loop3A_221 = tpu.vector_load_idx %arg8[%add3A_15, %parallel_loop3A_205] : memref<128x64xf32, #tpu.memory_space<vmem>>[vector<16xi32>, vector<16xi32>], vector<16xf32>,
        %parallel_loop3A_222 = arith.addf %parallel_loop3A_221, %parallel_loop3A_206 : vector<16xf32>
        tpu.vector_store_idx %arg10[%parallel_loop3A_209, %parallel_loop3A_212, %add3A_15], %parallel_loop3A_222 : memref<8x8x128xf32, #tpu.memory_space<vmem>>[vector<16xi32>, vector<16xi32>, vector<16xi32>], vector<16xf32>,
        %parallel_loop3A_223 = tpu.vector_load_idx %arg8[%add3A_18, %parallel_loop3A_205] : memref<128x64xf32, #tpu.memory_space<vmem>>[vector<16xi32>, vector<16xi32>], vector<16xf32>,
        %parallel_loop3A_224 = arith.addf %parallel_loop3A_223, %parallel_loop3A_206 : vector<16xf32>
        tpu.vector_store_idx %arg10[%parallel_loop3A_209, %parallel_loop3A_212, %add3A_18], %parallel_loop3A_224 : memref<8x8x128xf32, #tpu.memory_space<vmem>>[vector<16xi32>, vector<16xi32>, vector<16xi32>], vector<16xf32>,
        %parallel_loop3A_225 = tpu.vector_load_idx %arg8[%add3A_21, %parallel_loop3A_205] : memref<128x64xf32, #tpu.memory_space<vmem>>[vector<16xi32>, vector<16xi32>], vector<16xf32>,
        %parallel_loop3A_226 = arith.addf %parallel_loop3A_225, %parallel_loop3A_206 : vector<16xf32>
        tpu.vector_store_idx %arg10[%parallel_loop3A_209, %parallel_loop3A_212, %add3A_21], %parallel_loop3A_226 : memref<8x8x128xf32, #tpu.memory_space<vmem>>[vector<16xi32>, vector<16xi32>, vector<16xi32>], vector<16xf32>,
        %parallel_loop3A_227 = tpu.vector_load_idx %arg8[%add3A_24, %parallel_loop3A_205] : memref<128x64xf32, #tpu.memory_space<vmem>>[vector<16xi32>, vector<16xi32>], vector<16xf32>,
        %parallel_loop3A_228 = arith.addf %parallel_loop3A_227, %parallel_loop3A_206 : vector<16xf32>
        tpu.vector_store_idx %arg10[%parallel_loop3A_209, %parallel_loop3A_212, %add3A_24], %parallel_loop3A_228 : memref<8x8x128xf32, #tpu.memory_space<vmem>>[vector<16xi32>, vector<16xi32>, vector<16xi32>], vector<16xf32>,
        %parallel_loop3A_229 = arith.constant 48 : i32
        %parallel_loop3A_230 = vector.broadcast %parallel_loop3A_229 : i32 to vector<16xi32>
        %parallel_loop3A_231 = arith.addi %parallel_loop3A_150, %parallel_loop3A_230 : vector<16xi32>
        %parallel_loop3A_232 = tpu.vector_load_idx %arg11[%add3A_126, %parallel_loop3A_231] : memref<50x64xf32, #tpu.memory_space<vmem>>[vector<16xi32>, vector<16xi32>], vector<16xf32>,
        %parallel_loop3A_233 = arith.constant 3 : i32
        %parallel_loop3A_234 = vector.broadcast %parallel_loop3A_233 : i32 to vector<16xi32>
        %parallel_loop3A_235 = arith.shrui %parallel_loop3A_231, %parallel_loop3A_234 : vector<16xi32>
        %parallel_loop3A_236 = arith.constant 7 : i32
        %parallel_loop3A_237 = vector.broadcast %parallel_loop3A_236 : i32 to vector<16xi32>
        %parallel_loop3A_238 = arith.andi %parallel_loop3A_231, %parallel_loop3A_237 : vector<16xi32>
        %parallel_loop3A_239 = tpu.vector_load_idx %arg8[%add3A_3, %parallel_loop3A_231] : memref<128x64xf32, #tpu.memory_space<vmem>>[vector<16xi32>, vector<16xi32>], vector<16xf32>,
        %parallel_loop3A_240 = arith.addf %parallel_loop3A_239, %parallel_loop3A_232 : vector<16xf32>
        tpu.vector_store_idx %arg10[%parallel_loop3A_235, %parallel_loop3A_238, %add3A_3], %parallel_loop3A_240 : memref<8x8x128xf32, #tpu.memory_space<vmem>>[vector<16xi32>, vector<16xi32>, vector<16xi32>], vector<16xf32>,
        %parallel_loop3A_241 = tpu.vector_load_idx %arg8[%add3A_6, %parallel_loop3A_231] : memref<128x64xf32, #tpu.memory_space<vmem>>[vector<16xi32>, vector<16xi32>], vector<16xf32>,
        %parallel_loop3A_242 = arith.addf %parallel_loop3A_241, %parallel_loop3A_232 : vector<16xf32>
        tpu.vector_store_idx %arg10[%parallel_loop3A_235, %parallel_loop3A_238, %add3A_6], %parallel_loop3A_242 : memref<8x8x128xf32, #tpu.memory_space<vmem>>[vector<16xi32>, vector<16xi32>, vector<16xi32>], vector<16xf32>,
        %parallel_loop3A_243 = tpu.vector_load_idx %arg8[%add3A_9, %parallel_loop3A_231] : memref<128x64xf32, #tpu.memory_space<vmem>>[vector<16xi32>, vector<16xi32>], vector<16xf32>,
        %parallel_loop3A_244 = arith.addf %parallel_loop3A_243, %parallel_loop3A_232 : vector<16xf32>
        tpu.vector_store_idx %arg10[%parallel_loop3A_235, %parallel_loop3A_238, %add3A_9], %parallel_loop3A_244 : memref<8x8x128xf32, #tpu.memory_space<vmem>>[vector<16xi32>, vector<16xi32>, vector<16xi32>], vector<16xf32>,
        %parallel_loop3A_245 = tpu.vector_load_idx %arg8[%add3A_12, %parallel_loop3A_231] : memref<128x64xf32, #tpu.memory_space<vmem>>[vector<16xi32>, vector<16xi32>], vector<16xf32>,
        %parallel_loop3A_246 = arith.addf %parallel_loop3A_245, %parallel_loop3A_232 : vector<16xf32>
        tpu.vector_store_idx %arg10[%parallel_loop3A_235, %parallel_loop3A_238, %add3A_12], %parallel_loop3A_246 : memref<8x8x128xf32, #tpu.memory_space<vmem>>[vector<16xi32>, vector<16xi32>, vector<16xi32>], vector<16xf32>,
        %parallel_loop3A_247 = tpu.vector_load_idx %arg8[%add3A_15, %parallel_loop3A_231] : memref<128x64xf32, #tpu.memory_space<vmem>>[vector<16xi32>, vector<16xi32>], vector<16xf32>,
        %parallel_loop3A_248 = arith.addf %parallel_loop3A_247, %parallel_loop3A_232 : vector<16xf32>
        tpu.vector_store_idx %arg10[%parallel_loop3A_235, %parallel_loop3A_238, %add3A_15], %parallel_loop3A_248 : memref<8x8x128xf32, #tpu.memory_space<vmem>>[vector<16xi32>, vector<16xi32>, vector<16xi32>], vector<16xf32>,
        %parallel_loop3A_249 = tpu.vector_load_idx %arg8[%add3A_18, %parallel_loop3A_231] : memref<128x64xf32, #tpu.memory_space<vmem>>[vector<16xi32>, vector<16xi32>], vector<16xf32>,
        %parallel_loop3A_250 = arith.addf %parallel_loop3A_249, %parallel_loop3A_232 : vector<16xf32>
        tpu.vector_store_idx %arg10[%parallel_loop3A_235, %parallel_loop3A_238, %add3A_18], %parallel_loop3A_250 : memref<8x8x128xf32, #tpu.memory_space<vmem>>[vector<16xi32>, vector<16xi32>, vector<16xi32>], vector<16xf32>,
        %parallel_loop3A_251 = tpu.vector_load_idx %arg8[%add3A_21, %parallel_loop3A_231] : memref<128x64xf32, #tpu.memory_space<vmem>>[vector<16xi32>, vector<16xi32>], vector<16xf32>,
        %parallel_loop3A_252 = arith.addf %parallel_loop3A_251, %parallel_loop3A_232 : vector<16xf32>
        tpu.vector_store_idx %arg10[%parallel_loop3A_235, %parallel_loop3A_238, %add3A_21], %parallel_loop3A_252 : memref<8x8x128xf32, #tpu.memory_space<vmem>>[vector<16xi32>, vector<16xi32>, vector<16xi32>], vector<16xf32>,
        %parallel_loop3A_253 = tpu.vector_load_idx %arg8[%add3A_24, %parallel_loop3A_231] : memref<128x64xf32, #tpu.memory_space<vmem>>[vector<16xi32>, vector<16xi32>], vector<16xf32>,
        %parallel_loop3A_254 = arith.addf %parallel_loop3A_253, %parallel_loop3A_232 : vector<16xf32>
        tpu.vector_store_idx %arg10[%parallel_loop3A_235, %parallel_loop3A_238, %add3A_24], %parallel_loop3A_254 : memref<8x8x128xf32, #tpu.memory_space<vmem>>[vector<16xi32>, vector<16xi32>, vector<16xi32>], vector<16xf32>,
      } {sc.loop_unroll_factor = 2 : i64, sc.parallel_access}
      %dma_start3A_130 = arith.constant 0 : i32
      %dma_start3A_131 = arith.constant 0 : i32
      %dma_start3A_132 = arith.constant 0 : i32
      %dma_start3A_133 = tpu.memref_slice %arg5[%add3A_76, %dma_start3A_130, %add3A, %dma_start3A_131, %dma_start3A_132] : memref<50x8x32x8x128xf32, #tpu.memory_space<hbm>> -> memref<1x8x1x8x128xf32, #tpu.memory_space<hbm>>
      %dma_start3A_134 = tpu.memref_squeeze %dma_start3A_133 : memref<1x8x1x8x128xf32, #tpu.memory_space<hbm>> -> memref<8x8x128xf32, #tpu.memory_space<hbm>>
      %dma_start3A_135 = arith.constant 0 : i32
      %dma_start3A_136 = arith.constant 0 : i32
      %dma_start3A_137 = arith.constant 0 : i32
      %dma_start3A_138 = tpu.memref_slice %arg5[%add3A_76, %dma_start3A_135, %add3A, %dma_start3A_136, %dma_start3A_137] : memref<50x8x32x8x128xf32, #tpu.memory_space<hbm>> -> memref<1x8x1x8x128xf32, #tpu.memory_space<hbm>>
      %dma_start3A_139 = tpu.memref_squeeze %dma_start3A_138 : memref<1x8x1x8x128xf32, #tpu.memory_space<hbm>> -> memref<8x8x128xf32, #tpu.memory_space<hbm>>
      tpu.enqueue_dma source(%arg10 : memref<8x8x128xf32, #tpu.memory_space<vmem>>) target(%dma_start3A_139 : memref<8x8x128xf32, #tpu.memory_space<hbm>>) target_semaphore(%arg15 : memref<!tpu.dma_semaphore, #tpu.memory_space<semaphore_mem>>)
      %lt3A_140 = arith.constant 24 : i32
      %lt3A_141 = arith.cmpi slt, %scan3A_72, %lt3A_140 : i32
      %convert_element_type3A_142 = arith.extui %lt3A_141 : i1 to i32
      %cond3A_143 = arith.constant 0 : i32
      %cond3A_144 = arith.cmpi ne, %convert_element_type3A_142, %cond3A_143 : i32
      scf.if %cond3A_144 {
        %add3A_145 = arith.constant 2 : i32
        %add3A_146 = arith.addi %add3A_76, %add3A_145 : i32
        %shift_right_logical3A_147 = arith.constant 3 : i32
        %shift_right_logical3A_148 = arith.shrui %add3A_146, %shift_right_logical3A_147 : i32
        %and3A_149 = arith.constant 7 : i32
        %and3A_150 = arith.andi %add3A_146, %and3A_149 : i32
        %dma_start3A_151 = arith.constant 0 : i32
        %dma_start3A_152 = tpu.memref_slice %arg6[%shift_right_logical3A_148, %and3A_150, %dma_start3A_151] : memref<7x8x128xi32, #tpu.memory_space<vmem>> -> memref<1x1x128xi32, #tpu.memory_space<vmem>>
        %dma_start3A_153 = tpu.memref_squeeze %dma_start3A_152 : memref<1x1x128xi32, #tpu.memory_space<vmem>> -> memref<128xi32, #tpu.memory_space<vmem>>
        %dma_start3A_154 = arith.constant 0 : i32
        %dma_start3A_155 = arith.constant 0 : i32
        %dma_start3A_156 = tpu.memref_slice %arg3[%dma_start3A_154, %dma_start3A_155] : memref<100000x64xf32, #tpu.memory_space<hbm>> -> memref<100000x64xf32, #tpu.memory_space<hbm>>
        tpu.enqueue_indirect_dma source(%dma_start3A_156 : memref<100000x64xf32, #tpu.memory_space<hbm>>) target(%arg8 : memref<128x64xf32, #tpu.memory_space<vmem>>) offsets(%dma_start3A_153 : memref<128xi32, #tpu.memory_space<vmem>>) semaphore(%arg13 : memref<!tpu.dma_semaphore, #tpu.memory_space<semaphore_mem>>)
      } else {
      }
    }
    %scan3A_50 = arith.constant 25 : i32
    %dma_wait3A = arith.constant 48 : i32
    %dma_wait3A_51 = arith.constant 0 : i32
    %dma_wait3A_52 = arith.constant 0 : i32
    %dma_wait3A_53 = arith.constant 0 : i32
    %dma_wait3A_54 = tpu.memref_slice %arg5[%dma_wait3A, %dma_wait3A_51, %add3A, %dma_wait3A_52, %dma_wait3A_53] : memref<50x8x32x8x128xf32, #tpu.memory_space<hbm>> -> memref<1x8x1x8x128xf32, #tpu.memory_space<hbm>>
    %dma_wait3A_55 = tpu.memref_squeeze %dma_wait3A_54 : memref<1x8x1x8x128xf32, #tpu.memory_space<hbm>> -> memref<8x8x128xf32, #tpu.memory_space<hbm>>
    %dma_wait3A_56 = arith.constant 0 : i32
    %dma_wait3A_57 = arith.constant 0 : i32
    %dma_wait3A_58 = arith.constant 0 : i32
    %dma_wait3A_59 = tpu.memref_slice %arg5[%dma_wait3A, %dma_wait3A_56, %add3A, %dma_wait3A_57, %dma_wait3A_58] : memref<50x8x32x8x128xf32, #tpu.memory_space<hbm>> -> memref<1x8x1x8x128xf32, #tpu.memory_space<hbm>>
    %dma_wait3A_60 = tpu.memref_squeeze %dma_wait3A_59 : memref<1x8x1x8x128xf32, #tpu.memory_space<hbm>> -> memref<8x8x128xf32, #tpu.memory_space<hbm>>
    tpu.wait_dma2 semaphore(%arg14 : memref<!tpu.dma_semaphore, #tpu.memory_space<semaphore_mem>>) src(%arg9 : memref<8x8x128xf32, #tpu.memory_space<vmem>>) dst(%dma_wait3A_60 : memref<8x8x128xf32, #tpu.memory_space<hbm>>)
    %dma_wait3A_61 = arith.constant 49 : i32
    %dma_wait3A_62 = arith.constant 0 : i32
    %dma_wait3A_63 = arith.constant 0 : i32
    %dma_wait3A_64 = arith.constant 0 : i32
    %dma_wait3A_65 = tpu.memref_slice %arg5[%dma_wait3A_61, %dma_wait3A_62, %add3A, %dma_wait3A_63, %dma_wait3A_64] : memref<50x8x32x8x128xf32, #tpu.memory_space<hbm>> -> memref<1x8x1x8x128xf32, #tpu.memory_space<hbm>>
    %dma_wait3A_66 = tpu.memref_squeeze %dma_wait3A_65 : memref<1x8x1x8x128xf32, #tpu.memory_space<hbm>> -> memref<8x8x128xf32, #tpu.memory_space<hbm>>
    %dma_wait3A_67 = arith.constant 0 : i32
    %dma_wait3A_68 = arith.constant 0 : i32
    %dma_wait3A_69 = arith.constant 0 : i32
    %dma_wait3A_70 = tpu.memref_slice %arg5[%dma_wait3A_61, %dma_wait3A_67, %add3A, %dma_wait3A_68, %dma_wait3A_69] : memref<50x8x32x8x128xf32, #tpu.memory_space<hbm>> -> memref<1x8x1x8x128xf32, #tpu.memory_space<hbm>>
    %dma_wait3A_71 = tpu.memref_squeeze %dma_wait3A_70 : memref<1x8x1x8x128xf32, #tpu.memory_space<hbm>> -> memref<8x8x128xf32, #tpu.memory_space<hbm>>
    tpu.wait_dma2 semaphore(%arg15 : memref<!tpu.dma_semaphore, #tpu.memory_space<semaphore_mem>>) src(%arg10 : memref<8x8x128xf32, #tpu.memory_space<vmem>>) dst(%dma_wait3A_71 : memref<8x8x128xf32, #tpu.memory_space<hbm>>)
    return
  }
}

</mosaic_0001>

<sc_bundles>
// kernel: _embedding_lookup.3.cloned.1.call-start
scs
__scs_entry_jumppad:
0x0: {  	(pc) =	sbr.rel $0x88, $3  }
0x1: {  	(tag) =	ssettag $0x0;
	lr =	simm.s32 $0x1  }
0x2: {  	[smem:$0x3F9E] =	sst lr;
	_ =	strace $0xD0000000  }
0x3: {  	_ = 	snop  }
0x4: {  	_ = 	snop  }
0x5: {  	_ = 	snop  }
0x6: {  	_ = 	snop  }
0x7: {  	_ = 	snop  }
__scs_overlays_trampoline_lowered:
0x8: {  	[smem:$0x3FAD] =	sst s0  }
0x9: {  	[smem:$0x3FAE] =	sst s1  }
0xa: {  	[smem:$0x3FAF] =	sst s2  }
0xb: {  	[smem:$0x3FB0] =	sst s3  }
0xc: {  	[smem:$0x3FB1] =	sst s4  }
0xd: {  	[smem:$0x3FB2] =	sst s5  }
0xe: {  	[smem:$0x3FB3] =	sst s6  }
0xf: {  	[smem:$0x3FB4] =	sst s7  }
0x10: {  	[smem:$0x3FB5] =	sst s8  }
0x11: {  	[smem:$0x3FB6] =	sst s9;
	s0 =	simm.s32 @!p0 $0x0  }
0x12: {  	s1 =	sld [smem:$0x3F9C];
	s0 =	simm.s32 @p0 $0x1  }
0x13: {  	[smem:$0x3FB7] =	sst s0;
	s0 =	simm.s32 @!p1 $0x0  }
0x14: {  	s2 =	sld [smem:$0x3F9B];
	s0 =	simm.s32 @p1 $0x1  }
0x15: {  	[smem:$0x3FB8] =	sst s0;
	s0 =	simm.s32 @!p2 $0x0  }
0x16: {  	s3 =	sld [smem:$0x3FDB];
	s0 =	simm.s32 @p2 $0x1  }
0x17: {  	s4 =	simm.s32 $0x1BF5;
	[smem:$0x3FBA] =	sst s0  }
0x18: {  	s0 =	sld [smem:$0x3F9D];
	_ =	swait.ge [sflag:s4], $0x0  }
0x19: {  	s7 =	sld [smem:$0x3F9E]  }
0x1a: {  	s8 =	sadd.s32 $0xFFFFE003, lr  }
0x1b: {  	s9 =	sadd.s32 $0xFFFFFEF7, lr;
	s5 =	simm.s32 $0xFFFFFFFF;
	p2 =	slt.u32 s8, $0xFFFFF086  }
0x1c: {  	p1 =	slt.u32 s9, $0xF7A;
	s5 =	simm.s32 @!p2 $0x0  }
0x1d: {  	s5 =	simm.s32 @p1 $0x1;
	p0 =	seq.s32 s7, s2  }
0x1e: {  	s7 =	smul.u32 @!p0 $0xF7A, s2;
	p2 =	seq.s32 @!p0 s5, $0x0  }
0x1f: {  	s9 =	smul.u32 $0xF7A, s1;
	s8 =	simm.s32 @!p0 $0x1BF5;
	p2 =	por !p2, p0  }
0x20: {  	[sflag:s8] =	ssyncset.s32 @!p0 $0xFFFFF086;
	s6 =	sadd.s32 @!p0 s3, s7;
	s7 =	simm.s32 @!p0 $0x108  }
0x21: {  	s3 =	sadd.s32 s3, s9;
	s6 =	sadd.s32 @!p0 $0x88, s6;
	s7 =	simm.s32 @p2 $0x1082  }
0x22: {  	[simem:s7], [sflag:s8] =	dma.local @!p0 [hbm:s6], $0xF7A  }
0x23: {  	s9 =	sor.u32 $0xD0000000, s2;
	s6 =	simm.s32 $0x108;
	_ =	swait.ge @!p0 [sflag:s8], $0x0  }
0x24: {  	s3 =	sadd.s32 $0x88, s3;
	s6 =	simm.s32 @!p1 $0x1082;
	[sflag:s4] =	ssyncset.s32 $0xFFFFF086  }
0x25: {  	[simem:s6], [sflag:s4] =	dma.local [hbm:s3], $0xF7A  }
0x26: {  	[smem:$0x3F9E] =	sst s1;
	(tag) =	ssettag s2;
	_ =	strace s9  }
0x27: {  	s1 =	sld [smem:$0x3FAE]  }
0x28: {  	s2 =	sld [smem:$0x3FAF]  }
0x29: {  	s4 =	sld [smem:$0x3FB1]  }
0x2a: {  	p0 =	seq.s32 s5, $0x0;
	s5 =	sld [smem:$0x3FB2]  }
0x2b: {  	s6 =	sld [smem:$0x3FB3]  }
0x2c: {  	s7 =	sld [smem:$0x3FB4]  }
0x2d: {  	s3 =	simm.s32 $0x108;
	s8 =	sld [smem:$0x3FB5]  }
0x2e: {  	s3 =	simm.s32 @!p0 $0x1082;
	s9 =	sld [smem:$0x3FB6]  }
0x2f: {  	lr =	sadd.s32 s0, s3;
	s0 =	sld [smem:$0x3FAD]  }
0x30: {  	s3 =	sld [smem:$0x3FB0]  }
0x31: {  	[smem:$0x3FB9] =	sst s10  }
0x32: {  	s10 =	sld [smem:$0x3FB7];
	_ =	sdelay $0x3  }
0x33: {  	p0 =	seq.s32 s10, $0x1;
	s10 =	sld [smem:$0x3FB9];
	_ =	sdelay $0x3  }
0x34: {  	[smem:$0x3FB9] =	sst s10  }
0x35: {  	s10 =	sld [smem:$0x3FB8];
	_ =	sdelay $0x3  }
0x36: {  	p1 =	seq.s32 s10, $0x1;
	s10 =	sld [smem:$0x3FB9];
	_ =	sdelay $0x3  }
0x37: {  	[smem:$0x3FB9] =	sst s10  }
0x38: {  	s10 =	sld [smem:$0x3FBA]  }
0x39: {  	_ = 	snop;
	(pc) =	sbr.ind lr, $3  }
0x3a: {  	_ = 	snop  }
0x3b: {  	_ = 	snop  }
0x3c: {  	p2 =	seq.s32 s10, $0x1;
	s10 =	sld [smem:$0x3FB9]  }
0x3d: {  	_ =	shalt  }
0x3e: {  	_ =	shalt  }
0x3f: {  	_ =	shalt  }
0x40: {  	_ =	shalt  }
0x41: {  	_ =	shalt  }
0x42: {  	_ =	shalt  }
0x43: {  	_ =	shalt  }
0x44: {  	_ =	shalt  }
0x45: {  	_ =	shalt  }
0x46: {  	_ =	shalt  }
0x47: {  	_ =	shalt  }
0x48: {  	_ =	shalt  }
0x49: {  	_ =	shalt  }
0x4a: {  	_ =	shalt  }
0x4b: {  	_ =	shalt  }
0x4c: {  	_ =	shalt  }
0x4d: {  	_ =	shalt  }
0x4e: {  	_ =	shalt  }
0x4f: {  	_ =	shalt  }
0x50: {  	_ =	shalt  }
0x51: {  	_ =	shalt  }
0x52: {  	_ =	shalt  }
0x53: {  	_ =	shalt  }
0x54: {  	_ =	shalt  }
0x55: {  	_ =	shalt  }
0x56: {  	_ =	shalt  }
0x57: {  	_ =	shalt  }
0x58: {  	_ =	shalt  }
0x59: {  	_ =	shalt  }
0x5a: {  	_ =	shalt  }
0x5b: {  	_ =	shalt  }
0x5c: {  	_ =	shalt  }
0x5d: {  	_ =	shalt  }
0x5e: {  	_ =	shalt  }
0x5f: {  	_ =	shalt  }
0x60: {  	_ =	shalt  }
0x61: {  	_ =	shalt  }
0x62: {  	_ =	shalt  }
0x63: {  	_ =	shalt  }
0x64: {  	_ =	shalt  }
0x65: {  	_ =	shalt  }
0x66: {  	_ =	shalt  }
0x67: {  	_ =	shalt  }
0x68: {  	_ =	shalt  }
0x69: {  	_ =	shalt  }
0x6a: {  	_ =	shalt  }
0x6b: {  	_ =	shalt  }
0x6c: {  	_ =	shalt  }
0x6d: {  	_ =	shalt  }
0x6e: {  	_ =	shalt  }
0x6f: {  	_ =	shalt  }
0x70: {  	_ =	shalt  }
0x71: {  	_ =	shalt  }
0x72: {  	_ =	shalt  }
0x73: {  	_ =	shalt  }
0x74: {  	_ =	shalt  }
0x75: {  	_ =	shalt  }
0x76: {  	_ =	shalt  }
0x77: {  	_ =	shalt  }
0x78: {  	_ =	shalt  }
0x79: {  	_ =	shalt  }
0x7a: {  	_ =	shalt  }
0x7b: {  	_ =	shalt  }
0x7c: {  	_ =	shalt  }
0x7d: {  	_ =	shalt  }
0x7e: {  	_ =	shalt  }
0x7f: {  	_ =	shalt  }
0x80: {  	_ =	shalt  }
0x81: {  	_ =	shalt  }
0x82: {  	_ =	shalt  }
0x83: {  	_ =	shalt  }
0x84: {  	_ =	shalt  }
0x85: {  	_ =	shalt  }
0x86: {  	_ =	shalt  }
0x87: {  	_ =	shalt  }
.Lfunc_end0:
.L_simem_size_0:
called_computation_lowered:
.L_overlay_start_0:
0x88: {  	s2 =	sld [smem:$0x3FD9]  }
0x89: {  	s3 =	sld [smem:$0x3FFE];
	_ =	sdelay $0x1  }
0x8a: {  	s1 =	srdreg.scid  }
0x8b: {  	s0 =	sand.u32 $0x1, s1  }
0x8c: {  	s17 =	sshll.u32 s0, $0xA;
	s2 =	sadd.s32 s3, s2  }
0x8d: {  	s2 =	sadd.s32 s2, s17  }
0x8e: {  	[smem:$0x3FC5] =	sst s2  }
0x8f: {  	_ = 	snop  }
0x90: {  	s2 =	sld [smem:$0x3FC9]  }
0x91: {  	s18 =	sld [smem:$0x3FD0];
	(tm) =	ssettm $0x1  }
0x92: {  	s4 =	sld [smem:$0x3FFB];
	_ =	sdelay $0x3  }
0x93: {  	_ =	strace s4  }
0x94: {  	s4 =	sld [smem:$0x3FFC];
	_ =	sdelay $0x3  }
0x95: {  	_ =	strace s4  }
0x96: {  	s4 =	sld [smem:$0x3FFD];
	_ =	sdelay $0x3  }
0x97: {  	_ =	strace s4  }
0x98: {  	_ =	strace $0x8FFFFFFF  }
0x99: {  	s19 =	sld [smem:$0x3FDB];
	_ =	sdelay $0x1  }
0x9a: {  	s5 =	simm.s32 $_scs_section_size  }
0x9b: {  	s6 =	simm.s32 $_size__tile_overlayer_lowered;
	s7 =	simm.s32 $_tile_overlayer_lowered  }
0x9c: {  	s22 =	simm.s32 $0x1BFF;
	s21 =	sshll.u32 s7, $0x1;
	s4 =	sadd.s32 s5, s19  }
0x9d: {  	s8 =	simm.s32 $0x0;
	s20 =	sshll.u32 s6, $0x1;
	s6 =	sadd.s32 s21, s4  }
0x9e: {  	[timem:s8], [sflag:s22] =	dma.local [hbm:s6], s20  }
0x9f: {  	_ =	swait.ge [sflag:s22], s20  }
0xa0: {  	s5 =	ssub.s32 $0x0, s20;
	[sflag:s22] =	ssyncset.done $0x0  }
0xa1: {  	[sflag:s22] =	ssyncadd.s32 s5;
	_ =	sdelay $0x1  }
0xa2: {  	s23 =	simm.s32 $0x1B8B  }
0xa3: {  	_ =	swait.ge [sflag:s23], $0x1  }
0xa4: {  	[sflag:s23] =	ssyncset.done $0x0  }
0xa5: {  	s25 =	simm.s32 $0x1B8E;
	s24 =	sld [smem:$0x3FFE];
	[sflag:s23] =	ssyncadd.s32 $0xFFFFFFFF  }
0xa6: {  	s26 =	simm.s32 $execute0_lowered;
	[smem:$0x3FD2] =	sst s25  }
0xa7: {  	s6 =	sshll.u32 s26, $0x1;
	_ =	strace $0x80000046;
	[dreg:$0x1] =	wrdreg $0xFFFFFFFF  }
0xa8: {  	s28 =	simm.s32 $_size_execute0_lowered;
	s4 =	sadd.s32 s4, s6;
	[dreg:$0x0] =	wrdreg $0x0  }
0xa9: {  	s6 =	sshll.u32 s28, $0x1;
	[dreg:$0x2] =	wrdreg s4  }
0xaa: {  	[dreg:$0x3] =	wrdreg s6  }
0xab: {  	[dreg:$0x4] =	wrdreg $0xC0  }
0xac: {  	_ =	task [dreg:s8], $0x5FFFF  }
0xad: {  	[dreg:$0x1] =	wrdreg $0xFFFFFFFF  }
0xae: {  	[dreg:$0x0] =	wrdreg $0x60  }
0xaf: {  	[dreg:$0x2] =	wrdreg s2  }
0xb0: {  	[dreg:$0x3] =	wrdreg s24  }
0xb1: {  	[dreg:$0x4] =	wrdreg s18  }
0xb2: {  	[dreg:$0x5] =	wrdreg $0x9  }
0xb3: {  	_ =	task.clear_ibuf [dreg:s8], $0x6FFFF;
	_ =	strace $0x90000046  }
0xb4: {  	s29 =	simm.s32 $0x9;
	_ =	strace $0x80000048  }
0xb5: {  	_ =	swait.ge [sflag:s29], $0x1  }
0xb6: {  	[sflag:s29] =	ssyncadd.s32 $0xFFFFFFFF  }
0xb7: {  	_ =	strace $0x90000048  }
0xb8: {  	_ =	sfence  }
0xb9: {  	s30 =	sld [smem:$0x0];
	_ =	sdelay $0x2  }
0xba: {  	s31 =	sshll.u32 s1, $0xD;
	s1 =	sshrl.u32 s1, $0x2  }
0xbb: {  	s3 =	sand.u32 $0x4000, s31;
	s1 =	sadd.s32 s1, s30  }
0xbc: {  	s0 =	sor.u32 s3, s0;
	s1 =	sshll.u32 s1, $0x11  }
0xbd: {  	s0 =	sor.u32 s1, s0  }
0xbe: {  	s0 =	sadd.s32 $0x8F2B, s0  }
0xbf: {  	[sflag:s0] =	ssyncadd.remote.s32 $0x1  }
0xc0: {  	_ =	sfence.sel $0xFFFF  }
0xc1: {  	[dreg:$0x0] =	wrdreg $0xFFFFFFFF;
	(pc) =	sbr.abs _section_cstart, $3  }
0xc2: {  	[dreg:$0x1] =	wrdreg $0xFFFFFFFF  }
0xc3: {  	_ =	task.clear_ibuf [dreg:s8], $0x2FFFF;
	_ =	strace $0x9FFFFFFF  }
0xc4: {  	(tm) =	ssettm $0x7FFFFFFF  }
0xc5: {  	_ =	shalt  }
tec
execute0_lowered:
.L_overlay_start_1:
0x0: {  	(tag) =	ssettag $0x1  }
0x1: {  	s7 =	rddreg [dreg:$0x0]  }
0x2: {  	s6 =	rddreg [dreg:$0x1]  }
0x3: {  	s2 =	rddreg [dreg:$0x2];
	s3 =	simm.s32 $0x0;
	v1 =	vlaneseq.u32  }
0x4: {  	[smem:$0x7FF] =	sst s3;
	v5 =	vor.u32 $0x10, v1  }
0x5: {  	s0 =	rddreg [dreg:$0x3];
	v7 =	vor.u32 $0x20, v1;
	_ =	strace $0x80000047;
	[tilespmem:$0x1FF20] =	vst v5  }
0x6: {  	v14 =	vor.u32 $0x60, v1;
	[tilespmem:$0x1FF40] =	vst v7  }
0x7: {  	v2 =	vor.u32 $0x70, v1;
	[tilespmem:$0x1FF70] =	vst v14  }
0x8: {  	v11 =	vor.u32 $0x40, v1;
	[tilespmem:$0x1FF90] =	vst v2  }
0x9: {  	v13 =	vor.u32 $0x50, v1;
	[tilespmem:$0x1FFA0] =	vst v11  }
0xa: {  	s4 =	srdreg.scid;
	s1 =	stileid.u32;
	v3 =	vmul.u32 $0x40, v1;
	v9 =	vor.u32 $0x30, v1;
	[tilespmem:$0x1FFC0] =	vst v13  }
0xb: {  	s11 =	simm.s32 $0x5;
	s12 =	simm.s32 $0x9C00;
	s13 =	simm.s32 $0x80;
	[tilespmem:$0x1FFE0] =	vst v9  }
0xc: {  	s14 =	simm.s32 $0x1C00;
	s15 =	simm.s32 $0x3C00;
	s16 =	simm.s32 $0x1;
	v4 =	vor.u32 $0x400, v3;
	[tilespmem:$0x1FFD0] =	vst v3  }
0xd: {  	s17 =	simm.s32 $0x5C00;
	s18 =	simm.s32 $0x2;
	s19 =	simm.s32 $0x4;
	v6 =	vor.u32 $0x800, v3;
	[tilespmem:$0x1FF10] =	vst v4  }
0xe: {  	s20 =	simm.s32 $0x7C00;
	s21 =	simm.s32 $0x3;
	s4 =	sand.u32 $0x1, s4;
	v8 =	vor.u32 $0xC00, v3;
	[tilespmem:$0x1FF30] =	vst v6  }
.Ltmp0:
0xf: {  	s5 =	sshll.u32 s1, $0xB;
	s8 =	sshll.u32 s4, $0xA;
	v15 =	vor.u32 $0x1800, v3;
	[tilespmem:$0x1FF50] =	vst v8;
	(pc) =	sbr.rel .LBB2_1-.Ltmp0, $4  }
0x10: {  	s22 =	simm.s32 $0x0;
	s9 =	ssub.s32 $0x2, s4;
	s4 =	sor.u32 s8, s5;
	v0 =	vor.u32 $0x1C00, v3;
	[tilespmem:$0x1FF60] =	vst v15  }
0x11: {  	s5 =	sadd.s32 $0x600, s6;
	s31 =	sshrl.u32 s9, $0x1;
	s6 =	sadd.s32 $0x400, s6;
	v12 =	vor.u32 $0x1400, v3;
	[tilespmem:$0x1FF80] =	vst v0  }
0x12: {  	v10 =	vor.u32 $0x1000, v3;
	s10 =	sshrl.u32 s4, $0x3;
	s8 =	ssub.s32 s9, s31;
	s9 =	simm.s32 $0x400;
	[tilespmem:$0x1FFB0] =	vst v12  }
0x13: {  	[tilespmem:$0x1FFF0] =	vst v10;
	s7 =	sadd.s32 s7, s10;
	s8 =	smax.u32 s8, $0x1;
	s10 =	simm.s32 $0x8000  }
.LBB2_12:
0x14: {  	_ =	swait.ge [sflag:s21], $0x2000  }
0x15: {  	[sflag:s21] =	ssyncset.done $0x0  }
0x16: {  	[sflag:s21] =	ssyncadd.s32 $0xFFFFE000  }
0x17: {  	_ =	swait.ge [sflag:s19], $0x2000  }
0x18: {  	v4 =	vld [tilespmem:$0x1FF10]  }
0x19: {  	s22 =	sadd.s32 $0x1, s22;
	v5 =	vld [tilespmem:$0x1FF20]  }
0x1a: {  	p0 =	sne.s32 s22, s8;
	v6 =	vld [tilespmem:$0x1FF30]  }
.Ltmp1:
0x1b: {  	v7 =	vld [tilespmem:$0x1FF40];
	(pc) =	sbr.rel @!p0 .LBB2_13-.Ltmp1, $4  }
0x1c: {  	v8 =	vld [tilespmem:$0x1FF50]  }
0x1d: {  	v15 =	vld [tilespmem:$0x1FF60]  }
0x1e: {  	[sflag:s19] =	ssyncset.done $0x0;
	v14 =	vld [tilespmem:$0x1FF70]  }
0x1f: {  	v0 =	vld [tilespmem:$0x1FF80];
	[sflag:s19] =	ssyncadd.s32 $0xFFFFE000  }
.LBB2_1:
0x20: {  	[tilespmem:s3], [sflag:$0x5] =	stream.strided.gather [hbm4b:s7+s9], $0x1C00, s10, s9, $0x38;
	[tilespmem:$0xA880] =	vst v63  }
0x21: {  	_ =	swait.ge [sflag:s11], $0x1C00  }
0x22: {  	[sflag:s11] =	ssyncset.done $0x0  }
0x23: {  	[sflag:s11] =	ssyncadd.s32 $0xFFFFE400  }
0x24: {  	[tilespmem:s12], [sflag:$0x5] =	stream.linear.gather [hbm4b:s6+s3], $0xC80, $0x38;
	[tilespmem:$0xA880] =	vst v63  }
0x25: {  	_ =	swait.ge [sflag:s11], $0xC80  }
0x26: {  	[sflag:s11] =	ssyncset.done $0x0  }
0x27: {  	[sflag:s11] =	ssyncadd.s32 $0xFFFFF380  }
0x28: {  	[tilespmem:s14], [sflag:$0x1] =	stream.indirect.gather [hbm4b:s5+s13], $0x40, s3, s13, $0xb8;
	[tilespmem:$0xA880] =	vst v63  }
0x29: {  	s23 =	simm.s32 $0x0  }
0x2a: {  	[tilespmem:s15], [sflag:$0x2] =	stream.indirect.gather [hbm4b:s5+s13], $0x40, s13, s13, $0xb8;
	[tilespmem:$0xA880] =	vst v63  }
.LBB2_2:
0x2b: {  	s24 =	sshll.u32 s23, $0x1;
	s25 =	simm.s32 $0x0  }
0x2c: {  	s24 =	sshll.u32 s24, $0x6;
	v24 =	vadd.s32 s25, v1  }
0x2d: {  	_ =	swait.ge [sflag:s16], $0x2000;
	v16 =	vmov v14;
	v14 =	vmov s24;
	v20 =	vand.u32 $0xF, v24  }
0x2e: {  	p0 =	seq.s32 s23, $0x0;
	v62 =	vmov v0;
	[sflag:s16] =	ssyncset.done $0x0;
	v0 =	vor.u32 v14, v20  }
0x2f: {  	[sflag:s16] =	ssyncadd.s32 $0xFFFFE000;
	s24 =	simm.s32 @!p0 $0x3;
	v17 =	vor.u32 v3, v20  }
0x30: {  	_ =	swait.ge @!p0 [sflag:s24], $0x2000  }
0x31: {  	[sflag:s24] =	ssyncset.done @!p0 $0x0  }
0x32: {  	s31 =	simm.s32 $0x1;
	[sflag:s24] =	ssyncadd.s32 @!p0 $0xFFFFE000  }
0x33: {  	v21 =	vadd.s32 s31, v1;
	v0 =	vld.idx.msk [tilespmem:v0+s12+$0x0], $0xffff  }
0x34: {  	v19 =	vand.u32 $0xF, v21;
	v18 =	vshll.u32 v24, $0x7;
	v17 =	vld.idx.msk [tilespmem:v17+s14+$0x0], $0xffff  }
0x35: {  	v22 =	vor.u32 v14, v19;
	v23 =	vand.u32 $0x780, v18  }
0x36: {  	v25 =	vor.u32 v3, v19;
	v26 =	vor.u32 v1, v23  }
0x37: {  	v27 =	vor.u32 v4, v20;
	_ =	sdelay $0x1  }
0x38: {  	v17 =	vadd.f32 v17, v0  }
0x39: {  	v22 =	vld.idx.msk [tilespmem:v22+s12+$0x0], $0xffff  }
0x3a: {  	v28 =	vshll.u32 v21, $0x7;
	v25 =	vld.idx.msk [tilespmem:v25+s14+$0x0], $0xffff;
	[tilespmem:v26+s17+$0x0] =	vst.idx.msk $0xffff, v17  }
0x3b: {  	v17 =	vand.u32 $0x780, v28;
	v26 =	vld.idx.msk [tilespmem:v27+s14+$0x0], $0xffff  }
0x3c: {  	v27 =	vor.u32 v1, v17  }
0x3d: {  	v29 =	vor.u32 v4, v19;
	v30 =	vor.u32 v5, v23  }
0x3e: {  	v31 =	vor.u32 v6, v20  }
0x3f: {  	v25 =	vadd.f32 v25, v22  }
0x40: {  	v26 =	vadd.f32 v26, v0  }
0x41: {  	[tilespmem:v27+s17+$0x0] =	vst.idx.msk $0xffff, v25  }
0x42: {  	v25 =	vld.idx.msk [tilespmem:v29+s14+$0x0], $0xffff;
	[tilespmem:v30+s17+$0x0] =	vst.idx.msk $0xffff, v26  }
0x43: {  	v26 =	vld.idx.msk [tilespmem:v31+s14+$0x0], $0xffff  }
0x44: {  	v27 =	vor.u32 v5, v17  }
0x45: {  	v29 =	vor.u32 v6, v19;
	v30 =	vor.u32 v7, v23  }
0x46: {  	v31 =	vor.u32 v8, v20  }
0x47: {  	v25 =	vadd.f32 v25, v22  }
0x48: {  	v26 =	vadd.f32 v26, v0  }
0x49: {  	[tilespmem:v27+s17+$0x0] =	vst.idx.msk $0xffff, v25  }
0x4a: {  	v25 =	vld.idx.msk [tilespmem:v29+s14+$0x0], $0xffff;
	[tilespmem:v30+s17+$0x0] =	vst.idx.msk $0xffff, v26  }
0x4b: {  	v26 =	vld.idx.msk [tilespmem:v31+s14+$0x0], $0xffff  }
0x4c: {  	v27 =	vor.u32 v7, v17  }
0x4d: {  	v29 =	vor.u32 v8, v19;
	v30 =	vor.u32 v9, v23  }
0x4e: {  	v31 =	vor.u32 v10, v20  }
0x4f: {  	v25 =	vadd.f32 v25, v22  }
0x50: {  	v26 =	vadd.f32 v26, v0  }
0x51: {  	[tilespmem:v27+s17+$0x0] =	vst.idx.msk $0xffff, v25  }
0x52: {  	v25 =	vld.idx.msk [tilespmem:v29+s14+$0x0], $0xffff;
	[tilespmem:v30+s17+$0x0] =	vst.idx.msk $0xffff, v26  }
0x53: {  	v26 =	vld.idx.msk [tilespmem:v31+s14+$0x0], $0xffff  }
0x54: {  	v27 =	vor.u32 v9, v17  }
0x55: {  	v29 =	vor.u32 v10, v19;
	v30 =	vor.u32 v11, v23  }
0x56: {  	v31 =	vor.u32 v12, v20  }
0x57: {  	v25 =	vadd.f32 v25, v22  }
0x58: {  	v26 =	vadd.f32 v26, v0  }
0x59: {  	[tilespmem:v27+s17+$0x0] =	vst.idx.msk $0xffff, v25  }
0x5a: {  	v25 =	vld.idx.msk [tilespmem:v29+s14+$0x0], $0xffff;
	[tilespmem:v30+s17+$0x0] =	vst.idx.msk $0xffff, v26  }
0x5b: {  	v26 =	vld.idx.msk [tilespmem:v31+s14+$0x0], $0xffff  }
0x5c: {  	v27 =	vor.u32 v11, v17  }
0x5d: {  	v29 =	vor.u32 v12, v19;
	v30 =	vor.u32 v13, v23  }
0x5e: {  	v31 =	vor.u32 v15, v20  }
0x5f: {  	v25 =	vadd.f32 v25, v22  }
0x60: {  	v26 =	vadd.f32 v26, v0  }
0x61: {  	[tilespmem:v27+s17+$0x0] =	vst.idx.msk $0xffff, v25  }
0x62: {  	v25 =	vld.idx.msk [tilespmem:v29+s14+$0x0], $0xffff;
	[tilespmem:v30+s17+$0x0] =	vst.idx.msk $0xffff, v26  }
0x63: {  	v26 =	vld.idx.msk [tilespmem:v31+s14+$0x0], $0xffff  }
0x64: {  	v27 =	vor.u32 v13, v17  }
0x65: {  	v29 =	vor.u32 v15, v19;
	v30 =	vor.u32 v16, v23  }
0x66: {  	v31 =	vor.u32 v62, v20  }
0x67: {  	v25 =	vadd.f32 v25, v22  }
0x68: {  	v26 =	vadd.f32 v26, v0  }
0x69: {  	[tilespmem:v27+s17+$0x0] =	vst.idx.msk $0xffff, v25  }
0x6a: {  	v25 =	vld.idx.msk [tilespmem:v29+s14+$0x0], $0xffff;
	[tilespmem:v30+s17+$0x0] =	vst.idx.msk $0xffff, v26  }
0x6b: {  	v26 =	vld.idx.msk [tilespmem:v31+s14+$0x0], $0xffff  }
0x6c: {  	v27 =	vor.u32 v16, v17  }
0x6d: {  	v23 =	vor.u32 v2, v23;
	v29 =	vor.u32 $0x10, v24;
	v30 =	vor.u32 v62, v19  }
0x6e: {  	v38 =	vand.u32 $0x1F, v29  }
0x6f: {  	v31 =	vor.u32 v14, v38;
	v25 =	vadd.f32 v25, v22  }
0x70: {  	v32 =	vor.u32 v3, v38;
	v0 =	vadd.f32 v26, v0  }
0x71: {  	[tilespmem:v27+s17+$0x0] =	vst.idx.msk $0xffff, v25  }
0x72: {  	v25 =	vld.idx.msk [tilespmem:v30+s14+$0x0], $0xffff;
	[tilespmem:v23+s17+$0x0] =	vst.idx.msk $0xffff, v0  }
0x73: {  	v0 =	vor.u32 $0x10, v21;
	[tilespmem:$0x1FE60] =	vst v21  }
0x74: {  	v17 =	vor.u32 v2, v17;
	v23 =	vshll.u32 v29, $0x7;
	v30 =	vand.u32 $0x1F, v0;
	v33 =	vld.idx.msk [tilespmem:v31+s12+$0x0], $0xffff  }
0x75: {  	v26 =	vand.u32 $0x380, v18;
	v23 =	vand.u32 $0xC00, v23;
	v18 =	vld.idx.msk [tilespmem:v32+s14+$0x0], $0xffff;
	v27 =	vor.u32 v14, v30  }
0x76: {  	v36 =	vor.u32 v26, v23;
	v23 =	vor.u32 v3, v30  }
0x77: {  	v31 =	vor.u32 v1, v36;
	v22 =	vadd.f32 v25, v22  }
0x78: {  	s25 =	simm.s32 $0x2;
	v25 =	vor.u32 v4, v38  }
0x79: {  	v48 =	vmov v21;
	v21 =	vadd.s32 s25, v1;
	[tilespmem:v17+s17+$0x0] =	vst.idx.msk $0xffff, v22  }
0x7a: {  	v0 =	vshll.u32 v0, $0x7;
	v32 =	vand.u32 $0xF, v21;
	v17 =	vadd.f32 v18, v33;
	v29 =	vld.idx.msk [tilespmem:v27+s12+$0x0], $0xffff  }
0x7b: {  	v0 =	vand.u32 $0xC00, v0;
	v18 =	vor.u32 v14, v32;
	v22 =	vld.idx.msk [tilespmem:v23+s14+$0x0], $0xffff;
	v27 =	vand.u32 $0x380, v28  }
0x7c: {  	v34 =	vor.u32 v3, v32;
	v35 =	vor.u32 v27, v0;
	[tilespmem:v31+s17+$0x0] =	vst.idx.msk $0xffff, v17  }
0x7d: {  	v17 =	vor.u32 v1, v35;
	v0 =	vld.idx.msk [tilespmem:v25+s14+$0x0], $0xffff  }
0x7e: {  	v25 =	vor.u32 v4, v30  }
0x7f: {  	v31 =	vor.u32 v5, v36  }
0x80: {  	v37 =	vor.u32 v6, v38;
	v28 =	vld.idx.msk [tilespmem:v18+s12+$0x0], $0xffff;
	v18 =	vadd.f32 v22, v29  }
0x81: {  	v23 =	vshll.u32 v21, $0x7;
	v22 =	vld.idx.msk [tilespmem:v34+s14+$0x0], $0xffff  }
0x82: {  	v34 =	vand.u32 $0x780, v23;
	[tilespmem:v17+s17+$0x0] =	vst.idx.msk $0xffff, v18;
	v0 =	vadd.f32 v0, v33  }
0x83: {  	v17 =	vor.u32 v1, v34;
	v25 =	vld.idx.msk [tilespmem:v25+s14+$0x0], $0xffff  }
0x84: {  	s26 =	simm.s32 $0x3;
	v47 =	vmov v16;
	[tilespmem:v31+s17+$0x0] =	vst.idx.msk $0xffff, v0  }
0x85: {  	v16 =	vmovc v2;
	v2 =	vadd.s32 s26, v1;
	v39 =	vor.u32 v4, v32;
	v56 =	vor.u32 v5, v35;
	v0 =	vld.idx.msk [tilespmem:v37+s14+$0x0], $0xffff  }
0x86: {  	v40 =	vor.u32 v6, v30;
	v22 =	vadd.f32 v22, v28;
	v31 =	vand.u32 $0xF, v2  }
0x87: {  	v41 =	vor.u32 v7, v36;
	v57 =	vor.u32 v3, v31  }
0x88: {  	v42 =	vor.u32 v8, v38;
	[tilespmem:v17+s17+$0x0] =	vst.idx.msk $0xffff, v22;
	v17 =	vadd.f32 v25, v29  }
0x89: {  	v25 =	vor.u32 v14, v31  }
0x8a: {  	v22 =	vld.idx.msk [tilespmem:v39+s14+$0x0], $0xffff;
	[tilespmem:v56+s17+$0x0] =	vst.idx.msk $0xffff, v17;
	v0 =	vadd.f32 v0, v33  }
0x8b: {  	v40 =	vld.idx.msk [tilespmem:v40+s14+$0x0], $0xffff  }
0x8c: {  	v17 =	vor.u32 v5, v34;
	v39 =	vld.idx.msk [tilespmem:v57+s14+$0x0], $0xffff;
	[tilespmem:v41+s17+$0x0] =	vst.idx.msk $0xffff, v0  }
0x8d: {  	v43 =	vor.u32 v6, v32;
	v0 =	vld.idx.msk [tilespmem:v42+s14+$0x0], $0xffff  }
0x8e: {  	v52 =	vshll.u32 v2, $0x7;
	v60 =	vor.u32 v8, v30;
	v58 =	vor.u32 v7, v35;
	v25 =	vld.idx.msk [tilespmem:v25+s12+$0x0], $0xffff  }
0x8f: {  	v44 =	vor.u32 v9, v36;
	v37 =	vand.u32 $0x780, v52;
	v59 =	vadd.f32 v22, v28  }
0x90: {  	v45 =	vor.u32 v10, v38;
	v63 =	vor.u32 v1, v37;
	[tilespmem:$0x1FE90] =	vst v2  }
0x91: {  	v46 =	vor.u32 v4, v31;
	[tilespmem:v17+s17+$0x0] =	vst.idx.msk $0xffff, v59;
	v17 =	vadd.f32 v40, v29  }
0x92: {  	v61 =	vld.idx.msk [tilespmem:v43+s14+$0x0], $0xffff;
	v0 =	vadd.f32 v0, v33  }
0x93: {  	[tilespmem:v58+s17+$0x0] =	vst.idx.msk $0xffff, v17;
	v39 =	vadd.f32 v39, v25  }
0x94: {  	v17 =	vor.u32 v7, v34;
	v41 =	vld.idx.msk [tilespmem:v60+s14+$0x0], $0xffff;
	[tilespmem:v44+s17+$0x0] =	vst.idx.msk $0xffff, v0  }
0x95: {  	[tilespmem:v63+s17+$0x0] =	vst.idx.msk $0xffff, v39;
	v0 =	vor.u32 v8, v32;
	v49 =	vld.idx.msk [tilespmem:v45+s14+$0x0], $0xffff  }
0x96: {  	v50 =	vor.u32 v9, v35;
	v55 =	vld.idx.msk [tilespmem:v46+s14+$0x0], $0xffff  }
0x97: {  	v53 =	vor.u32 v10, v30;
	v54 =	vor.u32 v11, v36;
	v51 =	vadd.f32 v61, v28  }
0x98: {  	v56 =	vor.u32 v12, v38;
	v57 =	vor.u32 v5, v37  }
0x99: {  	v59 =	vor.u32 v6, v31;
	[tilespmem:v17+s17+$0x0] =	vst.idx.msk $0xffff, v51;
	v17 =	vadd.f32 v41, v29  }
0x9a: {  	v0 =	vld.idx.msk [tilespmem:v0+s14+$0x0], $0xffff;
	v58 =	vadd.f32 v49, v33  }
0x9b: {  	[tilespmem:v50+s17+$0x0] =	vst.idx.msk $0xffff, v17;
	v61 =	vadd.f32 v55, v25  }
0x9c: {  	v17 =	vor.u32 v9, v34;
	v40 =	vld.idx.msk [tilespmem:v53+s14+$0x0], $0xffff;
	[tilespmem:v54+s17+$0x0] =	vst.idx.msk $0xffff, v58  }
0x9d: {  	v60 =	vor.u32 v10, v32;
	[tilespmem:v57+s17+$0x0] =	vst.idx.msk $0xffff, v61;
	v63 =	vld.idx.msk [tilespmem:v56+s14+$0x0], $0xffff  }
0x9e: {  	v49 =	vor.u32 v11, v35;
	v42 =	vld.idx.msk [tilespmem:v59+s14+$0x0], $0xffff  }
0x9f: {  	v51 =	vor.u32 v13, v36;
	v50 =	vor.u32 v12, v30;
	v0 =	vadd.f32 v0, v28  }
0xa0: {  	v53 =	vor.u32 v15, v38;
	v54 =	vor.u32 v7, v37  }
0xa1: {  	v56 =	vor.u32 v8, v31;
	[tilespmem:v17+s17+$0x0] =	vst.idx.msk $0xffff, v0;
	v0 =	vadd.f32 v40, v29  }
0xa2: {  	v17 =	vld.idx.msk [tilespmem:v60+s14+$0x0], $0xffff;
	v55 =	vadd.f32 v63, v33  }
0xa3: {  	v59 =	vadd.f32 v42, v25;
	[tilespmem:v49+s17+$0x0] =	vst.idx.msk $0xffff, v0  }
0xa4: {  	v57 =	vor.u32 v11, v34;
	v0 =	vld.idx.msk [tilespmem:v50+s14+$0x0], $0xffff;
	[tilespmem:v51+s17+$0x0] =	vst.idx.msk $0xffff, v55  }
0xa5: {  	v58 =	vor.u32 v12, v32;
	[tilespmem:v54+s17+$0x0] =	vst.idx.msk $0xffff, v59;
	v60 =	vld.idx.msk [tilespmem:v53+s14+$0x0], $0xffff  }
0xa6: {  	v61 =	vor.u32 v13, v35;
	v44 =	vld.idx.msk [tilespmem:v56+s14+$0x0], $0xffff  }
0xa7: {  	v63 =	vor.u32 v15, v30;
	v49 =	vor.u32 v47, v36;
	v17 =	vadd.f32 v17, v28  }
0xa8: {  	v38 =	vor.u32 v62, v38;
	v50 =	vor.u32 v9, v37  }
0xa9: {  	v51 =	vor.u32 v10, v31;
	[tilespmem:v57+s17+$0x0] =	vst.idx.msk $0xffff, v17;
	v0 =	vadd.f32 v0, v29  }
0xaa: {  	v17 =	vld.idx.msk [tilespmem:v58+s14+$0x0], $0xffff;
	v42 =	vadd.f32 v60, v33  }
0xab: {  	v55 =	vadd.f32 v44, v25;
	[tilespmem:v61+s17+$0x0] =	vst.idx.msk $0xffff, v0  }
0xac: {  	v20 =	vor.u32 $0x20, v20;
	v53 =	vor.u32 v13, v34;
	v0 =	vld.idx.msk [tilespmem:v63+s14+$0x0], $0xffff;
	[tilespmem:v49+s17+$0x0] =	vst.idx.msk $0xffff, v42  }
0xad: {  	v36 =	vor.u32 v16, v36;
	v54 =	vor.u32 v15, v32;
	[tilespmem:v50+s17+$0x0] =	vst.idx.msk $0xffff, v55;
	v38 =	vld.idx.msk [tilespmem:v38+s14+$0x0], $0xffff  }
0xae: {  	v56 =	vand.u32 $0x7, v24;
	v57 =	vor.u32 v47, v35;
	v58 =	vand.u32 $0x28, v20;
	v41 =	vld.idx.msk [tilespmem:v51+s14+$0x0], $0xffff  }
0xaf: {  	v59 =	vor.u32 v62, v30;
	v30 =	vor.u32 v56, v58;
	v17 =	vadd.f32 v17, v28  }
0xb0: {  	v61 =	vor.u32 v11, v37;
	v42 =	vor.u32 v14, v30  }
0xb1: {  	v60 =	vor.u32 v3, v30;
	[tilespmem:v53+s17+$0x0] =	vst.idx.msk $0xffff, v17;
	v0 =	vadd.f32 v0, v29  }
0xb2: {  	v63 =	vor.u32 v12, v31;
	v43 =	vld.idx.msk [tilespmem:v54+s14+$0x0], $0xffff;
	v33 =	vadd.f32 v38, v33  }
0xb3: {  	v35 =	vor.u32 v16, v35;
	v49 =	vadd.f32 v41, v25;
	[tilespmem:v57+s17+$0x0] =	vst.idx.msk $0xffff, v0  }
0xb4: {  	v19 =	vor.u32 $0x20, v19;
	v0 =	vshll.u32 v20, $0x7;
	v20 =	vor.u32 v47, v34;
	v39 =	vld.idx.msk [tilespmem:v59+s14+$0x0], $0xffff;
	[tilespmem:v36+s17+$0x0] =	vst.idx.msk $0xffff, v33  }
0xb5: {  	v50 =	vand.u32 $0x7, v48;
	v51 =	vand.u32 $0x28, v19;
	v17 =	vor.u32 v62, v32;
	v36 =	vld.idx.msk [tilespmem:v42+s12+$0x0], $0xffff  }
0xb6: {  	v40 =	vor.u32 v50, v51;
	v0 =	vand.u32 $0x1400, v0;
	[tilespmem:v61+s17+$0x0] =	vst.idx.msk $0xffff, v49;
	v53 =	vld.idx.msk [tilespmem:v60+s14+$0x0], $0xffff  }
0xb7: {  	v55 =	vor.u32 v14, v40;
	v42 =	vor.u32 v26, v0;
	v0 =	vld.idx.msk [tilespmem:v63+s14+$0x0], $0xffff;
	v54 =	vadd.f32 v43, v28  }
0xb8: {  	v58 =	vor.u32 v4, v30;
	v56 =	vor.u32 v3, v40;
	v57 =	vor.u32 v1, v42  }
0xb9: {  	v59 =	vor.u32 v13, v37;
	[tilespmem:v20+s17+$0x0] =	vst.idx.msk $0xffff, v54;
	v20 =	vadd.f32 v39, v29  }
0xba: {  	v60 =	vor.u32 v15, v31;
	v17 =	vld.idx.msk [tilespmem:v17+s14+$0x0], $0xffff  }
0xbb: {  	v19 =	vshll.u32 v19, $0x7;
	v29 =	vor.u32 $0x10, v21;
	[tilespmem:v35+s17+$0x0] =	vst.idx.msk $0xffff, v20;
	v20 =	vadd.f32 v53, v36  }
0xbc: {  	v34 =	vor.u32 v16, v34;
	v33 =	vand.u32 $0x1F, v29;
	v0 =	vadd.f32 v0, v25;
	v48 =	vld.idx.msk [tilespmem:v55+s12+$0x0], $0xffff  }
0xbd: {  	v19 =	vand.u32 $0x1400, v19;
	v61 =	vor.u32 v14, v33;
	v38 =	vld.idx.msk [tilespmem:v56+s14+$0x0], $0xffff;
	[tilespmem:v57+s17+$0x0] =	vst.idx.msk $0xffff, v20  }
0xbe: {  	v50 =	vor.u32 v27, v19;
	v20 =	vor.u32 v3, v33;
	[tilespmem:v59+s17+$0x0] =	vst.idx.msk $0xffff, v0;
	v39 =	vld.idx.msk [tilespmem:v58+s14+$0x0], $0xffff  }
0xbf: {  	v0 =	vadd.f32 v17, v28;
	v17 =	vor.u32 v1, v50;
	v28 =	vld.idx.msk [tilespmem:v60+s14+$0x0], $0xffff  }
0xc0: {  	v63 =	vor.u32 v4, v40;
	v49 =	vor.u32 v5, v42  }
0xc1: {  	v51 =	vor.u32 v47, v37;
	[tilespmem:v34+s17+$0x0] =	vst.idx.msk $0xffff, v0;
	v0 =	vor.u32 v6, v30  }
0xc2: {  	v19 =	vand.u32 $0x380, v23;
	v55 =	vor.u32 v62, v31;
	v53 =	vadd.f32 v38, v48;
	v34 =	vld.idx.msk [tilespmem:v61+s12+$0x0], $0xffff  }
0xc3: {  	v29 =	vshll.u32 v29, $0x7;
	v54 =	vld.idx.msk [tilespmem:v20+s14+$0x0], $0xffff;
	[tilespmem:$0x1FE80] =	vst v19;
	v20 =	vadd.f32 v39, v36  }
0xc4: {  	v23 =	vand.u32 $0xC00, v29;
	[tilespmem:v17+s17+$0x0] =	vst.idx.msk $0xffff, v53;
	v17 =	vadd.f32 v28, v25  }
0xc5: {  	v35 =	vor.u32 v19, v23;
	v23 =	vld.idx.msk [tilespmem:v63+s14+$0x0], $0xffff;
	[tilespmem:v49+s17+$0x0] =	vst.idx.msk $0xffff, v20  }
0xc6: {  	v29 =	vor.u32 v1, v35;
	v0 =	vld.idx.msk [tilespmem:v0+s14+$0x0], $0xffff;
	[tilespmem:v51+s17+$0x0] =	vst.idx.msk $0xffff, v17  }
0xc7: {  	v56 =	vor.u32 v4, v33;
	v17 =	vor.u32 v5, v50;
	v57 =	vld.idx.msk [tilespmem:v55+s14+$0x0], $0xffff  }
0xc8: {  	v59 =	vor.u32 v7, v42;
	v58 =	vor.u32 v6, v40;
	v60 =	vor.u32 $0x10, v2  }
0xc9: {  	s28 =	simm.s32 $0x4;
	v18 =	vmovc v47;
	v37 =	vor.u32 v16, v37;
	v47 =	vand.u32 $0x1F, v60;
	v38 =	vadd.f32 v54, v34  }
0xca: {  	v61 =	vor.u32 v8, v30;
	v28 =	vadd.s32 s28, v1;
	v20 =	vmovc v21;
	v23 =	vadd.f32 v23, v48  }
0xcb: {  	v21 =	vand.u32 $0xF, v28;
	[tilespmem:v29+s17+$0x0] =	vst.idx.msk $0xffff, v38;
	v29 =	vor.u32 v14, v47;
	v0 =	vadd.f32 v0, v36  }
0xcc: {  	v38 =	vld.idx.msk [tilespmem:v56+s14+$0x0], $0xffff;
	[tilespmem:v17+s17+$0x0] =	vst.idx.msk $0xffff, v23;
	v17 =	vor.u32 v3, v47;
	v25 =	vadd.f32 v57, v25  }
0xcd: {  	v22 =	vmov v9;
	v23 =	vor.u32 v14, v21;
	v63 =	vld.idx.msk [tilespmem:v58+s14+$0x0], $0xffff;
	[tilespmem:v59+s17+$0x0] =	vst.idx.msk $0xffff, v0  }
0xce: {  	v1 =	vshll.u32 v28, $0x7;
	v49 =	vor.u32 v3, v21;
	v0 =	vor.u32 v5, v35;
	[tilespmem:v37+s17+$0x0] =	vst.idx.msk $0xffff, v25  }
0xcf: {  	v9 =	vand.u32 $0x380, v52;
	v51 =	vor.u32 v7, v50;
	v46 =	vld.idx.msk [tilespmem:v61+s14+$0x0], $0xffff;
	v25 =	vor.u32 v6, v33;
	[tilespmem:$0x1FEA0] =	vst v1  }
0xd0: {  	v19 =	vlaneseq.u32;
	v56 =	vshll.u32 v60, $0x7;
	v44 =	vld.idx.msk [tilespmem:v29+s12+$0x0], $0xffff;
	v29 =	vor.u32 v8, v40  }
0xd1: {  	v57 =	vand.u32 $0xC00, v56;
	v58 =	vor.u32 v22, v42;
	v38 =	vadd.f32 v38, v34;
	v17 =	vld.idx.msk [tilespmem:v17+s14+$0x0], $0xffff  }
0xd2: {  	v43 =	vor.u32 v9, v57;
	v59 =	vor.u32 v10, v30;
	v39 =	vld.idx.msk [tilespmem:v23+s12+$0x0], $0xffff;
	v23 =	vadd.f32 v63, v48  }
0xd3: {  	v45 =	vand.u32 $0x780, v1;
	v60 =	vor.u32 v19, v43;
	[tilespmem:v0+s17+$0x0] =	vst.idx.msk $0xffff, v38;
	v0 =	vld.idx.msk [tilespmem:v49+s14+$0x0], $0xffff  }
0xd4: {  	v25 =	vld.idx.msk [tilespmem:v25+s14+$0x0], $0xffff;
	v46 =	vadd.f32 v46, v36;
	[tilespmem:v51+s17+$0x0] =	vst.idx.msk $0xffff, v23;
	v23 =	vor.u32 v4, v47  }
0xd5: {  	v53 =	vor.u32 v7, v35;
	v61 =	vor.u32 v19, v45;
	v29 =	vld.idx.msk [tilespmem:v29+s14+$0x0], $0xffff  }
0xd6: {  	v63 =	vor.u32 v4, v21;
	[tilespmem:v58+s17+$0x0] =	vst.idx.msk $0xffff, v46;
	v17 =	vadd.f32 v17, v44  }
0xd7: {  	v57 =	vor.u32 v8, v33;
	v58 =	vor.u32 v22, v50;
	v41 =	vld.idx.msk [tilespmem:v59+s14+$0x0], $0xffff  }
0xd8: {  	v0 =	vadd.f32 v0, v39;
	[tilespmem:v60+s17+$0x0] =	vst.idx.msk $0xffff, v17;
	v17 =	vor.u32 v10, v40  }
0xd9: {  	v54 =	vor.u32 v11, v42;
	v25 =	vadd.f32 v25, v34;
	v38 =	vld.idx.msk [tilespmem:v23+s14+$0x0], $0xffff  }
0xda: {  	s29 =	simm.s32 $0x5;
	v59 =	vor.u32 v12, v30;
	[tilespmem:v61+s17+$0x0] =	vst.idx.msk $0xffff, v0;
	v0 =	vadd.f32 v29, v48  }
0xdb: {  	v23 =	vadd.s32 s29, v19;
	v51 =	vld.idx.msk [tilespmem:v63+s14+$0x0], $0xffff;
	[tilespmem:v53+s17+$0x0] =	vst.idx.msk $0xffff, v25;
	v25 =	vor.u32 v5, v43  }
0xdc: {  	v46 =	vld.idx.msk [tilespmem:v57+s14+$0x0], $0xffff;
	v41 =	vadd.f32 v41, v36;
	[tilespmem:v58+s17+$0x0] =	vst.idx.msk $0xffff, v0;
	v0 =	vor.u32 v6, v47  }
0xdd: {  	v60 =	vor.u32 v5, v45;
	v1 =	vand.u32 $0xF, v23;
	v17 =	vld.idx.msk [tilespmem:v17+s14+$0x0], $0xffff  }
0xde: {  	v63 =	vor.u32 v3, v1;
	[tilespmem:v54+s17+$0x0] =	vst.idx.msk $0xffff, v41;
	v38 =	vadd.f32 v38, v44  }
0xdf: {  	v55 =	vor.u32 v11, v50;
	v61 =	vor.u32 v14, v1;
	v49 =	vld.idx.msk [tilespmem:v59+s14+$0x0], $0xffff  }
0xe0: {  	v57 =	vor.u32 v22, v35;
	[tilespmem:v25+s17+$0x0] =	vst.idx.msk $0xffff, v38;
	v25 =	vor.u32 v12, v40  }
0xe1: {  	v56 =	vor.u32 v6, v21;
	v58 =	vor.u32 v13, v42;
	v41 =	vadd.f32 v51, v39;
	v0 =	vld.idx.msk [tilespmem:v0+s14+$0x0], $0xffff  }
0xe2: {  	v59 =	vor.u32 v10, v33;
	v51 =	vadd.f32 v46, v34;
	v17 =	vadd.f32 v17, v48  }
0xe3: {  	v54 =	vld.idx.msk [tilespmem:v63+s14+$0x0], $0xffff;
	v38 =	vshll.u32 v23, $0x7;
	[tilespmem:v60+s17+$0x0] =	vst.idx.msk $0xffff, v41;
	v60 =	vor.u32 v7, v43  }
0xe4: {  	v63 =	vor.u32 v8, v47;
	v41 =	vld.idx.msk [tilespmem:v61+s12+$0x0], $0xffff;
	[tilespmem:v55+s17+$0x0] =	vst.idx.msk $0xffff, v17;
	v17 =	vadd.f32 v49, v36  }
0xe5: {  	v61 =	vor.u32 v15, v30;
	v46 =	vand.u32 $0x780, v38;
	[tilespmem:v57+s17+$0x0] =	vst.idx.msk $0xffff, v51;
	v55 =	vld.idx.msk [tilespmem:v25+s14+$0x0], $0xffff  }
0xe6: {  	v51 =	vor.u32 v19, v46;
	v0 =	vadd.f32 v0, v44;
	[tilespmem:v58+s17+$0x0] =	vst.idx.msk $0xffff, v17;
	v17 =	vld.idx.msk [tilespmem:v56+s14+$0x0], $0xffff  }
0xe7: {  	v56 =	vor.u32 v13, v50;
	v58 =	vld.idx.msk [tilespmem:v59+s14+$0x0], $0xffff  }
0xe8: {  	v37 =	vor.u32 v7, v45;
	v57 =	vor.u32 v4, v1;
	[tilespmem:v60+s17+$0x0] =	vst.idx.msk $0xffff, v0  }
0xe9: {  	v59 =	vor.u32 v8, v21;
	v54 =	vadd.f32 v54, v41;
	v60 =	vor.u32 v11, v35;
	v49 =	vld.idx.msk [tilespmem:v63+s14+$0x0], $0xffff  }
0xea: {  	v52 =	vld.idx.msk [tilespmem:v61+s14+$0x0], $0xffff;
	v61 =	vor.u32 v12, v33;
	v0 =	vor.u32 v15, v40;
	v55 =	vadd.f32 v55, v48  }
0xeb: {  	[tilespmem:v51+s17+$0x0] =	vst.idx.msk $0xffff, v54;
	v63 =	vor.u32 v22, v43;
	v17 =	vadd.f32 v17, v39  }
0xec: {  	v54 =	vor.u32 v18, v42;
	[tilespmem:v56+s17+$0x0] =	vst.idx.msk $0xffff, v55;
	v56 =	vadd.f32 v58, v34  }
0xed: {  	v55 =	vld.idx.msk [tilespmem:v57+s14+$0x0], $0xffff;
	[tilespmem:v37+s17+$0x0] =	vst.idx.msk $0xffff, v17  }
0xee: {  	v2 =	vmov v62;
	v53 =	vld.idx.msk [tilespmem:v59+s14+$0x0], $0xffff;
	[tilespmem:v60+s17+$0x0] =	vst.idx.msk $0xffff, v56;
	v56 =	vadd.f32 v49, v44  }
0xef: {  	v62 =	vor.u32 v62, v30;
	v52 =	vadd.f32 v52, v36;
	v58 =	vor.u32 v5, v46;
	v0 =	vld.idx.msk [tilespmem:v0+s14+$0x0], $0xffff  }
0xf0: {  	v57 =	vor.u32 v10, v47;
	[tilespmem:v63+s17+$0x0] =	vst.idx.msk $0xffff, v56;
	v56 =	vor.u32 v22, v45  }
0xf1: {  	[tilespmem:v54+s17+$0x0] =	vst.idx.msk $0xffff, v52;
	v52 =	vor.u32 v18, v50;
	v54 =	vld.idx.msk [tilespmem:v61+s14+$0x0], $0xffff;
	v63 =	vor.u32 v10, v21  }
0xf2: {  	v55 =	vadd.f32 v55, v41  }
0xf3: {  	v59 =	vor.u32 v6, v1;
	v53 =	vadd.f32 v53, v39  }
0xf4: {  	v61 =	vld.idx.msk [tilespmem:v62+s14+$0x0], $0xffff;
	v0 =	vadd.f32 v0, v48;
	[tilespmem:v58+s17+$0x0] =	vst.idx.msk $0xffff, v55  }
0xf5: {  	v62 =	vor.u32 v2, v40;
	v57 =	vld.idx.msk [tilespmem:v57+s14+$0x0], $0xffff;
	v55 =	vor.u32 v13, v35;
	[tilespmem:v56+s17+$0x0] =	vst.idx.msk $0xffff, v53  }
0xf6: {  	[tilespmem:v52+s17+$0x0] =	vst.idx.msk $0xffff, v0;
	v56 =	vor.u32 v16, v42;
	v42 =	vadd.f32 v54, v34;
	v54 =	vld.idx.msk [tilespmem:v63+s14+$0x0], $0xffff  }
0xf7: {  	v24 =	vor.u32 $0x30, v24;
	v51 =	vor.u32 v2, v21;
	v52 =	vor.u32 v11, v43;
	v63 =	vld [tilespmem:$0x1FE60]  }
0xf8: {  	v37 =	vor.u32 v15, v21;
	v49 =	vand.u32 $0x3F, v24;
	v0 =	vor.u32 v15, v33;
	v59 =	vld.idx.msk [tilespmem:v59+s14+$0x0], $0xffff  }
0xf9: {  	v29 =	vmovc v21;
	v60 =	vor.u32 v12, v21;
	v50 =	vor.u32 v16, v50;
	v17 =	vor.u32 v3, v49  }
0xfa: {  	s30 =	simm.s32 $0x6;
	v21 =	vor.u32 v14, v49;
	v53 =	vor.u32 v12, v47;
	v62 =	vld.idx.msk [tilespmem:v62+s14+$0x0], $0xffff;
	v57 =	vadd.f32 v57, v44  }
0xfb: {  	v25 =	vadd.s32 s30, v19;
	v36 =	vadd.f32 v61, v36;
	v61 =	vor.u32 v7, v46;
	[tilespmem:v55+s17+$0x0] =	vst.idx.msk $0xffff, v42  }
0xfc: {  	v30 =	vand.u32 $0xF, v25;
	v55 =	vor.u32 v8, v1;
	v42 =	vmovc v8;
	[tilespmem:v52+s17+$0x0] =	vst.idx.msk $0xffff, v57;
	v63 =	vor.u32 $0x30, v63  }
0xfd: {  	v8 =	vmovc v7;
	v52 =	vld.idx.msk [tilespmem:v0+s14+$0x0], $0xffff;
	v59 =	vadd.f32 v59, v41;
	v0 =	vor.u32 v4, v30;
	v7 =	vand.u32 $0x3F, v63  }
0xfe: {  	[tilespmem:v56+s17+$0x0] =	vst.idx.msk $0xffff, v36;
	v56 =	vor.u32 v11, v45;
	v57 =	vor.u32 v14, v7  }
0xff: {  	v24 =	vshll.u32 v24, $0x7;
	v53 =	vld.idx.msk [tilespmem:v53+s14+$0x0], $0xffff;
	v48 =	vadd.f32 v62, v48;
	[tilespmem:$0x1FEF0] =	vst v0;
	v36 =	vor.u32 v3, v7  }
0x100: {  	v33 =	vor.u32 v2, v33;
	v62 =	vand.u32 $0x1C00, v24;
	v21 =	vld.idx.msk [tilespmem:v21+s12+$0x0], $0xffff;
	[tilespmem:v61+s17+$0x0] =	vst.idx.msk $0xffff, v59  }
0x101: {  	v61 =	vor.u32 v18, v35;
	v17 =	vld.idx.msk [tilespmem:v17+s14+$0x0], $0xffff;
	[tilespmem:v50+s17+$0x0] =	vst.idx.msk $0xffff, v48;
	v50 =	vadd.f32 v54, v39  }
0x102: {  	v26 =	vor.u32 v26, v62;
	v48 =	vor.u32 v13, v43;
	v54 =	vor.u32 v15, v47;
	v55 =	vld.idx.msk [tilespmem:v55+s14+$0x0], $0xffff  }
0x103: {  	v62 =	vshll.u32 v63, $0x7;
	v52 =	vadd.f32 v52, v34;
	[tilespmem:v56+s17+$0x0] =	vst.idx.msk $0xffff, v50;
	v24 =	vld.idx.msk [tilespmem:v57+s12+$0x0], $0xffff  }
0x104: {  	v50 =	vadd.f32 v53, v44;
	v53 =	vor.u32 v19, v26;
	v56 =	vand.u32 $0x1C00, v62;
	v36 =	vld.idx.msk [tilespmem:v36+s14+$0x0], $0xffff  }
0x105: {  	v27 =	vor.u32 v27, v56;
	v57 =	vld.idx.msk [tilespmem:v60+s14+$0x0], $0xffff;
	v60 =	vor.u32 v22, v46  }
0x106: {  	[tilespmem:v61+s17+$0x0] =	vst.idx.msk $0xffff, v52;
	v52 =	vor.u32 v4, v49;
	v62 =	vor.u32 v19, v27  }
0x107: {  	v56 =	vor.u32 v10, v1;
	[tilespmem:v48+s17+$0x0] =	vst.idx.msk $0xffff, v50;
	v17 =	vadd.f32 v17, v21;
	v61 =	vld.idx.msk [tilespmem:v33+s14+$0x0], $0xffff  }
0x108: {  	v50 =	vor.u32 v13, v45;
	v55 =	vadd.f32 v55, v41;
	v54 =	vld.idx.msk [tilespmem:v54+s14+$0x0], $0xffff  }
0x109: {  	v32 =	vor.u32 $0x20, v32;
	v35 =	vor.u32 v16, v35;
	[tilespmem:v53+s17+$0x0] =	vst.idx.msk $0xffff, v17;
	v17 =	vadd.f32 v36, v24  }
0x10a: {  	v58 =	vand.u32 $0x7, v20;
	v63 =	vand.u32 $0x28, v32;
	v53 =	vor.u32 v18, v43;
	[tilespmem:v60+s17+$0x0] =	vst.idx.msk $0xffff, v55  }
0x10b: {  	v33 =	vor.u32 v58, v63;
	v52 =	vld.idx.msk [tilespmem:v52+s14+$0x0], $0xffff;
	v63 =	vadd.f32 v57, v39;
	[tilespmem:v62+s17+$0x0] =	vst.idx.msk $0xffff, v17  }
0x10c: {  	v34 =	vadd.f32 v61, v34;
	v17 =	vld.idx.msk [tilespmem:v56+s14+$0x0], $0xffff;
	[tilespmem:$0x1FE70] =	vst v28  }
0x10d: {  	v54 =	vadd.f32 v54, v44;
	[tilespmem:v50+s17+$0x0] =	vst.idx.msk $0xffff, v63  }
0x10e: {  	v48 =	vor.u32 v4, v7;
	[tilespmem:v35+s17+$0x0] =	vst.idx.msk $0xffff, v34  }
0x10f: {  	[tilespmem:v53+s17+$0x0] =	vst.idx.msk $0xffff, v54  }
0x110: {  	v0 =	vld [tilespmem:$0x1FE80]  }
0x111: {  	v36 =	vor.u32 v14, v33  }
0x112: {  	v47 =	vor.u32 v2, v47  }
0x113: {  	v55 =	vor.u32 v5, v26;
	v56 =	vor.u32 v3, v33;
	v48 =	vld.idx.msk [tilespmem:v48+s14+$0x0], $0xffff;
	v50 =	vshll.u32 v32, $0x7  }
0x114: {  	v60 =	vor.u32 v11, v46;
	v37 =	vld.idx.msk [tilespmem:v37+s14+$0x0], $0xffff;
	v54 =	vand.u32 $0x1400, v50  }
0x115: {  	v61 =	vor.u32 v12, v1;
	v62 =	vor.u32 v5, v27;
	v35 =	vor.u32 v0, v54;
	v0 =	vld [tilespmem:$0x1FE90]  }
0x116: {  	v57 =	vor.u32 v6, v49;
	v34 =	vor.u32 v18, v45;
	v32 =	vld.idx.msk [tilespmem:v36+s12+$0x0], $0xffff;
	v36 =	vadd.f32 v52, v21  }
0x117: {  	v31 =	vor.u32 $0x20, v31;
	v59 =	vor.u32 v42, v49;
	v47 =	vld.idx.msk [tilespmem:v47+s14+$0x0], $0xffff;
	v17 =	vadd.f32 v17, v41  }
0x118: {  	v50 =	vor.u32 v6, v7;
	v52 =	vld.idx.msk [tilespmem:v56+s14+$0x0], $0xffff;
	v48 =	vadd.f32 v48, v24;
	[tilespmem:v55+s17+$0x0] =	vst.idx.msk $0xffff, v36  }
0x119: {  	v58 =	vor.u32 $0x10, v28;
	[tilespmem:v60+s17+$0x0] =	vst.idx.msk $0xffff, v17;
	v17 =	vor.u32 v16, v43;
	v37 =	vadd.f32 v37, v39  }
0x11a: {  	v63 =	vand.u32 $0x28, v31;
	v54 =	vld.idx.msk [tilespmem:v61+s14+$0x0], $0xffff;
	[tilespmem:v62+s17+$0x0] =	vst.idx.msk $0xffff, v48;
	v48 =	vor.u32 v19, v35;
	v53 =	vand.u32 $0x7, v0  }
0x11b: {  	v45 =	vor.u32 v16, v45;
	[tilespmem:v34+s17+$0x0] =	vst.idx.msk $0xffff, v37;
	v36 =	vor.u32 v53, v63;
	v53 =	vld.idx.msk [tilespmem:v57+s14+$0x0], $0xffff  }
0x11c: {  	v34 =	vadd.f32 v47, v44;
	v47 =	vor.u32 v13, v46;
	v55 =	vor.u32 v14, v36  }
0x11d: {  	v50 =	vld.idx.msk [tilespmem:v50+s14+$0x0], $0xffff;
	v52 =	vadd.f32 v52, v32;
	v57 =	vor.u32 v8, v26;
	v56 =	vor.u32 v3, v36  }
0x11e: {  	v60 =	vor.u32 v15, v1;
	v37 =	vor.u32 v4, v33;
	v51 =	vld.idx.msk [tilespmem:v51+s14+$0x0], $0xffff;
	[tilespmem:v17+s17+$0x0] =	vst.idx.msk $0xffff, v34  }
0x11f: {  	v43 =	vand.u32 $0x1F, v58;
	v17 =	vor.u32 v8, v27;
	v54 =	vadd.f32 v54, v41;
	[tilespmem:v48+s17+$0x0] =	vst.idx.msk $0xffff, v52  }
0x120: {  	v61 =	vshll.u32 v31, $0x7;
	v44 =	vor.u32 v14, v43;
	v0 =	vld [tilespmem:$0x1FEA0];
	v53 =	vadd.f32 v53, v21  }
0x121: {  	v62 =	vand.u32 $0x1400, v61;
	v63 =	vor.u32 v3, v43;
	[tilespmem:v47+s17+$0x0] =	vst.idx.msk $0xffff, v54;
	v34 =	vld.idx.msk [tilespmem:v55+s12+$0x0], $0xffff  }
0x122: {  	v50 =	vadd.f32 v50, v24;
	v55 =	vor.u32 v42, v7;
	v48 =	vld.idx.msk [tilespmem:v56+s14+$0x0], $0xffff;
	[tilespmem:v57+s17+$0x0] =	vst.idx.msk $0xffff, v53  }
0x123: {  	v39 =	vadd.f32 v51, v39;
	v56 =	vld.idx.msk [tilespmem:v37+s14+$0x0], $0xffff;
	v37 =	vor.u32 v9, v62;
	[tilespmem:$0x1FEB0] =	vst v9  }
0x124: {  	v61 =	vor.u32 v22, v27;
	v53 =	vor.u32 v19, v37;
	v47 =	vld.idx.msk [tilespmem:v59+s14+$0x0], $0xffff;
	[tilespmem:v17+s17+$0x0] =	vst.idx.msk $0xffff, v50  }
0x125: {  	v54 =	vor.u32 v4, v36;
	v57 =	vor.u32 v6, v33;
	v51 =	vld.idx.msk [tilespmem:v60+s14+$0x0], $0xffff;
	[tilespmem:v45+s17+$0x0] =	vst.idx.msk $0xffff, v39  }
0x126: {  	v17 =	vor.u32 v14, v30;
	v50 =	vor.u32 v5, v35;
	v39 =	vshll.u32 v58, $0x7;
	v44 =	vld.idx.msk [tilespmem:v44+s12+$0x0], $0xffff  }
0x127: {  	v58 =	vor.u32 v22, v26;
	v59 =	vor.u32 v18, v46;
	v55 =	vld.idx.msk [tilespmem:v55+s14+$0x0], $0xffff;
	v9 =	vadd.f32 v48, v34  }
0x128: {  	v0 =	vand.u32 $0x380, v0;
	v60 =	vor.u32 v2, v1;
	v46 =	vor.u32 v16, v46;
	v52 =	vld.idx.msk [tilespmem:v63+s14+$0x0], $0xffff;
	[tilespmem:$0x1FEC0] =	vst v1  }
0x129: {  	v39 =	vand.u32 $0xC00, v39;
	v48 =	vor.u32 v10, v49;
	v56 =	vadd.f32 v56, v32;
	[tilespmem:v53+s17+$0x0] =	vst.idx.msk $0xffff, v9  }
0x12a: {  	v45 =	vor.u32 v0, v39;
	v9 =	vor.u32 v10, v7;
	v47 =	vadd.f32 v47, v21;
	[tilespmem:$0x1FED0] =	vst v0  }
0x12b: {  	v62 =	vadd.f32 v51, v41;
	v51 =	vor.u32 v19, v45;
	[tilespmem:v50+s17+$0x0] =	vst.idx.msk $0xffff, v56  }
0x12c: {  	v0 =	vor.u32 v13, v26;
	v50 =	vld.idx.msk [tilespmem:v54+s14+$0x0], $0xffff;
	[tilespmem:v58+s17+$0x0] =	vst.idx.msk $0xffff, v47;
	v63 =	vadd.f32 v55, v24  }
0x12d: {  	v56 =	vor.u32 v5, v37;
	v54 =	vld.idx.msk [tilespmem:v57+s14+$0x0], $0xffff;
	v55 =	vor.u32 v4, v43;
	[tilespmem:v59+s17+$0x0] =	vst.idx.msk $0xffff, v62  }
0x12e: {  	v58 =	vor.u32 v12, v49;
	v59 =	vor.u32 v6, v36;
	v57 =	vld.idx.msk [tilespmem:v60+s14+$0x0], $0xffff;
	[tilespmem:v61+s17+$0x0] =	vst.idx.msk $0xffff, v63  }
0x12f: {  	v39 =	vld.idx.msk [tilespmem:v48+s14+$0x0], $0xffff;
	v48 =	vadd.f32 v52, v44;
	v52 =	vor.u32 v8, v35;
	v60 =	vor.u32 $0x10, v23;
	[tilespmem:$0x1FEE0] =	vst v23  }
0x130: {  	v61 =	vor.u32 v42, v33;
	v47 =	vand.u32 $0x1F, v60;
	v53 =	vld.idx.msk [tilespmem:v9+s14+$0x0], $0xffff;
	v9 =	vor.u32 v11, v26  }
0x131: {  	v50 =	vadd.f32 v50, v34;
	[tilespmem:v51+s17+$0x0] =	vst.idx.msk $0xffff, v48;
	v51 =	vor.u32 v14, v47  }
0x132: {  	v62 =	vor.u32 v8, v37;
	v63 =	vor.u32 v11, v27;
	v54 =	vadd.f32 v54, v32  }
0x133: {  	v38 =	vand.u32 $0x380, v38;
	v48 =	vshll.u32 v25, $0x7;
	v55 =	vld.idx.msk [tilespmem:v55+s14+$0x0], $0xffff;
	[tilespmem:v56+s17+$0x0] =	vst.idx.msk $0xffff, v50;
	v41 =	vadd.f32 v57, v41  }
0x134: {  	v39 =	vadd.f32 v39, v21;
	v57 =	vor.u32 v3, v47;
	[tilespmem:v52+s17+$0x0] =	vst.idx.msk $0xffff, v54;
	v52 =	vld.idx.msk [tilespmem:v59+s14+$0x0], $0xffff  }
0x135: {  	v50 =	vor.u32 v3, v30;
	v56 =	vor.u32 v12, v7;
	v59 =	vld.idx.msk [tilespmem:v61+s14+$0x0], $0xffff;
	[tilespmem:v46+s17+$0x0] =	vst.idx.msk $0xffff, v41  }
0x136: {  	v54 =	vor.u32 v5, v45;
	[tilespmem:v9+s17+$0x0] =	vst.idx.msk $0xffff, v39;
	v39 =	vadd.f32 v53, v24;
	v46 =	vld.idx.msk [tilespmem:v51+s12+$0x0], $0xffff  }
0x137: {  	v53 =	vor.u32 v15, v49;
	v9 =	vor.u32 v2, v49;
	v49 =	vshll.u32 v60, $0x7;
	v51 =	vld.idx.msk [tilespmem:v17+s12+$0x0], $0xffff  }
0x138: {  	v41 =	vld.idx.msk [tilespmem:v58+s14+$0x0], $0xffff;
	[tilespmem:v63+s17+$0x0] =	vst.idx.msk $0xffff, v39;
	v39 =	vadd.f32 v55, v44;
	v55 =	vor.u32 v22, v35  }
0x139: {  	v60 =	vor.u32 v10, v33;
	v17 =	vand.u32 $0xC00, v49;
	v63 =	vor.u32 v42, v36;
	v57 =	vld.idx.msk [tilespmem:v57+s14+$0x0], $0xffff  }
0x13a: {  	v58 =	vor.u32 v6, v43;
	v49 =	vor.u32 v38, v17;
	v56 =	vld.idx.msk [tilespmem:v56+s14+$0x0], $0xffff;
	v61 =	vadd.f32 v52, v34  }
0x13b: {  	v50 =	vld.idx.msk [tilespmem:v50+s14+$0x0], $0xffff;
	[tilespmem:v54+s17+$0x0] =	vst.idx.msk $0xffff, v39;
	v17 =	vadd.f32 v59, v32;
	v39 =	vor.u32 v19, v49  }
0x13c: {  	v52 =	vand.u32 $0x780, v48;
	v54 =	vor.u32 v13, v27;
	v59 =	vor.u32 v15, v7;
	[tilespmem:v62+s17+$0x0] =	vst.idx.msk $0xffff, v61  }
0x13d: {  	v41 =	vadd.f32 v41, v21;
	[tilespmem:v55+s17+$0x0] =	vst.idx.msk $0xffff, v17;
	v17 =	vor.u32 v19, v52  }
0x13e: {  	v63 =	vld.idx.msk [tilespmem:v63+s14+$0x0], $0xffff;
	v57 =	vadd.f32 v57, v46  }
0x13f: {  	v56 =	vadd.f32 v56, v24;
	[tilespmem:v0+s17+$0x0] =	vst.idx.msk $0xffff, v41  }
0x140: {  	v58 =	vld.idx.msk [tilespmem:v58+s14+$0x0], $0xffff;
	v50 =	vadd.f32 v50, v51;
	[tilespmem:v39+s17+$0x0] =	vst.idx.msk $0xffff, v57  }
0x141: {  	v41 =	vld.idx.msk [tilespmem:v60+s14+$0x0], $0xffff;
	[tilespmem:v54+s17+$0x0] =	vst.idx.msk $0xffff, v56  }
0x142: {  	v57 =	vld.idx.msk [tilespmem:v59+s14+$0x0], $0xffff;
	[tilespmem:v17+s17+$0x0] =	vst.idx.msk $0xffff, v50  }
0x143: {  	v4 =	vor.u32 v4, v47;
	v60 =	vor.u32 v8, v45;
	v59 =	vadd.f32 v63, v34;
	v63 =	vld [tilespmem:$0x1FEF0]  }
0x144: {  	v53 =	vld.idx.msk [tilespmem:v53+s14+$0x0], $0xffff;
	v54 =	vor.u32 v22, v37  }
0x145: {  	v42 =	vor.u32 v42, v43;
	v8 =	vor.u32 v11, v35  }
0x146: {  	v55 =	vor.u32 v18, v26;
	v39 =	vadd.f32 v58, v44  }
0x147: {  	v40 =	vor.u32 v6, v30;
	v7 =	vor.u32 v2, v7;
	v56 =	vor.u32 v10, v36  }
0x148: {  	v0 =	vor.u32 v12, v33;
	v17 =	vld.idx.msk [tilespmem:v4+s14+$0x0], $0xffff;
	[tilespmem:v60+s17+$0x0] =	vst.idx.msk $0xffff, v39;
	v41 =	vadd.f32 v41, v32  }
0x149: {  	v4 =	vor.u32 v18, v27;
	v53 =	vadd.f32 v53, v21;
	[tilespmem:v54+s17+$0x0] =	vst.idx.msk $0xffff, v59  }
0x14a: {  	s31 =	simm.s32 $0x7;
	v62 =	vor.u32 v5, v52;
	v5 =	vor.u32 v5, v49;
	v1 =	vld.idx.msk [tilespmem:v42+s14+$0x0], $0xffff;
	[tilespmem:v8+s17+$0x0] =	vst.idx.msk $0xffff, v41  }
0x14b: {  	v2 =	vor.u32 v6, v47;
	v39 =	vadd.s32 s31, v19;
	[tilespmem:v55+s17+$0x0] =	vst.idx.msk $0xffff, v53;
	v61 =	vld.idx.msk [tilespmem:v63+s14+$0x0], $0xffff  }
0x14c: {  	v31 =	vmovc v25;
	v16 =	vmov v30;
	v50 =	vand.u32 $0xF, v39;
	v54 =	vld.idx.msk [tilespmem:v56+s14+$0x0], $0xffff;
	v8 =	vadd.f32 v57, v24;
	[tilespmem:$0x1FF00] =	vst v14  }
0x14d: {  	v58 =	vor.u32 v22, v45;
	v63 =	vor.u32 v14, v50;
	v14 =	vadd.f32 v17, v46;
	v53 =	vld.idx.msk [tilespmem:v0+s14+$0x0], $0xffff  }
0x14e: {  	v56 =	vor.u32 v11, v37;
	v0 =	vor.u32 v3, v50;
	[tilespmem:v4+s17+$0x0] =	vst.idx.msk $0xffff, v8;
	v41 =	vld.idx.msk [tilespmem:v9+s14+$0x0], $0xffff  }
0x14f: {  	v57 =	vor.u32 v12, v36;
	v55 =	vor.u32 v13, v35;
	[tilespmem:v5+s17+$0x0] =	vst.idx.msk $0xffff, v14;
	v42 =	vld.idx.msk [tilespmem:v7+s14+$0x0], $0xffff  }
0x150: {  	s24 =	sshllo.u32 s23, $0x1;
	s25 =	simm.s32 $0x8;
	v60 =	vadd.f32 v1, v44;
	v59 =	vld.idx.msk [tilespmem:v2+s14+$0x0], $0xffff;
	v17 =	vadd.f32 v61, v51;
	v61 =	vor.u32 v10, v43  }
.LBB2_3:
0x151: {  	v1 =	vld [tilespmem:$0x1FF90]  }
0x152: {  	v8 =	vld [tilespmem:$0x1FF60]  }
0x153: {  	v0 =	vld.idx.msk [tilespmem:v0+s14+$0x0], $0xffff  }
0x154: {  	v6 =	vld [tilespmem:$0x1FF40]  }
0x155: {  	v7 =	vld [tilespmem:$0x1FF50]  }
0x156: {  	v30 =	vld [tilespmem:$0x1FF10]  }
0x157: {  	v11 =	vld [tilespmem:$0x1FE70]  }
0x158: {  	v12 =	vld [tilespmem:$0x1FFA0]  }
0x159: {  	v15 =	vld [tilespmem:$0x1FF80]  }
0x15a: {  	v10 =	vld [tilespmem:$0x1FFE0];
	[tilespmem:v62+s17+$0x0] =	vst.idx.msk $0xffff, v17;
	v53 =	vadd.f32 v53, v32;
	v26 =	vor.u32 v1, v26  }
0x15b: {  	v9 =	vld [tilespmem:$0x1FFF0];
	[tilespmem:v58+s17+$0x0] =	vst.idx.msk $0xffff, v60;
	v13 =	vor.u32 v8, v33;
	v27 =	vor.u32 v1, v27  }
0x15c: {  	v3 =	vshll.u32 v39, $0x7;
	v17 =	vadd.f32 v54, v34;
	v54 =	vld.idx.msk [tilespmem:v63+s12+$0x0], $0xffff;
	[tilespmem:v55+s17+$0x0] =	vst.idx.msk $0xffff, v53  }
0x15d: {  	[tilespmem:$0x1FE30] =	vst v3;
	v21 =	vadd.f32 v41, v21;
	v14 =	vor.u32 v6, v49;
	v40 =	vld.idx.msk [tilespmem:v40+s14+$0x0], $0xffff  }
0x15e: {  	[tilespmem:v56+s17+$0x0] =	vst.idx.msk $0xffff, v17;
	v41 =	vand.u32 $0x780, v3;
	v24 =	vadd.f32 v42, v24;
	v3 =	vld [tilespmem:$0x1FFC0]  }
0x15f: {  	v17 =	vor.u32 v7, v47;
	v56 =	vld.idx.msk [tilespmem:v57+s14+$0x0], $0xffff;
	v58 =	vor.u32 v6, v52;
	[tilespmem:v26+s17+$0x0] =	vst.idx.msk $0xffff, v21  }
0x160: {  	v62 =	vadd.f32 v59, v46;
	v4 =	vor.u32 v7, v16;
	[tilespmem:v27+s17+$0x0] =	vst.idx.msk $0xffff, v24;
	v24 =	vld.idx.msk [tilespmem:v13+s14+$0x0], $0xffff  }
0x161: {  	v2 =	vlaneseq.u32;
	v13 =	vld [tilespmem:$0x1FFB0]  }
0x162: {  	v42 =	vor.u32 v2, v41;
	[tilespmem:v14+s17+$0x0] =	vst.idx.msk $0xffff, v62;
	v14 =	vld [tilespmem:$0x1FF70];
	v5 =	vadd.f32 v40, v51  }
0x163: {  	v55 =	vor.u32 v8, v36;
	v0 =	vadd.f32 v0, v54;
	v26 =	vld.idx.msk [tilespmem:v61+s14+$0x0], $0xffff  }
0x164: {  	v57 =	vor.u32 v3, v37;
	v21 =	vor.u32 v30, v50;
	v17 =	vld.idx.msk [tilespmem:v17+s14+$0x0], $0xffff;
	[tilespmem:v58+s17+$0x0] =	vst.idx.msk $0xffff, v5  }
0x165: {  	v27 =	vor.u32 $0x30, v20;
	v20 =	vor.u32 v15, v33;
	v62 =	vor.u32 v12, v45;
	v33 =	vld.idx.msk [tilespmem:v4+s14+$0x0], $0xffff  }
0x166: {  	v56 =	vadd.f32 v56, v34;
	v40 =	vor.u32 v10, v49;
	v4 =	vld [tilespmem:$0x1FF20]  }
0x167: {  	v63 =	vadd.s32 s25, v2;
	[tilespmem:v42+s17+$0x0] =	vst.idx.msk $0xffff, v0;
	v18 =	vor.u32 v13, v43;
	v0 =	vor.u32 v14, v35  }
0x168: {  	v59 =	vand.u32 $0x7, v11;
	v2 =	vmovc v11;
	v11 =	vor.u32 v9, v47;
	v5 =	vld [tilespmem:$0x1FF30];
	v26 =	vadd.f32 v26, v44  }
0x169: {  	v21 =	vld.idx.msk [tilespmem:v21+s14+$0x0], $0xffff;
	[tilespmem:v57+s17+$0x0] =	vst.idx.msk $0xffff, v56;
	v17 =	vadd.f32 v17, v46  }
0x16a: {  	v55 =	vld.idx.msk [tilespmem:v55+s14+$0x0], $0xffff;
	v24 =	vadd.f32 v24, v32;
	[tilespmem:v62+s17+$0x0] =	vst.idx.msk $0xffff, v26  }
0x16b: {  	v58 =	vor.u32 v4, v41;
	[tilespmem:v40+s17+$0x0] =	vst.idx.msk $0xffff, v17;
	v40 =	vld [tilespmem:$0x1FFD0]  }
0x16c: {  	v18 =	vld.idx.msk [tilespmem:v18+s14+$0x0], $0xffff;
	[tilespmem:v0+s17+$0x0] =	vst.idx.msk $0xffff, v24;
	v24 =	vor.u32 v15, v36;
	v36 =	vor.u32 v10, v52  }
0x16d: {  	v42 =	vld.idx.msk [tilespmem:v11+s14+$0x0], $0xffff  }
0x16e: {  	v26 =	vor.u32 v5, v50;
	v21 =	vadd.f32 v21, v54;
	v0 =	vor.u32 v14, v37;
	v17 =	vld.idx.msk [tilespmem:v20+s14+$0x0], $0xffff  }
0x16f: {  	v25 =	vadd.f32 v33, v51;
	v20 =	vld [tilespmem:$0x1FF00]  }
0x170: {  	v28 =	vand.u32 $0xF, v63;
	v62 =	vor.u32 v9, v16;
	[tilespmem:v58+s17+$0x0] =	vst.idx.msk $0xffff, v21  }
0x171: {  	v56 =	vand.u32 $0x3F, v27;
	v55 =	vadd.f32 v55, v34;
	v21 =	vor.u32 v3, v45;
	[tilespmem:v36+s17+$0x0] =	vst.idx.msk $0xffff, v25;
	v25 =	vld [tilespmem:$0x1FE90]  }
0x172: {  	v35 =	vor.u32 v1, v35;
	v33 =	vor.u32 v12, v49;
	v11 =	vmovc v31;
	v58 =	vor.u32 v8, v43  }
0x173: {  	v22 =	vor.u32 v40, v56;
	v26 =	vld.idx.msk [tilespmem:v26+s14+$0x0], $0xffff;
	[tilespmem:v0+s17+$0x0] =	vst.idx.msk $0xffff, v55;
	v0 =	vor.u32 v13, v47  }
0x174: {  	v23 =	vadd.f32 v42, v46;
	v18 =	vadd.f32 v18, v44;
	v19 =	vor.u32 v20, v56;
	v24 =	vld.idx.msk [tilespmem:v24+s14+$0x0], $0xffff  }
0x175: {  	v36 =	vor.u32 $0x20, v29;
	v29 =	vmovc v63;
	v17 =	vadd.f32 v17, v32;
	v32 =	vld.idx.msk [tilespmem:v62+s14+$0x0], $0xffff;
	v62 =	vor.u32 v6, v41  }
0x176: {  	v31 =	vld [tilespmem:$0x1FED0];
	v63 =	vor.u32 v7, v50;
	[tilespmem:v21+s17+$0x0] =	vst.idx.msk $0xffff, v18;
	v18 =	vor.u32 v1, v37;
	v25 =	vor.u32 $0x30, v25  }
0x177: {  	[tilespmem:v33+s17+$0x0] =	vst.idx.msk $0xffff, v23;
	v33 =	vor.u32 v12, v52;
	v37 =	vld.idx.msk [tilespmem:v58+s14+$0x0], $0xffff;
	v42 =	vand.u32 $0x3F, v25  }
0x178: {  	v26 =	vadd.f32 v26, v54;
	[tilespmem:v35+s17+$0x0] =	vst.idx.msk $0xffff, v17;
	v0 =	vld.idx.msk [tilespmem:v0+s14+$0x0], $0xffff;
	v23 =	vor.u32 v20, v42  }
0x179: {  	[tilespmem:$0x1FE40] =	vst v2;
	v27 =	vshll.u32 v27, $0x7;
	v61 =	vor.u32 v13, v16;
	v21 =	vld.idx.msk [tilespmem:v19+s12+$0x0], $0xffff;
	v19 =	vadd.f32 v24, v34  }
0x17a: {  	v2 =	vor.u32 v5, v28;
	[tilespmem:v62+s17+$0x0] =	vst.idx.msk $0xffff, v26;
	v34 =	vor.u32 v14, v45;
	v26 =	vand.u32 $0x1C00, v27;
	v27 =	vld [tilespmem:$0x1FE80]  }
0x17b: {  	v62 =	vld.idx.msk [tilespmem:v63+s14+$0x0], $0xffff;
	[tilespmem:v18+s17+$0x0] =	vst.idx.msk $0xffff, v19;
	v18 =	vadd.f32 v32, v51  }
0x17c: {  	v60 =	vor.u32 v8, v16;
	[tilespmem:$0x1FE50] =	vst v2;
	v22 =	vld.idx.msk [tilespmem:v22+s14+$0x0], $0xffff  }
0x17d: {  	v2 =	vmov v28;
	[tilespmem:v33+s17+$0x0] =	vst.idx.msk $0xffff, v18;
	v24 =	vld.idx.msk [tilespmem:v23+s12+$0x0], $0xffff;
	v23 =	vadd.f32 v37, v44  }
0x17e: {  	v55 =	vor.u32 v30, v28;
	v17 =	vor.u32 v40, v42;
	v63 =	vor.u32 v3, v49;
	v28 =	vld.idx.msk [tilespmem:v61+s14+$0x0], $0xffff  }
0x17f: {  	v57 =	vor.u32 v15, v16;
	v19 =	vor.u32 v8, v47;
	[tilespmem:v34+s17+$0x0] =	vst.idx.msk $0xffff, v23;
	v23 =	vld [tilespmem:$0x1FEB0]  }
0x180: {  	v53 =	vmovc v48;
	v48 =	vmovc v16;
	v16 =	vlaneseq.u32;
	v43 =	vor.u32 v15, v43;
	v26 =	vor.u32 v27, v26  }
0x181: {  	v58 =	vor.u32 v7, v56;
	v0 =	vadd.f32 v0, v46;
	v18 =	vor.u32 v16, v26  }
0x182: {  	[tilespmem:$0x1FE70] =	vst v11;
	v35 =	vor.u32 v30, v56;
	v25 =	vshll.u32 v25, $0x7;
	v32 =	vor.u32 v10, v41  }
0x183: {  	v25 =	vand.u32 $0x1C00, v25;
	v22 =	vadd.f32 v22, v21;
	v61 =	vmov v31;
	v17 =	vld.idx.msk [tilespmem:v17+s14+$0x0], $0xffff;
	[tilespmem:v63+s17+$0x0] =	vst.idx.msk $0xffff, v0  }
0x184: {  	v31 =	vor.u32 v3, v52;
	v19 =	vld.idx.msk [tilespmem:v19+s14+$0x0], $0xffff;
	v27 =	vor.u32 v23, v25;
	v23 =	vor.u32 v9, v50  }
0x185: {  	v37 =	vadd.f32 v62, v54;
	v34 =	vor.u32 v30, v42;
	v25 =	vld.idx.msk [tilespmem:v43+s14+$0x0], $0xffff;
	v0 =	vor.u32 v16, v27  }
0x186: {  	v28 =	vadd.f32 v28, v51;
	v43 =	vand.u32 $0x28, v36;
	[tilespmem:v18+s17+$0x0] =	vst.idx.msk $0xffff, v22;
	v22 =	vor.u32 v14, v49  }
0x187: {  	[tilespmem:$0x1FE80] =	vst v61;
	v33 =	vor.u32 v59, v43;
	v59 =	vmovc v38;
	v38 =	vor.u32 $0x10, v11;
	v11 =	vor.u32 v15, v47;
	v47 =	vld [tilespmem:$0x1FEE0]  }
0x188: {  	v62 =	vor.u32 v1, v45;
	[tilespmem:v32+s17+$0x0] =	vst.idx.msk $0xffff, v37;
	v17 =	vadd.f32 v17, v24;
	v35 =	vld.idx.msk [tilespmem:v35+s14+$0x0], $0xffff  }
0x189: {  	v19 =	vadd.f32 v19, v46;
	[tilespmem:v31+s17+$0x0] =	vst.idx.msk $0xffff, v28;
	v18 =	vor.u32 v20, v33;
	v23 =	vld.idx.msk [tilespmem:v23+s14+$0x0], $0xffff  }
0x18a: {  	v45 =	vor.u32 v14, v52;
	[tilespmem:v0+s17+$0x0] =	vst.idx.msk $0xffff, v17;
	v0 =	vadd.f32 v25, v44;
	v44 =	vld.idx.msk [tilespmem:v60+s14+$0x0], $0xffff  }
0x18b: {  	v31 =	vor.u32 v4, v26;
	v17 =	vor.u32 v40, v33;
	v34 =	vld.idx.msk [tilespmem:v34+s14+$0x0], $0xffff;
	[tilespmem:v22+s17+$0x0] =	vst.idx.msk $0xffff, v19  }
0x18c: {  	v37 =	vor.u32 v5, v42;
	v28 =	vshll.u32 v36, $0x7;
	v36 =	vor.u32 v12, v41;
	v60 =	vmovc v47;
	v22 =	vld.idx.msk [tilespmem:v11+s14+$0x0], $0xffff  }
0x18d: {  	v25 =	vor.u32 v5, v56;
	v19 =	vand.u32 $0x1400, v28;
	v28 =	vadd.f32 v35, v21;
	[tilespmem:v62+s17+$0x0] =	vst.idx.msk $0xffff, v0;
	v62 =	vld [tilespmem:$0x1FEC0]  }
0x18e: {  	[tilespmem:$0x1FE90] =	vst v60;
	v0 =	vor.u32 v13, v50;
	v32 =	vld.idx.msk [tilespmem:v18+s12+$0x0], $0xffff;
	v18 =	vor.u32 v4, v27  }
0x18f: {  	v35 =	vor.u32 v61, v19;
	v11 =	vmovc v39;
	v39 =	vand.u32 $0x7, v60;
	v60 =	vmovc v50;
	v23 =	vadd.f32 v23, v54  }
0x190: {  	v50 =	vor.u32 v13, v56;
	v17 =	vld.idx.msk [tilespmem:v17+s14+$0x0], $0xffff;
	[tilespmem:v31+s17+$0x0] =	vst.idx.msk $0xffff, v28;
	v31 =	vadd.f32 v44, v51  }
0x191: {  	v44 =	vor.u32 v30, v33;
	v28 =	vadd.f32 v34, v24;
	[tilespmem:v36+s17+$0x0] =	vst.idx.msk $0xffff, v23  }
0x192: {  	v63 =	vlaneseq.u32;
	v23 =	vor.u32 v1, v49;
	v25 =	vld.idx.msk [tilespmem:v25+s14+$0x0], $0xffff;
	v19 =	vor.u32 $0x20, v62;
	[tilespmem:v45+s17+$0x0] =	vst.idx.msk $0xffff, v31  }
0x193: {  	v43 =	vand.u32 $0x1F, v38;
	v0 =	vld.idx.msk [tilespmem:v0+s14+$0x0], $0xffff;
	v47 =	vand.u32 $0x28, v19;
	[tilespmem:v18+s17+$0x0] =	vst.idx.msk $0xffff, v28;
	v18 =	vor.u32 v63, v35  }
0x194: {  	[tilespmem:$0x1FEC0] =	vst v60;
	v22 =	vadd.f32 v22, v46;
	v46 =	vor.u32 v20, v43;
	v36 =	vor.u32 v39, v47  }
0x195: {  	v62 =	vor.u32 v3, v41;
	v39 =	vor.u32 v6, v26;
	v37 =	vld.idx.msk [tilespmem:v37+s14+$0x0], $0xffff;
	v61 =	vor.u32 v20, v36  }
0x196: {  	v45 =	vld.idx.msk [tilespmem:v57+s14+$0x0], $0xffff;
	v57 =	vor.u32 v8, v60;
	v28 =	vor.u32 v40, v36;
	v17 =	vadd.f32 v17, v32  }
0x197: {  	v16 =	vand.u32 $0x380, v53;
	v60 =	vor.u32 v15, v60;
	[tilespmem:v23+s17+$0x0] =	vst.idx.msk $0xffff, v22;
	v22 =	vor.u32 v6, v27  }
0x198: {  	v23 =	vor.u32 v1, v52;
	v25 =	vadd.f32 v25, v21;
	[tilespmem:v18+s17+$0x0] =	vst.idx.msk $0xffff, v17;
	v18 =	vshll.u32 v19, $0x7  }
0x199: {  	[tilespmem:$0x1FEB0] =	vst v59;
	v47 =	vor.u32 v30, v36;
	v0 =	vadd.f32 v0, v54;
	v19 =	vld.idx.msk [tilespmem:v44+s14+$0x0], $0xffff;
	v18 =	vand.u32 $0x1400, v18  }
0x19a: {  	[tilespmem:v39+s17+$0x0] =	vst.idx.msk $0xffff, v25;
	v25 =	vadd.f32 v37, v24;
	v34 =	vld.idx.msk [tilespmem:v61+s12+$0x0], $0xffff;
	v61 =	vor.u32 v7, v42  }
0x19b: {  	v17 =	vld.idx.msk [tilespmem:v28+s14+$0x0], $0xffff;
	[tilespmem:v62+s17+$0x0] =	vst.idx.msk $0xffff, v0;
	v37 =	vor.u32 v59, v18;
	v18 =	vadd.f32 v45, v51  }
0x19c: {  	v28 =	vor.u32 v40, v43;
	v39 =	vld.idx.msk [tilespmem:v57+s14+$0x0], $0xffff;
	[tilespmem:v22+s17+$0x0] =	vst.idx.msk $0xffff, v25;
	v25 =	vor.u32 v4, v35  }
0x19d: {  	v0 =	vld.idx.msk [tilespmem:v58+s14+$0x0], $0xffff;
	v45 =	vor.u32 v63, v37;
	[tilespmem:v23+s17+$0x0] =	vst.idx.msk $0xffff, v18;
	v23 =	vor.u32 v5, v33  }
0x19e: {  	v31 =	vmovc v29;
	v52 =	vshll.u32 v29, $0x7;
	v29 =	vmovc v48;
	v58 =	vor.u32 v14, v41;
	v59 =	vor.u32 v9, v56  }
0x19f: {  	v51 =	vor.u32 v5, v36;
	v57 =	vor.u32 v10, v26;
	v19 =	vadd.f32 v19, v32;
	v62 =	vld.idx.msk [tilespmem:v61+s14+$0x0], $0xffff  }
0x1a0: {  	v48 =	vmovc v52;
	v22 =	vor.u32 v20, v2;
	v18 =	vshll.u32 v38, $0x7;
	v44 =	vld.idx.msk [tilespmem:v46+s12+$0x0], $0xffff;
	v17 =	vadd.f32 v17, v34  }
0x1a1: {  	v52 =	vand.u32 $0x780, v48;
	v18 =	vand.u32 $0xC00, v18;
	v28 =	vld.idx.msk [tilespmem:v28+s14+$0x0], $0xffff;
	v61 =	vor.u32 v10, v27;
	[tilespmem:v25+s17+$0x0] =	vst.idx.msk $0xffff, v19  }
0x1a2: {  	v0 =	vadd.f32 v0, v21;
	[tilespmem:v45+s17+$0x0] =	vst.idx.msk $0xffff, v17;
	v45 =	vor.u32 v16, v18;
	v23 =	vld.idx.msk [tilespmem:v23+s14+$0x0], $0xffff  }
0x1a3: {  	v17 =	vor.u32 v9, v42;
	v18 =	vadd.f32 v39, v54;
	v19 =	vld.idx.msk [tilespmem:v47+s14+$0x0], $0xffff;
	v25 =	vor.u32 v63, v45  }
0x1a4: {  	[tilespmem:v57+s17+$0x0] =	vst.idx.msk $0xffff, v0;
	v39 =	vor.u32 v40, v2;
	v57 =	vor.u32 $0x10, v11;
	v0 =	vadd.f32 v62, v24  }
0x1a5: {  	v63 =	vor.u32 v4, v37;
	[tilespmem:v58+s17+$0x0] =	vst.idx.msk $0xffff, v18;
	v18 =	vld.idx.msk [tilespmem:v59+s14+$0x0], $0xffff;
	v62 =	vor.u32 v30, v43  }
0x1a6: {  	v46 =	vld.idx.msk [tilespmem:v60+s14+$0x0], $0xffff;
	[tilespmem:v61+s17+$0x0] =	vst.idx.msk $0xffff, v0;
	v0 =	vadd.f32 v28, v44;
	v28 =	vor.u32 v6, v35  }
0x1a7: {  	[tilespmem:$0x1FEE0] =	vst v11;
	v11 =	vor.u32 v7, v33;
	v47 =	vand.u32 $0x1F, v57;
	v60 =	vor.u32 v12, v26  }
0x1a8: {  	v17 =	vld.idx.msk [tilespmem:v17+s14+$0x0], $0xffff;
	v19 =	vadd.f32 v19, v34;
	[tilespmem:v25+s17+$0x0] =	vst.idx.msk $0xffff, v0;
	v0 =	vor.u32 v1, v41  }
0x1a9: {  	v49 =	vshll.u32 v57, $0x7;
	v61 =	vor.u32 v20, v47;
	v23 =	vadd.f32 v23, v32;
	v1 =	vld [tilespmem:$0x1FE30]  }
0x1aa: {  	v18 =	vadd.f32 v18, v21;
	v25 =	vld.idx.msk [tilespmem:v62+s14+$0x0], $0xffff;
	v62 =	vor.u32 v12, v27;
	[tilespmem:v63+s17+$0x0] =	vst.idx.msk $0xffff, v19  }
0x1ab: {  	v19 =	vor.u32 v13, v42;
	v46 =	vadd.f32 v46, v54;
	[tilespmem:v28+s17+$0x0] =	vst.idx.msk $0xffff, v23;
	v23 =	vld.idx.msk [tilespmem:v51+s14+$0x0], $0xffff  }
0x1ac: {  	v63 =	vor.u32 v40, v47;
	v28 =	vor.u32 v4, v45;
	v54 =	vld.idx.msk [tilespmem:v11+s14+$0x0], $0xffff;
	[tilespmem:v60+s17+$0x0] =	vst.idx.msk $0xffff, v18  }
0x1ad: {  	v59 =	vor.u32 v15, v56;
	v17 =	vadd.f32 v17, v24;
	[tilespmem:v0+s17+$0x0] =	vst.idx.msk $0xffff, v46;
	v0 =	vld.idx.msk [tilespmem:v50+s14+$0x0], $0xffff  }
0x1ae: {  	v18 =	vor.u32 v8, v56;
	v56 =	vor.u32 v6, v37;
	v50 =	vor.u32 v5, v43;
	v51 =	vld.idx.msk [tilespmem:v22+s12+$0x0], $0xffff  }
0x1af: {  	v41 =	vor.u32 v7, v36;
	v46 =	vld.idx.msk [tilespmem:v61+s12+$0x0], $0xffff;
	[tilespmem:v62+s17+$0x0] =	vst.idx.msk $0xffff, v17;
	v17 =	vadd.f32 v25, v44  }
0x1b0: {  	v11 =	vor.u32 v9, v33;
	v60 =	vor.u32 v3, v26;
	v25 =	vor.u32 v10, v35;
	v19 =	vld.idx.msk [tilespmem:v19+s14+$0x0], $0xffff  }
0x1b1: {  	v38 =	vand.u32 $0x380, v1;
	v58 =	vld.idx.msk [tilespmem:v63+s14+$0x0], $0xffff;
	[tilespmem:v28+s17+$0x0] =	vst.idx.msk $0xffff, v17;
	v17 =	vand.u32 $0xC00, v49;
	v22 =	vadd.f32 v23, v34  }
0x1b2: {  	v1 =	vlaneseq.u32;
	v28 =	vor.u32 v3, v27;
	v23 =	vld.idx.msk [tilespmem:v39+s14+$0x0], $0xffff;
	v49 =	vor.u32 v38, v17  }
0x1b3: {  	v17 =	vadd.f32 v54, v32;
	v39 =	vld.idx.msk [tilespmem:v50+s14+$0x0], $0xffff;
	v50 =	vor.u32 v1, v49;
	[tilespmem:v56+s17+$0x0] =	vst.idx.msk $0xffff, v22  }
0x1b4: {  	[tilespmem:$0x1FED0] =	vst v16;
	v22 =	vor.u32 v8, v42;
	v8 =	vor.u32 v30, v47;
	v0 =	vadd.f32 v0, v21  }
0x1b5: {  	[tilespmem:v25+s17+$0x0] =	vst.idx.msk $0xffff, v17;
	v17 =	vld.idx.msk [tilespmem:v41+s14+$0x0], $0xffff;
	v25 =	vor.u32 v1, v52;
	v19 =	vadd.f32 v19, v24  }
0x1b6: {  	v54 =	vld.idx.msk [tilespmem:v11+s14+$0x0], $0xffff;
	v11 =	vor.u32 v6, v45;
	v6 =	vadd.f32 v58, v46;
	[tilespmem:v60+s17+$0x0] =	vst.idx.msk $0xffff, v0  }
0x1b7: {  	[tilespmem:v28+s17+$0x0] =	vst.idx.msk $0xffff, v19  }
0x1b8: {  	v16 =	vmov v2;
	v2 =	vlaneseq.u32;
	v41 =	vor.u32 v7, v43;
	v18 =	vld.idx.msk [tilespmem:v18+s14+$0x0], $0xffff;
	[tilespmem:v50+s17+$0x0] =	vst.idx.msk $0xffff, v6  }
0x1b9: {  	v7 =	vor.u32 v12, v35;
	v0 =	vor.u32 v10, v37;
	v19 =	vadd.f32 v23, v51;
	v22 =	vld.idx.msk [tilespmem:v22+s14+$0x0], $0xffff  }
0x1ba: {  	s26 =	sadd.s32 $0x1, s25;
	v23 =	vor.u32 v9, v36;
	v28 =	vadd.f32 v39, v44;
	v53 =	vld.idx.msk [tilespmem:v8+s14+$0x0], $0xffff;
	v8 =	vor.u32 v14, v26  }
0x1bb: {  	v39 =	vadd.s32 s26, v2;
	[tilespmem:v25+s17+$0x0] =	vst.idx.msk $0xffff, v19;
	v19 =	vor.u32 v13, v33;
	v17 =	vadd.f32 v17, v34  }
0x1bc: {  	v50 =	vand.u32 $0xF, v39;
	v25 =	vld.idx.msk [tilespmem:v55+s14+$0x0], $0xffff;
	[tilespmem:v11+s17+$0x0] =	vst.idx.msk $0xffff, v28;
	v11 =	vor.u32 v14, v27  }
0x1bd: {  	v1 =	vor.u32 v4, v49;
	v28 =	vadd.f32 v54, v32;
	v63 =	vor.u32 v20, v50;
	v20 =	vld [tilespmem:$0x1FE40]  }
0x1be: {  	v42 =	vor.u32 v15, v42;
	v14 =	vld.idx.msk [tilespmem:v41+s14+$0x0], $0xffff;
	[tilespmem:v0+s17+$0x0] =	vst.idx.msk $0xffff, v17;
	v0 =	vadd.f32 v18, v21  }
0x1bf: {  	p1 =	slt.u32 s25, $0xE;
	v2 =	vor.u32 v5, v47;
	v54 =	vld.idx.msk [tilespmem:v23+s14+$0x0], $0xffff;
	[tilespmem:v7+s17+$0x0] =	vst.idx.msk $0xffff, v28;
	v17 =	vadd.f32 v22, v24  }
.Ltmp2:
0x1c0: {  	v18 =	vadd.f32 v53, v46;
	v53 =	vld.idx.msk [tilespmem:v19+s14+$0x0], $0xffff;
	[tilespmem:v8+s17+$0x0] =	vst.idx.msk $0xffff, v0;
	(pc) =	sbr.rel @p1 .LBB2_3-.Ltmp2, $4  }
0x1c1: {  	v0 =	vor.u32 v40, v50;
	v40 =	vld [tilespmem:$0x1FE50];
	[tilespmem:v11+s17+$0x0] =	vst.idx.msk $0xffff, v17  }
0x1c2: {  	v57 =	vor.u32 v13, v36;
	v62 =	vor.u32 v4, v52;
	v41 =	vld.idx.msk [tilespmem:v59+s14+$0x0], $0xffff;
	[tilespmem:v1+s17+$0x0] =	vst.idx.msk $0xffff, v18  }
0x1c3: {  	v61 =	vor.u32 v9, v43;
	v56 =	vor.u32 v12, v37;
	v58 =	vor.u32 v10, v45;
	v42 =	vld.idx.msk [tilespmem:v42+s14+$0x0], $0xffff  }
0x1c4: {  	s25 =	sadd.s32 $0x2, s25;
	v55 =	vor.u32 v3, v35;
	v17 =	vadd.f32 v25, v51;
	v60 =	vadd.f32 v14, v44;
	v59 =	vld.idx.msk [tilespmem:v2+s14+$0x0], $0xffff  }
0x1c5: {  	_ =	sdelay $0x3  }
0x1c6: {  	v1 =	vld.idx.msk [tilespmem:v63+s12+$0x0], $0xffff  }
0x1c7: {  	v0 =	vld.idx.msk [tilespmem:v0+s14+$0x0], $0xffff;
	v2 =	vshll.u32 v39, $0x7  }
0x1c8: {  	v3 =	vlaneseq.u32;
	v4 =	vld [tilespmem:$0x1FF10];
	v18 =	vand.u32 $0x780, v2  }
0x1c9: {  	v19 =	vor.u32 v3, v18;
	_ =	sdelay $0x2  }
0x1ca: {  	v0 =	vadd.f32 v0, v1  }
0x1cb: {  	[tilespmem:v62+s17+$0x0] =	vst.idx.msk $0xffff, v17;
	v22 =	vor.u32 v4, v50  }
0x1cc: {  	[tilespmem:v19+s17+$0x0] =	vst.idx.msk $0xffff, v0  }
0x1cd: {  	v5 =	vld [tilespmem:$0x1FF20];
	_ =	sdelay $0x1  }
0x1ce: {  	v7 =	vld [tilespmem:$0x1FF40]  }
0x1cf: {  	v0 =	vld.idx.msk [tilespmem:v22+s14+$0x0], $0xffff  }
0x1d0: {  	v6 =	vld [tilespmem:$0x1FF30]  }
0x1d1: {  	v63 =	vld.idx.msk [tilespmem:v40+s14+$0x0], $0xffff;
	v62 =	vor.u32 v5, v18  }
0x1d2: {  	v9 =	vld [tilespmem:$0x1FF50]  }
0x1d3: {  	v23 =	vor.u32 v7, v52  }
0x1d4: {  	v0 =	vadd.f32 v0, v1  }
0x1d5: {  	v40 =	vor.u32 v6, v50  }
0x1d6: {  	[tilespmem:v62+s17+$0x0] =	vst.idx.msk $0xffff, v0;
	v0 =	vadd.f32 v63, v51  }
0x1d7: {  	v25 =	vor.u32 v9, v16  }
0x1d8: {  	[tilespmem:v23+s17+$0x0] =	vst.idx.msk $0xffff, v0  }
0x1d9: {  	v3 =	vld [tilespmem:$0x1FFE0]  }
0x1da: {  	v17 =	vld.idx.msk [tilespmem:v40+s14+$0x0], $0xffff;
	_ =	sdelay $0x1  }
0x1db: {  	v0 =	vor.u32 v7, v18;
	v62 =	vld.idx.msk [tilespmem:v25+s14+$0x0], $0xffff  }
0x1dc: {  	v10 =	vld [tilespmem:$0x1FFF0]  }
0x1dd: {  	v28 =	vor.u32 v3, v52  }
0x1de: {  	v17 =	vadd.f32 v17, v1  }
0x1df: {  	v63 =	vor.u32 v9, v50  }
0x1e0: {  	[tilespmem:v0+s17+$0x0] =	vst.idx.msk $0xffff, v17;
	v0 =	vadd.f32 v62, v51  }
0x1e1: {  	v40 =	vor.u32 v10, v16  }
0x1e2: {  	[tilespmem:v28+s17+$0x0] =	vst.idx.msk $0xffff, v0  }
0x1e3: {  	v11 =	vld [tilespmem:$0x1FFA0]  }
0x1e4: {  	v17 =	vld.idx.msk [tilespmem:v63+s14+$0x0], $0xffff;
	_ =	sdelay $0x1  }
0x1e5: {  	v0 =	vor.u32 v3, v18;
	v62 =	vld.idx.msk [tilespmem:v40+s14+$0x0], $0xffff  }
0x1e6: {  	v12 =	vld [tilespmem:$0x1FFB0]  }
0x1e7: {  	v28 =	vor.u32 v11, v52  }
0x1e8: {  	v17 =	vadd.f32 v17, v1  }
0x1e9: {  	v63 =	vor.u32 v10, v50  }
0x1ea: {  	[tilespmem:v0+s17+$0x0] =	vst.idx.msk $0xffff, v17;
	v0 =	vadd.f32 v62, v51  }
0x1eb: {  	v40 =	vor.u32 v12, v16  }
0x1ec: {  	[tilespmem:v28+s17+$0x0] =	vst.idx.msk $0xffff, v0  }
0x1ed: {  	v13 =	vld [tilespmem:$0x1FFC0]  }
0x1ee: {  	v17 =	vld.idx.msk [tilespmem:v63+s14+$0x0], $0xffff;
	_ =	sdelay $0x1  }
0x1ef: {  	v0 =	vor.u32 v11, v18;
	v62 =	vld.idx.msk [tilespmem:v40+s14+$0x0], $0xffff  }
0x1f0: {  	v14 =	vld [tilespmem:$0x1FF60]  }
0x1f1: {  	v63 =	vor.u32 v12, v50;
	v28 =	vor.u32 v13, v52  }
0x1f2: {  	v17 =	vadd.f32 v17, v1;
	_ =	sdelay $0x1  }
0x1f3: {  	[tilespmem:v0+s17+$0x0] =	vst.idx.msk $0xffff, v17;
	v0 =	vadd.f32 v62, v51  }
0x1f4: {  	v40 =	vor.u32 v14, v16  }
0x1f5: {  	v17 =	vld.idx.msk [tilespmem:v63+s14+$0x0], $0xffff;
	[tilespmem:v28+s17+$0x0] =	vst.idx.msk $0xffff, v0  }
0x1f6: {  	v15 =	vld [tilespmem:$0x1FF70]  }
0x1f7: {  	v30 =	vmov v16;
	v16 =	vld [tilespmem:$0x1FF80];
	_ =	sdelay $0x1  }
0x1f8: {  	v0 =	vor.u32 v13, v18;
	v62 =	vld.idx.msk [tilespmem:v40+s14+$0x0], $0xffff;
	_ =	sdelay $0x1  }
0x1f9: {  	v63 =	vor.u32 v14, v50;
	v28 =	vor.u32 v15, v52  }
0x1fa: {  	v17 =	vadd.f32 v17, v1;
	v40 =	vor.u32 v16, v30;
	_ =	sdelay $0x1  }
0x1fb: {  	[tilespmem:v0+s17+$0x0] =	vst.idx.msk $0xffff, v17;
	v0 =	vadd.f32 v62, v51;
	_ =	sdelay $0x1  }
0x1fc: {  	v17 =	vld.idx.msk [tilespmem:v63+s14+$0x0], $0xffff;
	[tilespmem:v28+s17+$0x0] =	vst.idx.msk $0xffff, v0  }
0x1fd: {  	v19 =	vld.idx.msk [tilespmem:v40+s14+$0x0], $0xffff  }
0x1fe: {  	v23 =	vor.u32 $0x10, v31;
	[tilespmem:$0x1FE10] =	vst v31;
	v31 =	vld [tilespmem:$0x1FF90]  }
0x1ff: {  	v3 =	vld [tilespmem:$0x1FF00]  }
0x200: {  	v8 =	vld [tilespmem:$0x1FFD0]  }
0x201: {  	v0 =	vor.u32 v15, v18  }
0x202: {  	v22 =	vor.u32 v16, v50  }
0x203: {  	v40 =	vand.u32 $0x1F, v23;
	v52 =	vor.u32 v31, v52  }
0x204: {  	v17 =	vadd.f32 v17, v1;
	v28 =	vor.u32 v3, v40  }
0x205: {  	v62 =	vor.u32 v8, v40  }
0x206: {  	[tilespmem:v0+s17+$0x0] =	vst.idx.msk $0xffff, v17;
	v0 =	vadd.f32 v19, v51  }
0x207: {  	v17 =	vld.idx.msk [tilespmem:v22+s14+$0x0], $0xffff  }
0x208: {  	v19 =	vor.u32 $0x10, v39;
	v51 =	vand.u32 $0x380, v48;
	[tilespmem:v52+s17+$0x0] =	vst.idx.msk $0xffff, v0  }
0x209: {  	v25 =	vshll.u32 v23, $0x7;
	v63 =	vand.u32 $0x1F, v19;
	v0 =	vor.u32 v31, v18;
	v52 =	vld.idx.msk [tilespmem:v28+s12+$0x0], $0xffff;
	[tilespmem:$0x1FE00] =	vst v51  }
0x20a: {  	v22 =	vor.u32 v3, v63;
	v18 =	vand.u32 $0xC00, v25;
	v23 =	vld.idx.msk [tilespmem:v62+s14+$0x0], $0xffff  }
0x20b: {  	v51 =	vor.u32 v51, v18;
	v28 =	vlaneseq.u32;
	v62 =	vor.u32 v8, v63  }
0x20c: {  	v1 =	vadd.f32 v17, v1;
	v17 =	vor.u32 v28, v51  }
0x20d: {  	v18 =	vor.u32 v4, v40  }
0x20e: {  	[tilespmem:v0+s17+$0x0] =	vst.idx.msk $0xffff, v1  }
0x20f: {  	v2 =	vand.u32 $0x380, v2;
	v48 =	vld.idx.msk [tilespmem:v22+s12+$0x0], $0xffff;
	v1 =	vadd.f32 v23, v52  }
0x210: {  	v0 =	vshll.u32 v19, $0x7;
	v23 =	vld.idx.msk [tilespmem:v62+s14+$0x0], $0xffff;
	[tilespmem:$0x1FE20] =	vst v2  }
0x211: {  	v25 =	vor.u32 v7, v49;
	v0 =	vand.u32 $0xC00, v0;
	[tilespmem:v17+s17+$0x0] =	vst.idx.msk $0xffff, v1  }
0x212: {  	v62 =	vor.u32 v2, v0;
	v1 =	vld.idx.msk [tilespmem:v18+s14+$0x0], $0xffff  }
0x213: {  	v0 =	vor.u32 v28, v62  }
0x214: {  	v59 =	vadd.f32 v59, v46;
	v2 =	vor.u32 v4, v63;
	v17 =	vor.u32 v5, v51;
	_ =	sdelay $0x1  }
0x215: {  	[tilespmem:v25+s17+$0x0] =	vst.idx.msk $0xffff, v59;
	v18 =	vadd.f32 v23, v48  }
0x216: {  	v28 =	vor.u32 v6, v40;
	[tilespmem:v58+s17+$0x0] =	vst.idx.msk $0xffff, v60;
	v1 =	vadd.f32 v1, v52  }
0x217: {  	[tilespmem:v0+s17+$0x0] =	vst.idx.msk $0xffff, v18;
	v0 =	vor.u32 v9, v47  }
0x218: {  	v2 =	vld.idx.msk [tilespmem:v2+s14+$0x0], $0xffff;
	[tilespmem:v17+s17+$0x0] =	vst.idx.msk $0xffff, v1  }
0x219: {  	v58 =	vld [tilespmem:$0x1FFE0]  }
0x21a: {  	v1 =	vor.u32 v5, v62  }
0x21b: {  	v18 =	vor.u32 v6, v63;
	v17 =	vld.idx.msk [tilespmem:v28+s14+$0x0], $0xffff  }
0x21c: {  	v0 =	vld.idx.msk [tilespmem:v0+s14+$0x0], $0xffff  }
0x21d: {  	v19 =	vor.u32 v7, v51;
	v2 =	vadd.f32 v2, v48  }
0x21e: {  	v59 =	vor.u32 v9, v40;
	v61 =	vld.idx.msk [tilespmem:v61+s14+$0x0], $0xffff;
	v23 =	vor.u32 v58, v49  }
0x21f: {  	[tilespmem:v1+s17+$0x0] =	vst.idx.msk $0xffff, v2  }
0x220: {  	v28 =	vor.u32 v10, v47;
	v1 =	vor.u32 v11, v45;
	v2 =	vadd.f32 v17, v52;
	v17 =	vld.idx.msk [tilespmem:v18+s14+$0x0], $0xffff  }
0x221: {  	v60 =	vor.u32 v12, v43;
	v0 =	vadd.f32 v0, v46  }
0x222: {  	[tilespmem:v19+s17+$0x0] =	vst.idx.msk $0xffff, v2;
	v2 =	vor.u32 v7, v62  }
0x223: {  	v61 =	vadd.f32 v61, v44;
	[tilespmem:v23+s17+$0x0] =	vst.idx.msk $0xffff, v0;
	v0 =	vld.idx.msk [tilespmem:v59+s14+$0x0], $0xffff;
	v59 =	vor.u32 v9, v63;
	_ =	sdelay $0x1  }
0x224: {  	[tilespmem:v1+s17+$0x0] =	vst.idx.msk $0xffff, v61;
	v1 =	vor.u32 v58, v51;
	v17 =	vadd.f32 v17, v48;
	v23 =	vld.idx.msk [tilespmem:v28+s14+$0x0], $0xffff  }
0x225: {  	v18 =	vld.idx.msk [tilespmem:v60+s14+$0x0], $0xffff;
	v60 =	vor.u32 v10, v40  }
0x226: {  	v19 =	vor.u32 v11, v49;
	[tilespmem:v2+s17+$0x0] =	vst.idx.msk $0xffff, v17  }
0x227: {  	v2 =	vor.u32 v13, v45;
	v0 =	vadd.f32 v0, v52;
	v17 =	vld.idx.msk [tilespmem:v59+s14+$0x0], $0xffff  }
0x228: {  	v61 =	vor.u32 v12, v47;
	v59 =	vor.u32 v14, v43  }
0x229: {  	v23 =	vadd.f32 v23, v46;
	[tilespmem:v1+s17+$0x0] =	vst.idx.msk $0xffff, v0;
	v0 =	vor.u32 v58, v62  }
0x22a: {  	v1 =	vadd.f32 v18, v44;
	v18 =	vld.idx.msk [tilespmem:v60+s14+$0x0], $0xffff;
	v60 =	vor.u32 v10, v63  }
0x22b: {  	[tilespmem:v19+s17+$0x0] =	vst.idx.msk $0xffff, v23  }
0x22c: {  	[tilespmem:v2+s17+$0x0] =	vst.idx.msk $0xffff, v1;
	v1 =	vor.u32 v11, v51;
	v2 =	vadd.f32 v17, v48  }
0x22d: {  	v23 =	vld.idx.msk [tilespmem:v61+s14+$0x0], $0xffff  }
0x22e: {  	v61 =	vld.idx.msk [tilespmem:v59+s14+$0x0], $0xffff;
	[tilespmem:v0+s17+$0x0] =	vst.idx.msk $0xffff, v2  }
0x22f: {  	v58 =	vor.u32 v13, v49;
	v18 =	vadd.f32 v18, v52;
	v19 =	vld.idx.msk [tilespmem:v60+s14+$0x0], $0xffff  }
0x230: {  	v59 =	vor.u32 v12, v40;
	v2 =	vor.u32 v15, v45  }
0x231: {  	v0 =	vor.u32 v14, v47;
	[tilespmem:v1+s17+$0x0] =	vst.idx.msk $0xffff, v18;
	v1 =	vor.u32 v11, v62  }
0x232: {  	v23 =	vadd.f32 v23, v46  }
0x233: {  	v17 =	vadd.f32 v61, v44  }
0x234: {  	[tilespmem:v58+s17+$0x0] =	vst.idx.msk $0xffff, v23;
	v58 =	vadd.f32 v19, v48  }
0x235: {  	v18 =	vld.idx.msk [tilespmem:v59+s14+$0x0], $0xffff;
	[tilespmem:v2+s17+$0x0] =	vst.idx.msk $0xffff, v17  }
0x236: {  	v0 =	vld.idx.msk [tilespmem:v0+s14+$0x0], $0xffff;
	[tilespmem:v1+s17+$0x0] =	vst.idx.msk $0xffff, v58  }
0x237: {  	v2 =	vor.u32 v13, v51;
	v1 =	vld [tilespmem:$0x1FE70]  }
0x238: {  	v61 =	vor.u32 v12, v63;
	v23 =	vor.u32 v15, v49;
	_ =	sdelay $0x1  }
0x239: {  	v60 =	vor.u32 v16, v43;
	v18 =	vadd.f32 v18, v52  }
0x23a: {  	v43 =	vor.u32 $0x20, v29;
	v0 =	vadd.f32 v0, v46  }
0x23b: {  	v58 =	vand.u32 $0x28, v43;
	[tilespmem:v2+s17+$0x0] =	vst.idx.msk $0xffff, v18;
	v1 =	vand.u32 $0x7, v1  }
0x23c: {  	v22 =	vld.idx.msk [tilespmem:v61+s14+$0x0], $0xffff;
	[tilespmem:v23+s17+$0x0] =	vst.idx.msk $0xffff, v0;
	v61 =	vor.u32 v1, v58  }
0x23d: {  	v29 =	vmov v8;
	v23 =	vor.u32 v8, v61;
	v8 =	vld [tilespmem:$0x1FEC0]  }
0x23e: {  	v19 =	vld.idx.msk [tilespmem:v60+s14+$0x0], $0xffff  }
0x23f: {  	v59 =	vor.u32 v14, v40  }
0x240: {  	v1 =	vor.u32 v31, v45  }
0x241: {  	v47 =	vor.u32 v16, v47;
	v2 =	vor.u32 v13, v62  }
0x242: {  	v58 =	vor.u32 $0x20, v8;
	v8 =	vld [tilespmem:$0x1FEE0]  }
0x243: {  	v18 =	vadd.f32 v19, v44  }
0x244: {  	v0 =	vld.idx.msk [tilespmem:v59+s14+$0x0], $0xffff;
	v22 =	vadd.f32 v22, v48  }
0x245: {  	[tilespmem:v1+s17+$0x0] =	vst.idx.msk $0xffff, v18  }
0x246: {  	v25 =	vld.idx.msk [tilespmem:v47+s14+$0x0], $0xffff;
	v45 =	vor.u32 v15, v51;
	v17 =	vor.u32 v3, v61;
	[tilespmem:v2+s17+$0x0] =	vst.idx.msk $0xffff, v22  }
0x247: {  	v19 =	vor.u32 v14, v63;
	v59 =	vand.u32 $0x7, v8;
	v8 =	vld [tilespmem:$0x1FED0]  }
0x248: {  	v1 =	vor.u32 v16, v40  }
0x249: {  	v49 =	vor.u32 v31, v49;
	v0 =	vadd.f32 v0, v52;
	v60 =	vand.u32 $0x28, v58  }
0x24a: {  	v47 =	vshll.u32 v43, $0x7;
	v28 =	vor.u32 v59, v60  }
0x24b: {  	v2 =	vand.u32 $0x1400, v47;
	v43 =	vld.idx.msk [tilespmem:v17+s12+$0x0], $0xffff;
	[tilespmem:v45+s17+$0x0] =	vst.idx.msk $0xffff, v0;
	v59 =	vor.u32 v3, v28  }
0x24c: {  	v19 =	vld.idx.msk [tilespmem:v19+s14+$0x0], $0xffff;
	v60 =	vadd.f32 v25, v46;
	v47 =	vor.u32 v8, v2;
	v2 =	vor.u32 v29, v28  }
0x24d: {  	v1 =	vld.idx.msk [tilespmem:v1+s14+$0x0], $0xffff  }
0x24e: {  	v22 =	vld.idx.msk [tilespmem:v23+s14+$0x0], $0xffff;
	v0 =	vor.u32 v15, v62;
	[tilespmem:v49+s17+$0x0] =	vst.idx.msk $0xffff, v60  }
0x24f: {  	v45 =	vor.u32 v16, v63;
	v63 =	vor.u32 v31, v51;
	v46 =	vlaneseq.u32;
	v23 =	vld [tilespmem:$0x1FE10]  }
0x250: {  	v49 =	vshll.u32 v58, $0x7;
	v25 =	vor.u32 v46, v47;
	v44 =	vld.idx.msk [tilespmem:v59+s12+$0x0], $0xffff  }
0x251: {  	v40 =	vor.u32 v4, v61;
	v19 =	vadd.f32 v19, v48;
	v17 =	vand.u32 $0x1400, v49;
	v2 =	vld.idx.msk [tilespmem:v2+s14+$0x0], $0xffff  }
0x252: {  	v49 =	vor.u32 v38, v17;
	v1 =	vadd.f32 v1, v52  }
0x253: {  	v22 =	vadd.f32 v22, v43;
	[tilespmem:v0+s17+$0x0] =	vst.idx.msk $0xffff, v19;
	v17 =	vor.u32 v46, v49  }
0x254: {  	v30 =	vor.u32 $0x20, v30;
	v19 =	vld.idx.msk [tilespmem:v45+s14+$0x0], $0xffff;
	[tilespmem:v63+s17+$0x0] =	vst.idx.msk $0xffff, v1  }
0x255: {  	v60 =	vand.u32 $0x28, v30;
	v23 =	vand.u32 $0x7, v23;
	[tilespmem:v25+s17+$0x0] =	vst.idx.msk $0xffff, v22  }
0x256: {  	v1 =	vor.u32 v31, v62;
	v58 =	vor.u32 v23, v60;
	v40 =	vld.idx.msk [tilespmem:v40+s14+$0x0], $0xffff;
	v2 =	vadd.f32 v2, v44  }
0x257: {  	v8 =	vmov v29;
	v23 =	vor.u32 v3, v58  }
0x258: {  	v0 =	vor.u32 v8, v58;
	v25 =	vor.u32 v5, v47;
	[tilespmem:v17+s17+$0x0] =	vst.idx.msk $0xffff, v2  }
0x259: {  	v29 =	vor.u32 $0x20, v50;
	v2 =	vadd.f32 v19, v48;
	v62 =	vld [tilespmem:$0x1FE00]  }
0x25a: {  	v52 =	vand.u32 $0x7, v39;
	v59 =	vand.u32 $0x28, v29;
	v22 =	vor.u32 v4, v28  }
0x25b: {  	v60 =	vor.u32 v52, v59;
	[tilespmem:v1+s17+$0x0] =	vst.idx.msk $0xffff, v2;
	v1 =	vadd.f32 v40, v43  }
0x25c: {  	v50 =	vshll.u32 v30, $0x7;
	v52 =	vor.u32 v3, v60;
	v45 =	vld.idx.msk [tilespmem:v23+s12+$0x0], $0xffff  }
0x25d: {  	v18 =	vand.u32 $0x1400, v50;
	v59 =	vor.u32 v8, v60;
	v0 =	vld.idx.msk [tilespmem:v0+s14+$0x0], $0xffff;
	[tilespmem:v25+s17+$0x0] =	vst.idx.msk $0xffff, v1  }
0x25e: {  	v51 =	vlaneseq.u32;
	v1 =	vld [tilespmem:$0x1FE20];
	v50 =	vor.u32 v62, v18  }
0x25f: {  	v17 =	vor.u32 v6, v61;
	v18 =	vld.idx.msk [tilespmem:v22+s14+$0x0], $0xffff;
	v19 =	vor.u32 v51, v50  }
0x260: {  	v22 =	vor.u32 v4, v58  }
0x261: {  	v48 =	vshll.u32 v29, $0x7;
	v2 =	vor.u32 v5, v49;
	v46 =	vld.idx.msk [tilespmem:v52+s12+$0x0], $0xffff  }
0x262: {  	v23 =	vand.u32 $0x1400, v48;
	v52 =	vor.u32 v6, v28;
	v30 =	vld.idx.msk [tilespmem:v59+s14+$0x0], $0xffff;
	v0 =	vadd.f32 v0, v45  }
0x263: {  	v59 =	vor.u32 v1, v23  }
0x264: {  	v1 =	vld.idx.msk [tilespmem:v17+s14+$0x0], $0xffff;
	v40 =	vadd.f32 v18, v44;
	[tilespmem:v19+s17+$0x0] =	vst.idx.msk $0xffff, v0;
	v0 =	vor.u32 v51, v59  }
0x265: {  	v18 =	vld.idx.msk [tilespmem:v22+s14+$0x0], $0xffff  }
0x266: {  	v48 =	vor.u32 v7, v47;
	[tilespmem:v2+s17+$0x0] =	vst.idx.msk $0xffff, v40  }
0x267: {  	v51 =	vor.u32 v5, v50;
	v17 =	vld.idx.msk [tilespmem:v52+s14+$0x0], $0xffff;
	v52 =	vadd.f32 v30, v46  }
0x268: {  	v54 =	vadd.f32 v54, v34  }
0x269: {  	v19 =	vor.u32 v4, v60;
	[tilespmem:v0+s17+$0x0] =	vst.idx.msk $0xffff, v52;
	v0 =	vadd.f32 v1, v43  }
0x26a: {  	[tilespmem:v56+s17+$0x0] =	vst.idx.msk $0xffff, v54;
	v18 =	vadd.f32 v18, v45  }
0x26b: {  	v2 =	vor.u32 v9, v61;
	[tilespmem:v48+s17+$0x0] =	vst.idx.msk $0xffff, v0  }
0x26c: {  	v29 =	vld.idx.msk [tilespmem:v57+s14+$0x0], $0xffff;
	v1 =	vor.u32 v7, v49;
	[tilespmem:v51+s17+$0x0] =	vst.idx.msk $0xffff, v18  }
0x26d: {  	v40 =	vor.u32 v6, v58;
	v52 =	vld [tilespmem:$0x1FFE0]  }
0x26e: {  	v19 =	vld.idx.msk [tilespmem:v19+s14+$0x0], $0xffff  }
0x26f: {  	v0 =	vor.u32 v9, v28;
	v17 =	vadd.f32 v17, v44  }
0x270: {  	v25 =	vor.u32 v14, v33;
	v2 =	vld.idx.msk [tilespmem:v2+s14+$0x0], $0xffff;
	v18 =	vor.u32 v5, v59  }
0x271: {  	v22 =	vor.u32 v13, v37;
	[tilespmem:v1+s17+$0x0] =	vst.idx.msk $0xffff, v17;
	v1 =	vor.u32 v6, v60  }
0x272: {  	v48 =	vadd.f32 v53, v32;
	v23 =	vld.idx.msk [tilespmem:v40+s14+$0x0], $0xffff;
	v56 =	vor.u32 v52, v47  }
0x273: {  	v54 =	vadd.f32 v29, v34;
	v53 =	vor.u32 v14, v36;
	v19 =	vadd.f32 v19, v46  }
0x274: {  	v40 =	vor.u32 v7, v50;
	[tilespmem:v55+s17+$0x0] =	vst.idx.msk $0xffff, v48;
	v17 =	vor.u32 v10, v61;
	v0 =	vld.idx.msk [tilespmem:v0+s14+$0x0], $0xffff  }
0x275: {  	v57 =	vor.u32 v9, v58;
	v25 =	vld.idx.msk [tilespmem:v25+s14+$0x0], $0xffff;
	[tilespmem:v18+s17+$0x0] =	vst.idx.msk $0xffff, v19;
	v2 =	vadd.f32 v2, v43  }
0x276: {  	[tilespmem:v22+s17+$0x0] =	vst.idx.msk $0xffff, v54;
	v55 =	vor.u32 v52, v49;
	v1 =	vld.idx.msk [tilespmem:v1+s14+$0x0], $0xffff  }
0x277: {  	v23 =	vadd.f32 v23, v45;
	[tilespmem:v56+s17+$0x0] =	vst.idx.msk $0xffff, v2;
	v2 =	vor.u32 v15, v35  }
0x278: {  	v48 =	vor.u32 v7, v59;
	v18 =	vld.idx.msk [tilespmem:v53+s14+$0x0], $0xffff;
	v56 =	vor.u32 v10, v28  }
0x279: {  	v53 =	vor.u32 v9, v60;
	[tilespmem:v40+s17+$0x0] =	vst.idx.msk $0xffff, v23;
	v0 =	vadd.f32 v0, v44;
	v17 =	vld.idx.msk [tilespmem:v17+s14+$0x0], $0xffff  }
0x27a: {  	v51 =	vor.u32 v11, v47;
	v25 =	vadd.f32 v25, v32;
	v57 =	vld.idx.msk [tilespmem:v57+s14+$0x0], $0xffff  }
0x27b: {  	v23 =	vor.u32 v16, v33;
	[tilespmem:v55+s17+$0x0] =	vst.idx.msk $0xffff, v0;
	v1 =	vadd.f32 v1, v46  }
0x27c: {  	v0 =	vor.u32 v52, v50;
	[tilespmem:v2+s17+$0x0] =	vst.idx.msk $0xffff, v25;
	v2 =	vor.u32 v12, v61  }
0x27d: {  	[tilespmem:v48+s17+$0x0] =	vst.idx.msk $0xffff, v1;
	v54 =	vld.idx.msk [tilespmem:v56+s14+$0x0], $0xffff;
	v56 =	vor.u32 v10, v58  }
0x27e: {  	v40 =	vld.idx.msk [tilespmem:v53+s14+$0x0], $0xffff;
	v17 =	vadd.f32 v17, v43  }
0x27f: {  	v55 =	vor.u32 v15, v37;
	v19 =	vadd.f32 v57, v45  }
0x280: {  	v53 =	vor.u32 v52, v59;
	v1 =	vld.idx.msk [tilespmem:v23+s14+$0x0], $0xffff;
	[tilespmem:v51+s17+$0x0] =	vst.idx.msk $0xffff, v17  }
0x281: {  	v22 =	vor.u32 v11, v49;
	[tilespmem:v0+s17+$0x0] =	vst.idx.msk $0xffff, v19;
	v2 =	vld.idx.msk [tilespmem:v2+s14+$0x0], $0xffff  }
0x282: {  	v57 =	vadd.f32 v18, v34;
	v48 =	vor.u32 v31, v35;
	v25 =	vadd.f32 v54, v44;
	v54 =	vld.idx.msk [tilespmem:v56+s14+$0x0], $0xffff  }
0x283: {  	v0 =	vor.u32 v12, v28;
	v18 =	vadd.f32 v40, v46;
	v56 =	vor.u32 v13, v47  }
0x284: {  	[tilespmem:v55+s17+$0x0] =	vst.idx.msk $0xffff, v57;
	v51 =	vor.u32 v16, v36;
	v36 =	vor.u32 v11, v50  }
0x285: {  	v1 =	vadd.f32 v1, v32;
	[tilespmem:v53+s17+$0x0] =	vst.idx.msk $0xffff, v18  }
0x286: {  	[tilespmem:v22+s17+$0x0] =	vst.idx.msk $0xffff, v25;
	v2 =	vadd.f32 v2, v43  }
0x287: {  	v55 =	vor.u32 v10, v60;
	[tilespmem:v48+s17+$0x0] =	vst.idx.msk $0xffff, v1;
	v17 =	vadd.f32 v54, v45  }
0x288: {  	v30 =	vor.u32 $0x30, v20;
	v57 =	vor.u32 v14, v61;
	v0 =	vld.idx.msk [tilespmem:v0+s14+$0x0], $0xffff;
	[tilespmem:v56+s17+$0x0] =	vst.idx.msk $0xffff, v2  }
0x289: {  	v40 =	vand.u32 $0x3F, v30;
	v19 =	vld.idx.msk [tilespmem:v51+s14+$0x0], $0xffff;
	v51 =	vor.u32 v12, v58;
	[tilespmem:v36+s17+$0x0] =	vst.idx.msk $0xffff, v17  }
0x28a: {  	v1 =	vor.u32 v3, v40;
	v17 =	vld [tilespmem:$0x1FE90]  }
0x28b: {  	v48 =	vor.u32 v13, v49  }
0x28c: {  	v53 =	vor.u32 v31, v37;
	v33 =	vld.idx.msk [tilespmem:v55+s14+$0x0], $0xffff  }
0x28d: {  	v22 =	vld.idx.msk [tilespmem:v57+s14+$0x0], $0xffff  }
0x28e: {  	v25 =	vor.u32 v11, v59;
	v0 =	vadd.f32 v0, v44;
	v57 =	vld.idx.msk [tilespmem:v51+s14+$0x0], $0xffff  }
0x28f: {  	v56 =	vor.u32 v15, v47;
	v55 =	vor.u32 $0x30, v17;
	v17 =	vld.idx.msk [tilespmem:v1+s12+$0x0], $0xffff;
	v1 =	vadd.f32 v19, v34  }
0x290: {  	[tilespmem:v48+s17+$0x0] =	vst.idx.msk $0xffff, v0  }
0x291: {  	v48 =	vadd.f32 v33, v46;
	[tilespmem:v53+s17+$0x0] =	vst.idx.msk $0xffff, v1;
	v53 =	vor.u32 v13, v50  }
0x292: {  	v22 =	vadd.f32 v22, v43  }
0x293: {  	v2 =	vor.u32 v14, v28;
	[tilespmem:v25+s17+$0x0] =	vst.idx.msk $0xffff, v48  }
0x294: {  	v54 =	vor.u32 v12, v60;
	v19 =	vld [tilespmem:$0x1FE80];
	[tilespmem:v56+s17+$0x0] =	vst.idx.msk $0xffff, v22;
	v56 =	vadd.f32 v57, v45  }
0x295: {  	v32 =	vor.u32 v8, v40;
	v29 =	vand.u32 $0x3F, v55  }
0x296: {  	v1 =	vor.u32 v3, v29;
	[tilespmem:v53+s17+$0x0] =	vst.idx.msk $0xffff, v56  }
0x297: {  	v51 =	vor.u32 v16, v61;
	v53 =	vld [tilespmem:$0x1FEB0]  }
0x298: {  	v0 =	vshll.u32 v30, $0x7;
	v2 =	vld.idx.msk [tilespmem:v2+s14+$0x0], $0xffff  }
0x299: {  	v0 =	vand.u32 $0x1C00, v0;
	v25 =	vor.u32 v14, v58;
	v33 =	vld.idx.msk [tilespmem:v54+s14+$0x0], $0xffff;
	v54 =	vor.u32 v8, v29  }
0x29a: {  	v32 =	vld.idx.msk [tilespmem:v32+s14+$0x0], $0xffff;
	v55 =	vshll.u32 v55, $0x7;
	v19 =	vor.u32 v19, v0;
	v0 =	vor.u32 v15, v49  }
0x29b: {  	v57 =	vlaneseq.u32;
	v18 =	vld.idx.msk [tilespmem:v1+s12+$0x0], $0xffff;
	v1 =	vand.u32 $0x1C00, v55  }
0x29c: {  	v61 =	vor.u32 v57, v19;
	v22 =	vor.u32 v53, v1;
	v1 =	vld.idx.msk [tilespmem:v51+s14+$0x0], $0xffff  }
0x29d: {  	v28 =	vor.u32 v16, v28;
	v34 =	vor.u32 v13, v59;
	v2 =	vadd.f32 v2, v44  }
0x29e: {  	v36 =	vor.u32 v14, v60;
	v23 =	vld.idx.msk [tilespmem:v54+s14+$0x0], $0xffff;
	v54 =	vor.u32 v31, v47  }
0x29f: {  	v32 =	vadd.f32 v32, v17;
	[tilespmem:v0+s17+$0x0] =	vst.idx.msk $0xffff, v2;
	v0 =	vld.idx.msk [tilespmem:v25+s14+$0x0], $0xffff  }
0x2a0: {  	v2 =	vadd.f32 v33, v46;
	v55 =	vld [tilespmem:$0x1FE70]  }
0x2a1: {  	[tilespmem:v61+s17+$0x0] =	vst.idx.msk $0xffff, v32;
	v1 =	vadd.f32 v1, v43  }
0x2a2: {  	v56 =	vor.u32 v15, v50;
	v28 =	vld.idx.msk [tilespmem:v28+s14+$0x0], $0xffff;
	[tilespmem:v34+s17+$0x0] =	vst.idx.msk $0xffff, v2  }
0x2a3: {  	v25 =	vor.u32 v57, v22;
	v57 =	vor.u32 v16, v58;
	v36 =	vld.idx.msk [tilespmem:v36+s14+$0x0], $0xffff;
	[tilespmem:v54+s17+$0x0] =	vst.idx.msk $0xffff, v1  }
0x2a4: {  	v51 =	vld [tilespmem:$0x1FEE0]  }
0x2a5: {  	v61 =	vor.u32 v15, v59;
	v0 =	vadd.f32 v0, v45;
	v20 =	vor.u32 $0x30, v55  }
0x2a6: {  	v30 =	vand.u32 $0x3F, v20  }
0x2a7: {  	v37 =	vor.u32 v3, v30;
	[tilespmem:v56+s17+$0x0] =	vst.idx.msk $0xffff, v0  }
0x2a8: {  	v28 =	vadd.f32 v28, v44;
	v58 =	vor.u32 v8, v30;
	v56 =	vadd.f32 v36, v46;
	v44 =	vld.idx.msk [tilespmem:v57+s14+$0x0], $0xffff  }
0x2a9: {  	v57 =	vld [tilespmem:$0x1FED0];
	v54 =	vor.u32 $0x30, v51;
	v51 =	vor.u32 v16, v60  }
0x2aa: {  	[tilespmem:v61+s17+$0x0] =	vst.idx.msk $0xffff, v56  }
0x2ab: {  	v48 =	vor.u32 v4, v40;
	v60 =	vld [tilespmem:$0x1FE10]  }
0x2ac: {  	v53 =	vlaneseq.u32;
	v55 =	vor.u32 v31, v49;
	v0 =	vshll.u32 v20, $0x7;
	v20 =	vld.idx.msk [tilespmem:v37+s12+$0x0], $0xffff  }
0x2ad: {  	v63 =	vmovc v31;
	v1 =	vadd.f32 v23, v18;
	v0 =	vand.u32 $0x1C00, v0;
	v37 =	vld.idx.msk [tilespmem:v58+s14+$0x0], $0xffff;
	v32 =	vand.u32 $0x3F, v54  }
0x2ae: {  	v61 =	vor.u32 v63, v50;
	v23 =	vor.u32 v57, v0;
	v36 =	vor.u32 v3, v32;
	v47 =	vld.idx.msk [tilespmem:v51+s14+$0x0], $0xffff  }
0x2af: {  	v39 =	vor.u32 $0x30, v39;
	[tilespmem:v25+s17+$0x0] =	vst.idx.msk $0xffff, v1;
	v0 =	vor.u32 v8, v32;
	v1 =	vor.u32 v53, v23  }
0x2b0: {  	v2 =	vor.u32 v4, v29;
	v57 =	vor.u32 v63, v59;
	v33 =	vor.u32 $0x30, v60  }
0x2b1: {  	v35 =	vand.u32 $0x3F, v39;
	v48 =	vld.idx.msk [tilespmem:v48+s14+$0x0], $0xffff;
	v44 =	vadd.f32 v44, v45;
	v34 =	vand.u32 $0x3F, v33  }
0x2b2: {  	[tilespmem:v55+s17+$0x0] =	vst.idx.msk $0xffff, v28;
	v58 =	vshll.u32 v54, $0x7;
	v59 =	vadd.f32 v37, v20;
	v55 =	vor.u32 v3, v34  }
0x2b3: {  	[tilespmem:v61+s17+$0x0] =	vst.idx.msk $0xffff, v44;
	v56 =	vor.u32 v8, v34;
	v25 =	vld.idx.msk [tilespmem:v36+s12+$0x0], $0xffff;
	v61 =	vadd.f32 v47, v46  }
0x2b4: {  	v54 =	vand.u32 $0x1C00, v58;
	v58 =	vor.u32 v3, v35;
	v0 =	vld.idx.msk [tilespmem:v0+s14+$0x0], $0xffff;
	[tilespmem:v1+s17+$0x0] =	vst.idx.msk $0xffff, v59  }
0x2b5: {  	v43 =	vor.u32 v5, v19;
	v2 =	vld.idx.msk [tilespmem:v2+s14+$0x0], $0xffff;
	v60 =	vor.u32 v8, v35;
	[tilespmem:v57+s17+$0x0] =	vst.idx.msk $0xffff, v61  }
0x2b6: {  	v31 =	vor.u32 v38, v54;
	v38 =	vor.u32 v6, v40;
	v3 =	vld [tilespmem:$0x1FE20]  }
0x2b7: {  	v33 =	vshll.u32 v33, $0x7;
	v1 =	vor.u32 v53, v31;
	v46 =	vor.u32 v4, v30;
	v51 =	vld.idx.msk [tilespmem:v55+s12+$0x0], $0xffff  }
0x2b8: {  	v54 =	vor.u32 v4, v32;
	v59 =	vadd.f32 v48, v17;
	v55 =	vld.idx.msk [tilespmem:v56+s14+$0x0], $0xffff;
	v56 =	vand.u32 $0x1C00, v33  }
0x2b9: {  	v39 =	vshll.u32 v39, $0x7;
	v0 =	vadd.f32 v0, v25;
	v33 =	vld.idx.msk [tilespmem:v58+s12+$0x0], $0xffff;
	v36 =	vor.u32 v62, v56  }
0x2ba: {  	v44 =	vld.idx.msk [tilespmem:v60+s14+$0x0], $0xffff;
	v58 =	vand.u32 $0x1C00, v39;
	[tilespmem:v43+s17+$0x0] =	vst.idx.msk $0xffff, v59;
	v57 =	vor.u32 v53, v36  }
0x2bb: {  	v45 =	vor.u32 v5, v22;
	v60 =	vor.u32 v4, v34;
	v38 =	vld.idx.msk [tilespmem:v38+s14+$0x0], $0xffff;
	v37 =	vor.u32 v3, v58  }
0x2bc: {  	v61 =	vor.u32 v6, v29;
	[tilespmem:v1+s17+$0x0] =	vst.idx.msk $0xffff, v0;
	v46 =	vld.idx.msk [tilespmem:v46+s14+$0x0], $0xffff;
	v0 =	vor.u32 v53, v37  }
0x2bd: {  	v1 =	vld.idx.msk [tilespmem:v54+s14+$0x0], $0xffff;
	v62 =	vadd.f32 v55, v51;
	v53 =	vor.u32 v4, v35  }
0x2be: {  	v2 =	vadd.f32 v2, v18;
	v56 =	vor.u32 v5, v31;
	v55 =	vor.u32 v5, v23  }
0x2bf: {  	v54 =	vor.u32 v6, v30;
	v44 =	vadd.f32 v44, v33;
	[tilespmem:v57+s17+$0x0] =	vst.idx.msk $0xffff, v62  }
0x2c0: {  	[tilespmem:v45+s17+$0x0] =	vst.idx.msk $0xffff, v2;
	v2 =	vor.u32 v7, v19;
	v57 =	vor.u32 v6, v32;
	v48 =	vld.idx.msk [tilespmem:v60+s14+$0x0], $0xffff  }
0x2c1: {  	v50 =	vld.idx.msk [tilespmem:v61+s14+$0x0], $0xffff;
	v58 =	vor.u32 v9, v40;
	v46 =	vadd.f32 v46, v20;
	[tilespmem:v0+s17+$0x0] =	vst.idx.msk $0xffff, v44  }
0x2c2: {  	v59 =	vor.u32 v5, v36;
	v38 =	vadd.f32 v38, v17;
	v1 =	vadd.f32 v1, v25;
	v39 =	vld.idx.msk [tilespmem:v53+s14+$0x0], $0xffff  }
0x2c3: {  	v60 =	vor.u32 v6, v34;
	[tilespmem:v55+s17+$0x0] =	vst.idx.msk $0xffff, v46;
	v0 =	vor.u32 v7, v22  }
0x2c4: {  	v61 =	vor.u32 v9, v29;
	[tilespmem:v56+s17+$0x0] =	vst.idx.msk $0xffff, v1;
	v1 =	vor.u32 v5, v37;
	v43 =	vld.idx.msk [tilespmem:v54+s14+$0x0], $0xffff  }
0x2c5: {  	[tilespmem:v2+s17+$0x0] =	vst.idx.msk $0xffff, v38;
	v2 =	vld.idx.msk [tilespmem:v57+s14+$0x0], $0xffff;
	v62 =	vadd.f32 v48, v51;
	v53 =	vor.u32 v6, v35  }
0x2c6: {  	v56 =	vor.u32 v7, v23;
	v54 =	vadd.f32 v50, v18;
	v49 =	vld.idx.msk [tilespmem:v58+s14+$0x0], $0xffff  }
0x2c7: {  	v57 =	vor.u32 v7, v31;
	[tilespmem:v59+s17+$0x0] =	vst.idx.msk $0xffff, v62;
	v39 =	vadd.f32 v39, v33  }
0x2c8: {  	v55 =	vor.u32 v9, v30;
	v58 =	vor.u32 v9, v32;
	v44 =	vld.idx.msk [tilespmem:v60+s14+$0x0], $0xffff;
	[tilespmem:v0+s17+$0x0] =	vst.idx.msk $0xffff, v54  }
0x2c9: {  	v43 =	vadd.f32 v43, v20;
	v0 =	vor.u32 v52, v19;
	v45 =	vld.idx.msk [tilespmem:v61+s14+$0x0], $0xffff;
	[tilespmem:v1+s17+$0x0] =	vst.idx.msk $0xffff, v39  }
0x2ca: {  	v59 =	vor.u32 v7, v36;
	v60 =	vor.u32 v52, v22;
	v2 =	vadd.f32 v2, v25;
	v38 =	vld.idx.msk [tilespmem:v53+s14+$0x0], $0xffff  }
0x2cb: {  	v49 =	vadd.f32 v49, v17;
	[tilespmem:v56+s17+$0x0] =	vst.idx.msk $0xffff, v43;
	v61 =	vor.u32 v9, v34  }
0x2cc: {  	[tilespmem:v57+s17+$0x0] =	vst.idx.msk $0xffff, v2;
	v2 =	vor.u32 v7, v37;
	v1 =	vor.u32 v10, v40  }
0x2cd: {  	v6 =	vor.u32 v9, v35;
	v48 =	vld.idx.msk [tilespmem:v55+s14+$0x0], $0xffff;
	v44 =	vadd.f32 v44, v51  }
0x2ce: {  	v62 =	vor.u32 v10, v29;
	v7 =	vld.idx.msk [tilespmem:v58+s14+$0x0], $0xffff;
	[tilespmem:v0+s17+$0x0] =	vst.idx.msk $0xffff, v49;
	v0 =	vadd.f32 v45, v18  }
0x2cf: {  	v53 =	vor.u32 v52, v23;
	[tilespmem:v59+s17+$0x0] =	vst.idx.msk $0xffff, v44;
	v38 =	vadd.f32 v38, v33  }
0x2d0: {  	v54 =	vor.u32 v10, v30;
	v39 =	vld.idx.msk [tilespmem:v61+s14+$0x0], $0xffff;
	[tilespmem:v60+s17+$0x0] =	vst.idx.msk $0xffff, v0;
	v0 =	vor.u32 v52, v31  }
0x2d1: {  	v1 =	vld.idx.msk [tilespmem:v1+s14+$0x0], $0xffff;
	[tilespmem:v2+s17+$0x0] =	vst.idx.msk $0xffff, v38  }
0x2d2: {  	v56 =	vor.u32 v10, v32;
	v58 =	vor.u32 v52, v36;
	v55 =	vadd.f32 v48, v20;
	v57 =	vld.idx.msk [tilespmem:v6+s14+$0x0], $0xffff  }
0x2d3: {  	v61 =	vor.u32 v11, v22;
	v59 =	vadd.f32 v7, v25;
	v28 =	vld.idx.msk [tilespmem:v62+s14+$0x0], $0xffff;
	v2 =	vor.u32 v11, v19  }
0x2d4: {  	v60 =	vor.u32 v10, v34;
	[tilespmem:v53+s17+$0x0] =	vst.idx.msk $0xffff, v55;
	v6 =	vor.u32 v52, v37  }
0x2d5: {  	v7 =	vor.u32 v10, v35;
	v62 =	vld.idx.msk [tilespmem:v54+s14+$0x0], $0xffff;
	[tilespmem:v0+s17+$0x0] =	vst.idx.msk $0xffff, v59;
	v0 =	vadd.f32 v39, v51  }
0x2d6: {  	v9 =	vmovc v52;
	v53 =	vor.u32 v11, v23;
	v52 =	vor.u32 v12, v40;
	v1 =	vadd.f32 v1, v17  }
0x2d7: {  	v38 =	vld.idx.msk [tilespmem:v56+s14+$0x0], $0xffff;
	[tilespmem:v58+s17+$0x0] =	vst.idx.msk $0xffff, v0;
	v0 =	vor.u32 v12, v29;
	v44 =	vadd.f32 v57, v33  }
0x2d8: {  	[tilespmem:v2+s17+$0x0] =	vst.idx.msk $0xffff, v1;
	v1 =	vadd.f32 v28, v18;
	v2 =	vor.u32 v12, v30  }
0x2d9: {  	v55 =	vor.u32 v11, v31;
	v54 =	vld.idx.msk [tilespmem:v60+s14+$0x0], $0xffff;
	[tilespmem:v6+s17+$0x0] =	vst.idx.msk $0xffff, v44  }
0x2da: {  	v56 =	vadd.f32 v62, v20;
	v58 =	vor.u32 v12, v32;
	[tilespmem:v61+s17+$0x0] =	vst.idx.msk $0xffff, v1;
	v1 =	vld.idx.msk [tilespmem:v7+s14+$0x0], $0xffff  }
0x2db: {  	v59 =	vor.u32 v12, v34;
	v57 =	vor.u32 v11, v36;
	v43 =	vld.idx.msk [tilespmem:v52+s14+$0x0], $0xffff  }
0x2dc: {  	v60 =	vor.u32 v11, v37;
	[tilespmem:v53+s17+$0x0] =	vst.idx.msk $0xffff, v56;
	v38 =	vadd.f32 v38, v25;
	v0 =	vld.idx.msk [tilespmem:v0+s14+$0x0], $0xffff  }
0x2dd: {  	v62 =	vor.u32 v12, v35;
	v52 =	vor.u32 v14, v29;
	v61 =	vor.u32 v13, v19;
	v2 =	vld.idx.msk [tilespmem:v2+s14+$0x0], $0xffff  }
0x2de: {  	v7 =	vor.u32 v13, v22;
	v28 =	vadd.f32 v54, v51;
	[tilespmem:v55+s17+$0x0] =	vst.idx.msk $0xffff, v38  }
0x2df: {  	v6 =	vor.u32 v14, v40;
	v55 =	vor.u32 v13, v23;
	v54 =	vld.idx.msk [tilespmem:v58+s14+$0x0], $0xffff;
	v1 =	vadd.f32 v1, v33  }
0x2e0: {  	v53 =	vadd.f32 v43, v17;
	v58 =	vor.u32 v13, v36;
	[tilespmem:v57+s17+$0x0] =	vst.idx.msk $0xffff, v28  }
0x2e1: {  	v46 =	vld.idx.msk [tilespmem:v59+s14+$0x0], $0xffff;
	v0 =	vadd.f32 v0, v18;
	[tilespmem:v60+s17+$0x0] =	vst.idx.msk $0xffff, v1;
	v1 =	vor.u32 v13, v31  }
0x2e2: {  	v57 =	vor.u32 v14, v30;
	[tilespmem:v61+s17+$0x0] =	vst.idx.msk $0xffff, v53;
	v2 =	vadd.f32 v2, v20;
	v56 =	vld.idx.msk [tilespmem:v62+s14+$0x0], $0xffff  }
0x2e3: {  	v59 =	vor.u32 v13, v37;
	[tilespmem:v7+s17+$0x0] =	vst.idx.msk $0xffff, v0;
	v0 =	vor.u32 v14, v32  }
0x2e4: {  	v43 =	vadd.f32 v54, v25;
	v28 =	vld.idx.msk [tilespmem:v52+s14+$0x0], $0xffff;
	[tilespmem:v55+s17+$0x0] =	vst.idx.msk $0xffff, v2;
	v2 =	vor.u32 v14, v34  }
0x2e5: {  	v61 =	vor.u32 v14, v35;
	v38 =	vld.idx.msk [tilespmem:v6+s14+$0x0], $0xffff  }
0x2e6: {  	v46 =	vadd.f32 v46, v51;
	[tilespmem:v1+s17+$0x0] =	vst.idx.msk $0xffff, v43;
	v1 =	vor.u32 v15, v22  }
0x2e7: {  	v48 =	vor.u32 v15, v31;
	v60 =	vor.u32 v15, v19;
	v62 =	vld.idx.msk [tilespmem:v57+s14+$0x0], $0xffff;
	v39 =	vadd.f32 v56, v33  }
0x2e8: {  	v29 =	vor.u32 v16, v29;
	v6 =	vor.u32 v16, v40;
	[tilespmem:v58+s17+$0x0] =	vst.idx.msk $0xffff, v46;
	v0 =	vld.idx.msk [tilespmem:v0+s14+$0x0], $0xffff  }
0x2e9: {  	v7 =	vor.u32 v15, v23;
	v28 =	vadd.f32 v28, v18;
	v2 =	vld.idx.msk [tilespmem:v2+s14+$0x0], $0xffff;
	[tilespmem:v59+s17+$0x0] =	vst.idx.msk $0xffff, v39  }
0x2ea: {  	v30 =	vor.u32 v16, v30;
	v54 =	vor.u32 v15, v37;
	v38 =	vadd.f32 v38, v17;
	v50 =	vld.idx.msk [tilespmem:v61+s14+$0x0], $0xffff  }
0x2eb: {  	v52 =	vor.u32 v15, v36;
	[tilespmem:v1+s17+$0x0] =	vst.idx.msk $0xffff, v28;
	v1 =	vor.u32 v16, v32  }
0x2ec: {  	v34 =	vor.u32 v16, v34;
	[tilespmem:v60+s17+$0x0] =	vst.idx.msk $0xffff, v38;
	v53 =	vadd.f32 v62, v20  }
0x2ed: {  	v26 =	vor.u32 v63, v26;
	v35 =	vor.u32 v16, v35;
	v39 =	vld.idx.msk [tilespmem:v6+s14+$0x0], $0xffff;
	v0 =	vadd.f32 v0, v25  }
0x2ee: {  	v27 =	vor.u32 v63, v27;
	[tilespmem:v7+s17+$0x0] =	vst.idx.msk $0xffff, v53;
	v29 =	vld.idx.msk [tilespmem:v29+s14+$0x0], $0xffff;
	v2 =	vadd.f32 v2, v51  }
0x2ef: {  	v55 =	vld.idx.msk [tilespmem:v30+s14+$0x0], $0xffff;
	[tilespmem:v48+s17+$0x0] =	vst.idx.msk $0xffff, v0;
	v0 =	vor.u32 v63, v19;
	v56 =	vadd.f32 v50, v33  }
0x2f0: {  	v57 =	vor.u32 v63, v22;
	[tilespmem:v52+s17+$0x0] =	vst.idx.msk $0xffff, v2;
	v2 =	vadd.f32 v41, v21;
	v1 =	vld.idx.msk [tilespmem:v1+s14+$0x0], $0xffff  }
0x2f1: {  	v23 =	vor.u32 v63, v23;
	v58 =	vadd.f32 v42, v24;
	v59 =	vld.idx.msk [tilespmem:v34+s14+$0x0], $0xffff;
	[tilespmem:v54+s17+$0x0] =	vst.idx.msk $0xffff, v56  }
0x2f2: {  	v60 =	vor.u32 v63, v31;
	[tilespmem:v26+s17+$0x0] =	vst.idx.msk $0xffff, v2;
	v2 =	vadd.f32 v39, v17;
	v61 =	vld.idx.msk [tilespmem:v35+s14+$0x0], $0xffff  }
0x2f3: {  	[tilespmem:v27+s17+$0x0] =	vst.idx.msk $0xffff, v58;
	v62 =	vor.u32 v63, v36;
	v18 =	vadd.f32 v29, v18  }
0x2f4: {  	[tilespmem:v0+s17+$0x0] =	vst.idx.msk $0xffff, v2;
	v0 =	vadd.f32 v55, v20;
	v2 =	vor.u32 v63, v37  }
0x2f5: {  	p1 =	sne.s32 s23, $0x18;
	[tilespmem:v57+s17+$0x0] =	vst.idx.msk $0xffff, v18;
	v1 =	vadd.f32 v1, v25  }
.Ltmp3:
0x2f6: {  	s25 =	sshll.u32 s23, $0x13;
	[tilespmem:v23+s17+$0x0] =	vst.idx.msk $0xffff, v0;
	v0 =	vadd.f32 v59, v51;
	(pc) =	sbr.rel @p1 .LBB2_6-.Ltmp3, $4  }
0x2f7: {  	s25 =	sor.u32 s4, s25;
	[tilespmem:v60+s17+$0x0] =	vst.idx.msk $0xffff, v1;
	v1 =	vadd.f32 v61, v33  }
0x2f8: {  	s25 =	sshrl.u32 s25, $0x3;
	[tilespmem:v62+s17+$0x0] =	vst.idx.msk $0xffff, v0  }
0x2f9: {  	s25 =	sadd.s32 s2, s25;
	[tilespmem:v2+s17+$0x0] =	vst.idx.msk $0xffff, v1  }
0x2fa: {  	v3 =	vmov v8;
	v45 =	vlaneseq.u32;
	v32 =	vmov v63;
	[hbm4b:s25+s9] =	stream.strided.scatter [tilespmem:s17], [sflag:$0x3], $0x2000, s10, s9, $0x38;
	[tilespmem:$0xA880] =	vst v63  }
.Ltmp4:
0x2fb: {  	(pc) =	sbr.rel .LBB2_7-.Ltmp4, $4  }
0x2fc: {  	_ = 	snop  }
0x2fd: {  	_ =	swait.ge [sflag:s18], $0x2000  }
0x2fe: {  	[sflag:s18] =	ssyncset.done $0x0  }
0x2ff: {  	[sflag:s18] =	ssyncadd.s32 $0xFFFFE000  }
.LBB2_6:
0x300: {  	s25 =	sshll.u32 s23, $0x8  }
0x301: {  	s25 =	sadd.s32 $0x100, s25  }
.Ltmp5:
0x302: {  	s25 =	sand.u32 $0x3F00, s25;
	(pc) =	sbr.rel @p0 .LBB2_8-.Ltmp5, $4  }
0x303: {  	[tilespmem:s14], [sflag:$0x1] =	stream.indirect.gather [hbm4b:s5+s13], $0x40, s25, s13, $0xb8;
	[tilespmem:$0xA880] =	vst v63  }
0x304: {  	_ =	swait.ge [sflag:s18], $0x2000  }
0x305: {  	[sflag:s18] =	ssyncset.done $0x0  }
0x306: {  	[sflag:s18] =	ssyncadd.s32 $0xFFFFE000  }
.LBB2_7:
0x307: {  	_ =	swait.ge [sflag:s19], $0x2000  }
0x308: {  	[sflag:s19] =	ssyncset.done $0x0  }
0x309: {  	[sflag:s19] =	ssyncadd.s32 $0xFFFFE000  }
.LBB2_8:
0x30a: {  	s25 =	simm.s32 $0x0  }
0x30b: {  	s29 =	sshll.u32 s24, $0x6;
	v24 =	vadd.s32 s25, v45  }
0x30c: {  	v16 =	vmov s29;
	v20 =	vand.u32 $0xF, v24  }
0x30d: {  	v0 =	vor.u32 v16, v20  }
0x30e: {  	v1 =	vor.u32 v3, v20;
	_ =	sdelay $0x3  }
0x30f: {  	v0 =	vld.idx.msk [tilespmem:v0+s12+$0x0], $0xffff  }
0x310: {  	v2 =	vshll.u32 v24, $0x7;
	v1 =	vld.idx.msk [tilespmem:v1+s15+$0x0], $0xffff  }
0x311: {  	s30 =	simm.s32 $0x1;
	v4 =	vld [tilespmem:$0x1FF10];
	v18 =	vand.u32 $0x780, v2  }
0x312: {  	v21 =	vadd.s32 s30, v45;
	v23 =	vor.u32 v45, v18  }
0x313: {  	v19 =	vand.u32 $0xF, v21  }
0x314: {  	v17 =	vor.u32 v16, v19  }
0x315: {  	v22 =	vor.u32 v3, v19;
	v1 =	vadd.f32 v1, v0  }
0x316: {  	v25 =	vor.u32 v4, v20  }
0x317: {  	[tilespmem:v23+s20+$0x0] =	vst.idx.msk $0xffff, v1  }
0x318: {  	v5 =	vld [tilespmem:$0x1FF20]  }
0x319: {  	v17 =	vld.idx.msk [tilespmem:v17+s12+$0x0], $0xffff  }
0x31a: {  	v27 =	vshll.u32 v21, $0x7;
	v22 =	vld.idx.msk [tilespmem:v22+s15+$0x0], $0xffff  }
0x31b: {  	v1 =	vand.u32 $0x780, v27;
	v23 =	vld.idx.msk [tilespmem:v25+s15+$0x0], $0xffff  }
0x31c: {  	v25 =	vor.u32 v45, v1;
	v6 =	vld [tilespmem:$0x1FF30]  }
0x31d: {  	v28 =	vor.u32 v5, v18;
	_ =	sdelay $0x1  }
0x31e: {  	v22 =	vadd.f32 v22, v17  }
0x31f: {  	v26 =	vor.u32 v4, v19;
	v23 =	vadd.f32 v23, v0  }
0x320: {  	v29 =	vor.u32 v6, v20;
	[tilespmem:v25+s20+$0x0] =	vst.idx.msk $0xffff, v22  }
0x321: {  	[tilespmem:v28+s20+$0x0] =	vst.idx.msk $0xffff, v23  }
0x322: {  	v7 =	vld [tilespmem:$0x1FF40]  }
0x323: {  	v8 =	vld [tilespmem:$0x1FF50]  }
0x324: {  	v22 =	vld.idx.msk [tilespmem:v26+s15+$0x0], $0xffff  }
0x325: {  	v23 =	vld.idx.msk [tilespmem:v29+s15+$0x0], $0xffff  }
0x326: {  	v25 =	vor.u32 v5, v1  }
0x327: {  	v26 =	vor.u32 v6, v19;
	v28 =	vor.u32 v7, v18  }
0x328: {  	v29 =	vor.u32 v8, v20  }
0x329: {  	v22 =	vadd.f32 v22, v17  }
0x32a: {  	v23 =	vadd.f32 v23, v0  }
0x32b: {  	[tilespmem:v25+s20+$0x0] =	vst.idx.msk $0xffff, v22  }
0x32c: {  	v22 =	vld.idx.msk [tilespmem:v26+s15+$0x0], $0xffff;
	[tilespmem:v28+s20+$0x0] =	vst.idx.msk $0xffff, v23  }
0x32d: {  	v23 =	vld.idx.msk [tilespmem:v29+s15+$0x0], $0xffff  }
0x32e: {  	v25 =	vor.u32 v7, v1  }
0x32f: {  	v26 =	vor.u32 v8, v19;
	v28 =	vor.u32 v9, v18  }
0x330: {  	v29 =	vor.u32 v10, v20  }
0x331: {  	v22 =	vadd.f32 v22, v17  }
0x332: {  	v23 =	vadd.f32 v23, v0  }
0x333: {  	[tilespmem:v25+s20+$0x0] =	vst.idx.msk $0xffff, v22  }
0x334: {  	v22 =	vld.idx.msk [tilespmem:v26+s15+$0x0], $0xffff;
	[tilespmem:v28+s20+$0x0] =	vst.idx.msk $0xffff, v23  }
0x335: {  	v23 =	vld.idx.msk [tilespmem:v29+s15+$0x0], $0xffff  }
0x336: {  	v25 =	vor.u32 v9, v1  }
0x337: {  	v26 =	vor.u32 v10, v19;
	v28 =	vor.u32 v11, v18  }
0x338: {  	v29 =	vor.u32 v12, v20  }
0x339: {  	v22 =	vadd.f32 v22, v17  }
0x33a: {  	v23 =	vadd.f32 v23, v0  }
0x33b: {  	[tilespmem:v25+s20+$0x0] =	vst.idx.msk $0xffff, v22  }
0x33c: {  	v22 =	vld.idx.msk [tilespmem:v26+s15+$0x0], $0xffff;
	[tilespmem:v28+s20+$0x0] =	vst.idx.msk $0xffff, v23  }
0x33d: {  	v23 =	vld.idx.msk [tilespmem:v29+s15+$0x0], $0xffff  }
0x33e: {  	v25 =	vor.u32 v11, v1;
	v14 =	vld [tilespmem:$0x1FF60]  }
0x33f: {  	v28 =	vor.u32 v13, v18;
	_ =	sdelay $0x1  }
0x340: {  	v22 =	vadd.f32 v22, v17  }
0x341: {  	v26 =	vor.u32 v12, v19;
	v23 =	vadd.f32 v23, v0  }
0x342: {  	[tilespmem:v25+s20+$0x0] =	vst.idx.msk $0xffff, v22;
	v29 =	vor.u32 v14, v20  }
0x343: {  	[tilespmem:v28+s20+$0x0] =	vst.idx.msk $0xffff, v23  }
0x344: {  	v15 =	vld [tilespmem:$0x1FF70]  }
0x345: {  	v60 =	vld [tilespmem:$0x1FF80]  }
0x346: {  	v22 =	vld.idx.msk [tilespmem:v26+s15+$0x0], $0xffff  }
0x347: {  	v23 =	vld.idx.msk [tilespmem:v29+s15+$0x0], $0xffff  }
0x348: {  	v25 =	vor.u32 v13, v1  }
0x349: {  	v26 =	vor.u32 v14, v19;
	v28 =	vor.u32 v15, v18  }
0x34a: {  	v29 =	vor.u32 v60, v20  }
0x34b: {  	v22 =	vadd.f32 v22, v17  }
0x34c: {  	v23 =	vadd.f32 v23, v0  }
0x34d: {  	[tilespmem:v25+s20+$0x0] =	vst.idx.msk $0xffff, v22  }
0x34e: {  	v22 =	vld.idx.msk [tilespmem:v26+s15+$0x0], $0xffff;
	[tilespmem:v28+s20+$0x0] =	vst.idx.msk $0xffff, v23  }
0x34f: {  	v23 =	vld.idx.msk [tilespmem:v29+s15+$0x0], $0xffff  }
0x350: {  	v26 =	vor.u32 $0x10, v24;
	v25 =	vor.u32 v15, v1  }
0x351: {  	v38 =	vand.u32 $0x1F, v26;
	v18 =	vor.u32 v32, v18;
	v28 =	vor.u32 v60, v19  }
0x352: {  	v29 =	vor.u32 v16, v38  }
0x353: {  	v31 =	vor.u32 v3, v38;
	v22 =	vadd.f32 v22, v17  }
0x354: {  	v0 =	vadd.f32 v23, v0  }
0x355: {  	[tilespmem:v25+s20+$0x0] =	vst.idx.msk $0xffff, v22  }
0x356: {  	v22 =	vld.idx.msk [tilespmem:v28+s15+$0x0], $0xffff;
	[tilespmem:v18+s20+$0x0] =	vst.idx.msk $0xffff, v0  }
0x357: {  	v1 =	vor.u32 v32, v1;
	v0 =	vor.u32 $0x10, v21;
	v18 =	vshll.u32 v26, $0x7;
	v33 =	vld.idx.msk [tilespmem:v29+s12+$0x0], $0xffff  }
0x358: {  	v26 =	vand.u32 $0x380, v2;
	v30 =	vand.u32 $0x1F, v0;
	v2 =	vld.idx.msk [tilespmem:v31+s15+$0x0], $0xffff;
	v18 =	vand.u32 $0xC00, v18  }
0x359: {  	v23 =	vor.u32 v16, v30;
	v36 =	vor.u32 v26, v18  }
0x35a: {  	v18 =	vor.u32 v3, v30;
	v25 =	vor.u32 v45, v36  }
0x35b: {  	s31 =	simm.s32 $0x2;
	v17 =	vadd.f32 v22, v17;
	v22 =	vor.u32 v4, v38  }
0x35c: {  	v46 =	vadd.s32 s31, v45  }
0x35d: {  	v63 =	vmov v32;
	v32 =	vand.u32 $0xF, v46;
	[tilespmem:v1+s20+$0x0] =	vst.idx.msk $0xffff, v17;
	v1 =	vadd.f32 v2, v33  }
0x35e: {  	v0 =	vshll.u32 v0, $0x7;
	v2 =	vor.u32 v16, v32;
	v29 =	vld.idx.msk [tilespmem:v23+s12+$0x0], $0xffff  }
0x35f: {  	v27 =	vand.u32 $0x380, v27;
	v0 =	vand.u32 $0xC00, v0;
	v17 =	vld.idx.msk [tilespmem:v18+s15+$0x0], $0xffff;
	v18 =	vor.u32 v3, v32;
	[tilespmem:v25+s20+$0x0] =	vst.idx.msk $0xffff, v1  }
0x360: {  	v35 =	vor.u32 v27, v0;
	v0 =	vld.idx.msk [tilespmem:v22+s15+$0x0], $0xffff  }
0x361: {  	v1 =	vor.u32 v45, v35  }
0x362: {  	v25 =	vor.u32 v5, v36;
	v22 =	vor.u32 v4, v30  }
0x363: {  	v31 =	vor.u32 v6, v38;
	v28 =	vld.idx.msk [tilespmem:v2+s12+$0x0], $0xffff  }
0x364: {  	v23 =	vshll.u32 v46, $0x7;
	v2 =	vadd.f32 v17, v29;
	v17 =	vld.idx.msk [tilespmem:v18+s15+$0x0], $0xffff  }
0x365: {  	v34 =	vand.u32 $0x780, v23;
	v0 =	vadd.f32 v0, v33  }
0x366: {  	[tilespmem:v1+s20+$0x0] =	vst.idx.msk $0xffff, v2;
	v1 =	vor.u32 v45, v34  }
0x367: {  	v2 =	vld.idx.msk [tilespmem:v22+s15+$0x0], $0xffff;
	v22 =	vor.u32 v4, v32;
	[tilespmem:v25+s20+$0x0] =	vst.idx.msk $0xffff, v0  }
0x368: {  	v0 =	vld.idx.msk [tilespmem:v31+s15+$0x0], $0xffff  }
0x369: {  	s26 =	simm.s32 $0x3;
	v25 =	vor.u32 v5, v35;
	v17 =	vadd.f32 v17, v28  }
0x36a: {  	v47 =	vadd.s32 s26, v45;
	v37 =	vor.u32 v6, v30;
	v39 =	vor.u32 v7, v36  }
0x36b: {  	v40 =	vor.u32 v8, v38;
	v31 =	vand.u32 $0xF, v47;
	[tilespmem:v1+s20+$0x0] =	vst.idx.msk $0xffff, v17  }
0x36c: {  	v17 =	vor.u32 v16, v31;
	v1 =	vadd.f32 v2, v29;
	v2 =	vld.idx.msk [tilespmem:v22+s15+$0x0], $0xffff  }
0x36d: {  	v22 =	vor.u32 v3, v31;
	v0 =	vadd.f32 v0, v33  }
0x36e: {  	[tilespmem:v25+s20+$0x0] =	vst.idx.msk $0xffff, v1;
	v1 =	vor.u32 v5, v34  }
0x36f: {  	v42 =	vor.u32 v6, v32;
	v41 =	vld.idx.msk [tilespmem:v37+s15+$0x0], $0xffff;
	[tilespmem:v39+s20+$0x0] =	vst.idx.msk $0xffff, v0  }
0x370: {  	v0 =	vld.idx.msk [tilespmem:v40+s15+$0x0], $0xffff  }
0x371: {  	v61 =	vor.u32 v7, v35;
	v25 =	vld.idx.msk [tilespmem:v17+s12+$0x0], $0xffff;
	v2 =	vadd.f32 v2, v28  }
0x372: {  	v51 =	vshll.u32 v47, $0x7;
	v62 =	vor.u32 v9, v36;
	v17 =	vor.u32 v8, v30;
	v43 =	vld.idx.msk [tilespmem:v22+s15+$0x0], $0xffff;
	[tilespmem:$0x1FDA0] =	vst v47  }
0x373: {  	v44 =	vor.u32 v10, v38;
	v37 =	vand.u32 $0x780, v51;
	[tilespmem:v1+s20+$0x0] =	vst.idx.msk $0xffff, v2  }
0x374: {  	v53 =	vor.u32 v45, v37;
	v1 =	vadd.f32 v41, v29;
	v2 =	vld.idx.msk [tilespmem:v42+s15+$0x0], $0xffff  }
0x375: {  	v54 =	vor.u32 v4, v31;
	v0 =	vadd.f32 v0, v33  }
0x376: {  	[tilespmem:v61+s20+$0x0] =	vst.idx.msk $0xffff, v1;
	v1 =	vor.u32 v7, v34  }
0x377: {  	v55 =	vadd.f32 v43, v25;
	v17 =	vld.idx.msk [tilespmem:v17+s15+$0x0], $0xffff;
	[tilespmem:v62+s20+$0x0] =	vst.idx.msk $0xffff, v0;
	v0 =	vor.u32 v8, v32  }
0x378: {  	v40 =	vld.idx.msk [tilespmem:v44+s15+$0x0], $0xffff  }
0x379: {  	v56 =	vor.u32 v9, v35;
	[tilespmem:v53+s20+$0x0] =	vst.idx.msk $0xffff, v55;
	v2 =	vadd.f32 v2, v28  }
0x37a: {  	v57 =	vor.u32 v10, v30;
	v58 =	vor.u32 v11, v36;
	v42 =	vld.idx.msk [tilespmem:v54+s15+$0x0], $0xffff  }
0x37b: {  	v59 =	vor.u32 v12, v38;
	[tilespmem:v1+s20+$0x0] =	vst.idx.msk $0xffff, v2  }
0x37c: {  	v2 =	vor.u32 v5, v37;
	v1 =	vadd.f32 v17, v29;
	v0 =	vld.idx.msk [tilespmem:v0+s15+$0x0], $0xffff  }
0x37d: {  	v61 =	vor.u32 v6, v31;
	v17 =	vadd.f32 v40, v33  }
0x37e: {  	[tilespmem:v56+s20+$0x0] =	vst.idx.msk $0xffff, v1;
	v1 =	vor.u32 v9, v34  }
0x37f: {  	v62 =	vadd.f32 v42, v25;
	v39 =	vld.idx.msk [tilespmem:v57+s15+$0x0], $0xffff;
	[tilespmem:v58+s20+$0x0] =	vst.idx.msk $0xffff, v17;
	v17 =	vor.u32 v10, v32  }
0x380: {  	v48 =	vld.idx.msk [tilespmem:v59+s15+$0x0], $0xffff  }
0x381: {  	v49 =	vor.u32 v11, v35;
	[tilespmem:v2+s20+$0x0] =	vst.idx.msk $0xffff, v62;
	v0 =	vadd.f32 v0, v28  }
0x382: {  	v50 =	vor.u32 v13, v36;
	v2 =	vor.u32 v12, v30;
	v40 =	vld.idx.msk [tilespmem:v61+s15+$0x0], $0xffff  }
0x383: {  	v52 =	vor.u32 v14, v38;
	[tilespmem:v1+s20+$0x0] =	vst.idx.msk $0xffff, v0  }
0x384: {  	v0 =	vadd.f32 v39, v29;
	v1 =	vld.idx.msk [tilespmem:v17+s15+$0x0], $0xffff;
	v17 =	vor.u32 v7, v37  }
0x385: {  	v54 =	vor.u32 v8, v31;
	v53 =	vadd.f32 v48, v33  }
0x386: {  	[tilespmem:v49+s20+$0x0] =	vst.idx.msk $0xffff, v0  }
0x387: {  	v56 =	vadd.f32 v40, v25;
	v0 =	vld.idx.msk [tilespmem:v2+s15+$0x0], $0xffff;
	v2 =	vor.u32 v11, v34;
	[tilespmem:v50+s20+$0x0] =	vst.idx.msk $0xffff, v53  }
0x388: {  	v55 =	vor.u32 v12, v32;
	v57 =	vld.idx.msk [tilespmem:v52+s15+$0x0], $0xffff  }
0x389: {  	v58 =	vor.u32 v13, v35;
	[tilespmem:v17+s20+$0x0] =	vst.idx.msk $0xffff, v56  }
0x38a: {  	v59 =	vor.u32 v15, v36;
	v1 =	vadd.f32 v1, v28;
	v17 =	vor.u32 v14, v30;
	v42 =	vld.idx.msk [tilespmem:v54+s15+$0x0], $0xffff  }
0x38b: {  	v38 =	vor.u32 v60, v38  }
0x38c: {  	[tilespmem:v2+s20+$0x0] =	vst.idx.msk $0xffff, v1;
	v0 =	vadd.f32 v0, v29;
	v2 =	vor.u32 v9, v37  }
0x38d: {  	v61 =	vor.u32 v10, v31;
	v1 =	vld.idx.msk [tilespmem:v55+s15+$0x0], $0xffff;
	v40 =	vadd.f32 v57, v33  }
0x38e: {  	[tilespmem:v58+s20+$0x0] =	vst.idx.msk $0xffff, v0  }
0x38f: {  	v0 =	vld.idx.msk [tilespmem:v17+s15+$0x0], $0xffff;
	v17 =	vor.u32 v13, v34;
	[tilespmem:v59+s20+$0x0] =	vst.idx.msk $0xffff, v40;
	v48 =	vadd.f32 v42, v25  }
0x390: {  	v20 =	vor.u32 $0x20, v20;
	v62 =	vor.u32 v14, v32;
	v36 =	vor.u32 v63, v36;
	v38 =	vld.idx.msk [tilespmem:v38+s15+$0x0], $0xffff  }
0x391: {  	v49 =	vand.u32 $0x7, v24;
	v50 =	vor.u32 v15, v35;
	v52 =	vand.u32 $0x28, v20;
	[tilespmem:v2+s20+$0x0] =	vst.idx.msk $0xffff, v48  }
0x392: {  	v1 =	vadd.f32 v1, v28;
	v2 =	vor.u32 v60, v30;
	v30 =	vor.u32 v49, v52;
	v39 =	vld.idx.msk [tilespmem:v61+s15+$0x0], $0xffff  }
0x393: {  	v53 =	vor.u32 v11, v37;
	v40 =	vor.u32 v16, v30  }
0x394: {  	[tilespmem:v17+s20+$0x0] =	vst.idx.msk $0xffff, v1;
	v0 =	vadd.f32 v0, v29;
	v17 =	vor.u32 v3, v30  }
0x395: {  	v54 =	vor.u32 v12, v31;
	v41 =	vld.idx.msk [tilespmem:v62+s15+$0x0], $0xffff;
	v33 =	vadd.f32 v38, v33  }
0x396: {  	v19 =	vor.u32 $0x20, v19;
	v35 =	vor.u32 v63, v35;
	[tilespmem:v50+s20+$0x0] =	vst.idx.msk $0xffff, v0;
	v0 =	vshll.u32 v20, $0x7  }
0x397: {  	v20 =	vor.u32 v15, v34;
	v2 =	vld.idx.msk [tilespmem:v2+s15+$0x0], $0xffff;
	[tilespmem:v36+s20+$0x0] =	vst.idx.msk $0xffff, v33;
	v55 =	vadd.f32 v39, v25  }
0x398: {  	v56 =	vand.u32 $0x7, v21;
	v57 =	vand.u32 $0x28, v19;
	v1 =	vor.u32 v60, v32;
	v36 =	vld.idx.msk [tilespmem:v40+s12+$0x0], $0xffff  }
0x399: {  	v0 =	vand.u32 $0x1400, v0;
	v40 =	vor.u32 v56, v57;
	v17 =	vld.idx.msk [tilespmem:v17+s15+$0x0], $0xffff;
	[tilespmem:v53+s20+$0x0] =	vst.idx.msk $0xffff, v55  }
0x39a: {  	v42 =	vor.u32 v26, v0;
	v58 =	vadd.f32 v41, v28;
	v39 =	vor.u32 v16, v40;
	v0 =	vld.idx.msk [tilespmem:v54+s15+$0x0], $0xffff  }
0x39b: {  	v62 =	vor.u32 v13, v37;
	v61 =	vor.u32 v45, v42;
	v59 =	vor.u32 v3, v40  }
0x39c: {  	[tilespmem:v20+s20+$0x0] =	vst.idx.msk $0xffff, v58;
	v2 =	vadd.f32 v2, v29;
	v29 =	vor.u32 v4, v30  }
0x39d: {  	v52 =	vor.u32 v14, v31;
	v1 =	vld.idx.msk [tilespmem:v1+s15+$0x0], $0xffff  }
0x39e: {  	v19 =	vshll.u32 v19, $0x7;
	v20 =	vor.u32 $0x10, v46;
	[tilespmem:v35+s20+$0x0] =	vst.idx.msk $0xffff, v2;
	v2 =	vadd.f32 v17, v36  }
0x39f: {  	v33 =	vand.u32 $0x1F, v20;
	v17 =	vor.u32 v63, v34;
	v48 =	vld.idx.msk [tilespmem:v39+s12+$0x0], $0xffff;
	v0 =	vadd.f32 v0, v25  }
0x3a0: {  	v19 =	vand.u32 $0x1400, v19;
	v53 =	vor.u32 v16, v33;
	v35 =	vld.idx.msk [tilespmem:v59+s15+$0x0], $0xffff;
	[tilespmem:v61+s20+$0x0] =	vst.idx.msk $0xffff, v2  }
0x3a1: {  	v50 =	vor.u32 v27, v19;
	v2 =	vor.u32 v3, v33;
	v29 =	vld.idx.msk [tilespmem:v29+s15+$0x0], $0xffff;
	[tilespmem:v62+s20+$0x0] =	vst.idx.msk $0xffff, v0  }
0x3a2: {  	v0 =	vadd.f32 v1, v28;
	v1 =	vor.u32 v45, v50;
	v28 =	vld.idx.msk [tilespmem:v52+s15+$0x0], $0xffff  }
0x3a3: {  	v55 =	vor.u32 v5, v42;
	v54 =	vor.u32 v4, v40  }
0x3a4: {  	[tilespmem:v17+s20+$0x0] =	vst.idx.msk $0xffff, v0;
	v0 =	vor.u32 v6, v30;
	v17 =	vor.u32 v15, v37  }
0x3a5: {  	v56 =	vor.u32 v60, v31;
	v57 =	vand.u32 $0x380, v23;
	v35 =	vadd.f32 v35, v48;
	v34 =	vld.idx.msk [tilespmem:v53+s12+$0x0], $0xffff  }
0x3a6: {  	v20 =	vshll.u32 v20, $0x7;
	v2 =	vld.idx.msk [tilespmem:v2+s15+$0x0], $0xffff;
	[tilespmem:$0x1FD90] =	vst v57;
	v23 =	vadd.f32 v29, v36  }
0x3a7: {  	v20 =	vand.u32 $0xC00, v20;
	[tilespmem:v1+s20+$0x0] =	vst.idx.msk $0xffff, v35;
	v1 =	vadd.f32 v28, v25  }
0x3a8: {  	v35 =	vor.u32 v57, v20;
	v28 =	vld.idx.msk [tilespmem:v54+s15+$0x0], $0xffff;
	[tilespmem:v55+s20+$0x0] =	vst.idx.msk $0xffff, v23  }
0x3a9: {  	s28 =	simm.s32 $0x4;
	v23 =	vor.u32 v45, v35;
	v0 =	vld.idx.msk [tilespmem:v0+s15+$0x0], $0xffff;
	[tilespmem:v17+s20+$0x0] =	vst.idx.msk $0xffff, v1  }
0x3aa: {  	v18 =	vadd.s32 s28, v45;
	v29 =	vor.u32 v4, v33;
	v1 =	vor.u32 v5, v50;
	v17 =	vld.idx.msk [tilespmem:v56+s15+$0x0], $0xffff  }
0x3ab: {  	v22 =	vmovc v11;
	v11 =	vmovc v12;
	v12 =	vmov v13;
	v13 =	vor.u32 $0x10, v47;
	v59 =	vor.u32 v7, v42  }
0x3ac: {  	v58 =	vor.u32 v6, v40;
	v37 =	vor.u32 v63, v37;
	v2 =	vadd.f32 v2, v34  }
0x3ad: {  	v47 =	vand.u32 $0x1F, v13;
	v52 =	vor.u32 v8, v30;
	v53 =	vadd.f32 v28, v48  }
0x3ae: {  	v62 =	vand.u32 $0xF, v18;
	[tilespmem:v23+s20+$0x0] =	vst.idx.msk $0xffff, v2;
	v2 =	vor.u32 v16, v47;
	v0 =	vadd.f32 v0, v36  }
0x3af: {  	v23 =	vld.idx.msk [tilespmem:v29+s15+$0x0], $0xffff;
	[tilespmem:v1+s20+$0x0] =	vst.idx.msk $0xffff, v53;
	v1 =	vor.u32 v3, v47;
	v17 =	vadd.f32 v17, v25  }
0x3b0: {  	v54 =	vor.u32 v3, v62;
	v29 =	vor.u32 v16, v62;
	[tilespmem:v59+s20+$0x0] =	vst.idx.msk $0xffff, v0  }
0x3b1: {  	v45 =	vshll.u32 v18, $0x7;
	v25 =	vld.idx.msk [tilespmem:v58+s15+$0x0], $0xffff;
	v0 =	vor.u32 v5, v35;
	[tilespmem:v37+s20+$0x0] =	vst.idx.msk $0xffff, v17  }
0x3b2: {  	v56 =	vshll.u32 v13, $0x7;
	v55 =	vld.idx.msk [tilespmem:v52+s15+$0x0], $0xffff;
	[tilespmem:$0x1FDB0] =	vst v45  }
0x3b3: {  	v49 =	vor.u32 v7, v50;
	v41 =	vand.u32 $0xC00, v56;
	v17 =	vor.u32 v6, v33;
	v44 =	vld.idx.msk [tilespmem:v2+s12+$0x0], $0xffff  }
0x3b4: {  	v19 =	vmovc v9;
	v37 =	vand.u32 $0x380, v51;
	v23 =	vadd.f32 v23, v34;
	v2 =	vor.u32 v8, v40;
	v1 =	vld.idx.msk [tilespmem:v1+s15+$0x0], $0xffff  }
0x3b5: {  	v57 =	vor.u32 v19, v42;
	v43 =	vor.u32 v37, v41;
	v45 =	vand.u32 $0x780, v45;
	v39 =	vld.idx.msk [tilespmem:v29+s12+$0x0], $0xffff  }
0x3b6: {  	v28 =	vlaneseq.u32;
	v29 =	vor.u32 v10, v30;
	v25 =	vadd.f32 v25, v48;
	[tilespmem:v0+s20+$0x0] =	vst.idx.msk $0xffff, v23;
	v0 =	vld.idx.msk [tilespmem:v54+s15+$0x0], $0xffff  }
0x3b7: {  	v59 =	vor.u32 v28, v45;
	v23 =	vor.u32 v28, v43  }
0x3b8: {  	v58 =	vadd.f32 v55, v36;
	v17 =	vld.idx.msk [tilespmem:v17+s15+$0x0], $0xffff;
	[tilespmem:v49+s20+$0x0] =	vst.idx.msk $0xffff, v25;
	v25 =	vor.u32 v4, v47  }
0x3b9: {  	v61 =	vor.u32 v4, v62;
	v2 =	vld.idx.msk [tilespmem:v2+s15+$0x0], $0xffff  }
0x3ba: {  	v56 =	vor.u32 v7, v35;
	[tilespmem:v57+s20+$0x0] =	vst.idx.msk $0xffff, v58;
	v1 =	vadd.f32 v1, v44  }
0x3bb: {  	v57 =	vor.u32 v8, v33;
	v58 =	vor.u32 v19, v50;
	v29 =	vld.idx.msk [tilespmem:v29+s15+$0x0], $0xffff;
	v0 =	vadd.f32 v0, v39  }
0x3bc: {  	[tilespmem:v23+s20+$0x0] =	vst.idx.msk $0xffff, v1;
	v1 =	vor.u32 v10, v40  }
0x3bd: {  	s29 =	simm.s32 $0x5;
	v52 =	vor.u32 v22, v42;
	v17 =	vadd.f32 v17, v34;
	v25 =	vld.idx.msk [tilespmem:v25+s15+$0x0], $0xffff;
	[tilespmem:v59+s20+$0x0] =	vst.idx.msk $0xffff, v0  }
0x3be: {  	v13 =	vmovc v3;
	v3 =	vadd.s32 s29, v28;
	v41 =	vld.idx.msk [tilespmem:v61+s15+$0x0], $0xffff;
	v0 =	vadd.f32 v2, v48;
	v2 =	vor.u32 v11, v30  }
0x3bf: {  	v23 =	vand.u32 $0xF, v3;
	[tilespmem:v56+s20+$0x0] =	vst.idx.msk $0xffff, v17;
	v17 =	vor.u32 v5, v43  }
0x3c0: {  	v59 =	vadd.f32 v29, v36;
	v38 =	vld.idx.msk [tilespmem:v57+s15+$0x0], $0xffff;
	[tilespmem:v58+s20+$0x0] =	vst.idx.msk $0xffff, v0;
	v0 =	vor.u32 v6, v47  }
0x3c1: {  	v20 =	vmov v46;
	v49 =	vor.u32 v5, v45;
	v46 =	vor.u32 v13, v23;
	v1 =	vld.idx.msk [tilespmem:v1+s15+$0x0], $0xffff  }
0x3c2: {  	v61 =	vor.u32 v16, v23;
	[tilespmem:v52+s20+$0x0] =	vst.idx.msk $0xffff, v59;
	v25 =	vadd.f32 v25, v44  }
0x3c3: {  	v52 =	vor.u32 v22, v50;
	v41 =	vadd.f32 v41, v39;
	v2 =	vld.idx.msk [tilespmem:v2+s15+$0x0], $0xffff  }
0x3c4: {  	[tilespmem:v17+s20+$0x0] =	vst.idx.msk $0xffff, v25;
	v17 =	vor.u32 v11, v40;
	v25 =	vor.u32 v19, v35  }
0x3c5: {  	v53 =	vor.u32 v6, v62;
	v55 =	vor.u32 v12, v42;
	v56 =	vor.u32 v10, v33;
	v0 =	vld.idx.msk [tilespmem:v0+s15+$0x0], $0xffff  }
0x3c6: {  	v57 =	vld.idx.msk [tilespmem:v46+s15+$0x0], $0xffff;
	v54 =	vadd.f32 v38, v34;
	[tilespmem:v49+s20+$0x0] =	vst.idx.msk $0xffff, v41;
	v1 =	vadd.f32 v1, v48  }
0x3c7: {  	v41 =	vld.idx.msk [tilespmem:v61+s12+$0x0], $0xffff;
	v49 =	vor.u32 v7, v43;
	v61 =	vor.u32 v14, v30;
	v38 =	vshll.u32 v3, $0x7  }
0x3c8: {  	v46 =	vand.u32 $0x780, v38;
	[tilespmem:v52+s20+$0x0] =	vst.idx.msk $0xffff, v1;
	v1 =	vadd.f32 v2, v36;
	v2 =	vor.u32 v8, v47  }
0x3c9: {  	[tilespmem:v25+s20+$0x0] =	vst.idx.msk $0xffff, v54;
	v52 =	vor.u32 v28, v46;
	v17 =	vld.idx.msk [tilespmem:v17+s15+$0x0], $0xffff  }
0x3ca: {  	v29 =	vmov v60;
	v0 =	vadd.f32 v0, v44;
	[tilespmem:v55+s20+$0x0] =	vst.idx.msk $0xffff, v1;
	v1 =	vld.idx.msk [tilespmem:v53+s15+$0x0], $0xffff  }
0x3cb: {  	v54 =	vor.u32 v4, v23;
	v53 =	vor.u32 v12, v50;
	v55 =	vld.idx.msk [tilespmem:v56+s15+$0x0], $0xffff;
	v56 =	vor.u32 v7, v45  }
0x3cc: {  	[tilespmem:v49+s20+$0x0] =	vst.idx.msk $0xffff, v0;
	v0 =	vor.u32 v14, v40;
	v49 =	vld.idx.msk [tilespmem:v61+s15+$0x0], $0xffff;
	v61 =	vadd.f32 v57, v41  }
0x3cd: {  	v60 =	vor.u32 v60, v30;
	v58 =	vor.u32 v8, v62;
	v57 =	vor.u32 v22, v35;
	v2 =	vld.idx.msk [tilespmem:v2+s15+$0x0], $0xffff  }
0x3ce: {  	v17 =	vadd.f32 v17, v48;
	[tilespmem:v52+s20+$0x0] =	vst.idx.msk $0xffff, v61;
	v52 =	vor.u32 v15, v42  }
0x3cf: {  	v9 =	vmovc v10;
	v59 =	vor.u32 v11, v33;
	v61 =	vor.u32 v19, v43;
	v1 =	vadd.f32 v1, v39  }
0x3d0: {  	v51 =	vor.u32 v29, v62;
	[tilespmem:v53+s20+$0x0] =	vst.idx.msk $0xffff, v17;
	v17 =	vld.idx.msk [tilespmem:v54+s15+$0x0], $0xffff;
	v53 =	vadd.f32 v55, v34  }
0x3d1: {  	v54 =	vor.u32 v9, v47;
	v0 =	vld.idx.msk [tilespmem:v0+s15+$0x0], $0xffff;
	[tilespmem:v56+s20+$0x0] =	vst.idx.msk $0xffff, v1;
	v55 =	vadd.f32 v49, v36  }
0x3d2: {  	v56 =	vld.idx.msk [tilespmem:v58+s15+$0x0], $0xffff;
	v58 =	vor.u32 v5, v46;
	[tilespmem:v57+s20+$0x0] =	vst.idx.msk $0xffff, v53;
	v2 =	vadd.f32 v2, v44  }
0x3d3: {  	v1 =	vor.u32 v14, v62;
	[tilespmem:v52+s20+$0x0] =	vst.idx.msk $0xffff, v55;
	v52 =	vor.u32 v15, v50  }
0x3d4: {  	v53 =	vor.u32 v6, v23;
	v55 =	vld.idx.msk [tilespmem:v59+s15+$0x0], $0xffff;
	[tilespmem:v61+s20+$0x0] =	vst.idx.msk $0xffff, v2;
	v2 =	vor.u32 v19, v45  }
0x3d5: {  	v24 =	vor.u32 $0x30, v24;
	v59 =	vld.idx.msk [tilespmem:v60+s15+$0x0], $0xffff;
	v60 =	vor.u32 v29, v40;
	[tilespmem:$0x1FD70] =	vst v62;
	v17 =	vadd.f32 v17, v41  }
0x3d6: {  	v57 =	vor.u32 v11, v62;
	v61 =	vor.u32 v9, v62;
	v54 =	vld.idx.msk [tilespmem:v54+s15+$0x0], $0xffff;
	v0 =	vadd.f32 v0, v48  }
0x3d7: {  	v49 =	vand.u32 $0x3F, v24;
	[tilespmem:v58+s20+$0x0] =	vst.idx.msk $0xffff, v17;
	v17 =	vor.u32 v12, v35;
	v56 =	vadd.f32 v56, v39  }
0x3d8: {  	v40 =	vmov v63;
	v62 =	vor.u32 v16, v49;
	[tilespmem:v52+s20+$0x0] =	vst.idx.msk $0xffff, v0;
	v52 =	vor.u32 v22, v43  }
0x3d9: {  	v0 =	vor.u32 v14, v33;
	v53 =	vld.idx.msk [tilespmem:v53+s15+$0x0], $0xffff;
	[tilespmem:v2+s20+$0x0] =	vst.idx.msk $0xffff, v56;
	v56 =	vor.u32 v63, v42  }
0x3da: {  	v50 =	vor.u32 v40, v50;
	v2 =	vor.u32 v11, v47;
	v60 =	vld.idx.msk [tilespmem:v60+s15+$0x0], $0xffff;
	v42 =	vadd.f32 v55, v34  }
0x3db: {  	v36 =	vadd.f32 v59, v36;
	v59 =	vor.u32 v7, v46;
	v54 =	vadd.f32 v54, v44  }
0x3dc: {  	v63 =	vor.u32 v13, v49;
	v55 =	vld.idx.msk [tilespmem:v61+s15+$0x0], $0xffff;
	v61 =	vor.u32 $0x30, v21;
	[tilespmem:v17+s20+$0x0] =	vst.idx.msk $0xffff, v42  }
0x3dd: {  	v24 =	vshll.u32 v24, $0x7;
	v17 =	vor.u32 v8, v23;
	v42 =	vand.u32 $0x3F, v61;
	[tilespmem:v52+s20+$0x0] =	vst.idx.msk $0xffff, v54  }
0x3de: {  	v52 =	vld.idx.msk [tilespmem:v0+s15+$0x0], $0xffff;
	v54 =	vor.u32 v16, v42;
	v53 =	vadd.f32 v53, v41;
	[tilespmem:v56+s20+$0x0] =	vst.idx.msk $0xffff, v36  }
0x3df: {  	v2 =	vld.idx.msk [tilespmem:v2+s15+$0x0], $0xffff;
	v36 =	vor.u32 v13, v42;
	v48 =	vadd.f32 v60, v48;
	v56 =	vor.u32 v22, v45  }
0x3e0: {  	v33 =	vor.u32 v29, v33;
	v21 =	vld.idx.msk [tilespmem:v62+s12+$0x0], $0xffff;
	[tilespmem:v59+s20+$0x0] =	vst.idx.msk $0xffff, v53;
	v59 =	vor.u32 v15, v35  }
0x3e1: {  	v60 =	vld.idx.msk [tilespmem:v63+s15+$0x0], $0xffff;
	v62 =	vand.u32 $0x1C00, v24;
	[tilespmem:v50+s20+$0x0] =	vst.idx.msk $0xffff, v48;
	v48 =	vor.u32 v12, v43  }
0x3e2: {  	v50 =	vadd.f32 v55, v39;
	v26 =	vor.u32 v26, v62;
	v62 =	vshll.u32 v61, $0x7;
	v17 =	vld.idx.msk [tilespmem:v17+s15+$0x0], $0xffff  }
0x3e3: {  	v55 =	vor.u32 v14, v47;
	v24 =	vld.idx.msk [tilespmem:v54+s12+$0x0], $0xffff;
	v52 =	vadd.f32 v52, v34;
	v54 =	vand.u32 $0x1C00, v62  }
0x3e4: {  	v36 =	vld.idx.msk [tilespmem:v36+s15+$0x0], $0xffff;
	[tilespmem:v56+s20+$0x0] =	vst.idx.msk $0xffff, v50;
	v2 =	vadd.f32 v2, v44;
	v50 =	vor.u32 v28, v26  }
0x3e5: {  	v27 =	vor.u32 v27, v54;
	v54 =	vor.u32 v9, v23;
	v56 =	vld.idx.msk [tilespmem:v57+s15+$0x0], $0xffff;
	v57 =	vor.u32 v19, v46  }
0x3e6: {  	v32 =	vor.u32 $0x20, v32;
	[tilespmem:v59+s20+$0x0] =	vst.idx.msk $0xffff, v52;
	v52 =	vor.u32 v4, v49;
	v61 =	vor.u32 v28, v27  }
0x3e7: {  	v58 =	vand.u32 $0x7, v20;
	v59 =	vld.idx.msk [tilespmem:v33+s15+$0x0], $0xffff;
	[tilespmem:v48+s20+$0x0] =	vst.idx.msk $0xffff, v2;
	v2 =	vand.u32 $0x28, v32;
	v48 =	vadd.f32 v60, v21  }
0x3e8: {  	v62 =	vor.u32 v12, v45;
	v17 =	vadd.f32 v17, v41;
	v33 =	vor.u32 v58, v2;
	v2 =	vld.idx.msk [tilespmem:v55+s15+$0x0], $0xffff  }
0x3e9: {  	v35 =	vor.u32 v40, v35;
	[tilespmem:v50+s20+$0x0] =	vst.idx.msk $0xffff, v48;
	v36 =	vadd.f32 v36, v24  }
0x3ea: {  	v48 =	vor.u32 v15, v43;
	[tilespmem:v57+s20+$0x0] =	vst.idx.msk $0xffff, v17  }
0x3eb: {  	v50 =	vld.idx.msk [tilespmem:v52+s15+$0x0], $0xffff;
	v63 =	vadd.f32 v56, v39;
	[tilespmem:v61+s20+$0x0] =	vst.idx.msk $0xffff, v36  }
0x3ec: {  	v36 =	vld.idx.msk [tilespmem:v54+s15+$0x0], $0xffff;
	v34 =	vadd.f32 v59, v34;
	[tilespmem:$0x1FD80] =	vst v18  }
0x3ed: {  	v60 =	vor.u32 v4, v42;
	v2 =	vadd.f32 v2, v44;
	[tilespmem:v62+s20+$0x0] =	vst.idx.msk $0xffff, v63  }
0x3ee: {  	[tilespmem:v35+s20+$0x0] =	vst.idx.msk $0xffff, v34  }
0x3ef: {  	v17 =	vor.u32 v16, v33;
	[tilespmem:v48+s20+$0x0] =	vst.idx.msk $0xffff, v2  }
0x3f0: {  	s30 =	simm.s32 $0x6;
	v56 =	vor.u32 $0x10, v18;
	v18 =	vld [tilespmem:$0x1FD90]  }
0x3f1: {  	v10 =	vadd.s32 s30, v28;
	v47 =	vor.u32 v29, v47  }
0x3f2: {  	v30 =	vand.u32 $0xF, v10;
	v57 =	vld.idx.msk [tilespmem:v60+s15+$0x0], $0xffff  }
0x3f3: {  	v58 =	vor.u32 v5, v26;
	v52 =	vshll.u32 v32, $0x7;
	v54 =	vor.u32 v13, v33;
	v1 =	vld.idx.msk [tilespmem:v1+s15+$0x0], $0xffff  }
0x3f4: {  	v0 =	vor.u32 v4, v30;
	v59 =	vor.u32 v22, v46;
	v2 =	vand.u32 $0x1400, v52;
	v32 =	vld.idx.msk [tilespmem:v17+s12+$0x0], $0xffff  }
0x3f5: {  	v60 =	vor.u32 v11, v23;
	v17 =	vor.u32 v5, v27;
	v35 =	vor.u32 v18, v2;
	v18 =	vld [tilespmem:$0x1FDA0]  }
0x3f6: {  	v53 =	vor.u32 v8, v49;
	v55 =	vor.u32 v6, v49;
	v63 =	vadd.f32 v50, v21;
	v47 =	vld.idx.msk [tilespmem:v47+s15+$0x0], $0xffff  }
0x3f7: {  	v34 =	vor.u32 v15, v45;
	v50 =	vor.u32 v6, v42;
	v36 =	vadd.f32 v36, v41  }
0x3f8: {  	v62 =	vadd.f32 v57, v24;
	v2 =	vor.u32 $0x20, v31;
	v31 =	vld.idx.msk [tilespmem:v54+s15+$0x0], $0xffff;
	[tilespmem:v58+s20+$0x0] =	vst.idx.msk $0xffff, v63  }
0x3f9: {  	v1 =	vadd.f32 v1, v39;
	[tilespmem:v59+s20+$0x0] =	vst.idx.msk $0xffff, v36;
	v63 =	vor.u32 v40, v43  }
0x3fa: {  	[tilespmem:v17+s20+$0x0] =	vst.idx.msk $0xffff, v62;
	v61 =	vand.u32 $0x28, v2;
	v54 =	vld.idx.msk [tilespmem:v60+s15+$0x0], $0xffff;
	v17 =	vor.u32 v28, v35;
	v52 =	vand.u32 $0x7, v18  }
0x3fb: {  	v45 =	vor.u32 v40, v45;
	v62 =	vadd.f32 v47, v44;
	v36 =	vor.u32 v52, v61;
	v52 =	vld.idx.msk [tilespmem:v55+s15+$0x0], $0xffff  }
0x3fc: {  	v47 =	vor.u32 v12, v46;
	[tilespmem:v34+s20+$0x0] =	vst.idx.msk $0xffff, v1;
	v60 =	vor.u32 v16, v36  }
0x3fd: {  	v51 =	vld.idx.msk [tilespmem:v51+s15+$0x0], $0xffff;
	v31 =	vadd.f32 v31, v32;
	v61 =	vor.u32 v7, v26;
	v48 =	vor.u32 v13, v36  }
0x3fe: {  	v57 =	vor.u32 v15, v46;
	v43 =	vand.u32 $0x1F, v56;
	v1 =	vor.u32 v4, v33;
	[tilespmem:v63+s20+$0x0] =	vst.idx.msk $0xffff, v62  }
0x3ff: {  	v59 =	vor.u32 v14, v23;
	v50 =	vld.idx.msk [tilespmem:v50+s15+$0x0], $0xffff;
	v54 =	vadd.f32 v54, v41;
	[tilespmem:v17+s20+$0x0] =	vst.idx.msk $0xffff, v31  }
0x400: {  	v44 =	vor.u32 v16, v43;
	v2 =	vshll.u32 v2, $0x7;
	v18 =	vld [tilespmem:$0x1FDB0];
	v52 =	vadd.f32 v52, v21  }
0x401: {  	v2 =	vand.u32 $0x1400, v2;
	v63 =	vor.u32 v7, v27;
	[tilespmem:v47+s20+$0x0] =	vst.idx.msk $0xffff, v54;
	v34 =	vld.idx.msk [tilespmem:v60+s12+$0x0], $0xffff  }
0x402: {  	v62 =	vor.u32 v13, v43;
	v39 =	vadd.f32 v51, v39;
	v17 =	vld.idx.msk [tilespmem:v48+s15+$0x0], $0xffff;
	[tilespmem:v61+s20+$0x0] =	vst.idx.msk $0xffff, v52  }
0x403: {  	v1 =	vld.idx.msk [tilespmem:v1+s15+$0x0], $0xffff;
	v60 =	vor.u32 v8, v42;
	[tilespmem:$0x1FDC0] =	vst v37;
	v37 =	vor.u32 v37, v2  }
0x404: {  	v58 =	vor.u32 v9, v49;
	v61 =	vadd.f32 v50, v24;
	v2 =	vld.idx.msk [tilespmem:v53+s15+$0x0], $0xffff;
	v51 =	vor.u32 v28, v37  }
0x405: {  	v46 =	vor.u32 v40, v46;
	v55 =	vor.u32 v6, v33;
	v47 =	vld.idx.msk [tilespmem:v59+s15+$0x0], $0xffff;
	[tilespmem:v45+s20+$0x0] =	vst.idx.msk $0xffff, v39  }
0x406: {  	v48 =	vor.u32 v5, v35;
	[tilespmem:v63+s20+$0x0] =	vst.idx.msk $0xffff, v61;
	v53 =	vor.u32 v4, v36;
	v44 =	vld.idx.msk [tilespmem:v44+s12+$0x0], $0xffff  }
0x407: {  	v39 =	vshll.u32 v56, $0x7;
	v56 =	vor.u32 v19, v26;
	v50 =	vld.idx.msk [tilespmem:v62+s15+$0x0], $0xffff;
	v17 =	vadd.f32 v17, v34  }
0x408: {  	v18 =	vand.u32 $0x380, v18;
	v52 =	vor.u32 v16, v30;
	v1 =	vadd.f32 v1, v32;
	v54 =	vld.idx.msk [tilespmem:v60+s15+$0x0], $0xffff;
	[tilespmem:$0x1FDD0] =	vst v23  }
0x409: {  	v59 =	vor.u32 v29, v23;
	v61 =	vor.u32 v22, v27;
	v39 =	vand.u32 $0xC00, v39;
	[tilespmem:v51+s20+$0x0] =	vst.idx.msk $0xffff, v17  }
0x40a: {  	v60 =	vor.u32 v19, v27;
	v45 =	vor.u32 v18, v39;
	v2 =	vadd.f32 v2, v21;
	[tilespmem:$0x1FDE0] =	vst v18  }
0x40b: {  	v17 =	vor.u32 v9, v42;
	v63 =	vadd.f32 v47, v41;
	[tilespmem:v48+s20+$0x0] =	vst.idx.msk $0xffff, v1;
	v1 =	vld.idx.msk [tilespmem:v53+s15+$0x0], $0xffff  }
0x40c: {  	v62 =	vor.u32 v12, v26;
	v48 =	vor.u32 v28, v45;
	[tilespmem:v56+s20+$0x0] =	vst.idx.msk $0xffff, v2;
	v51 =	vld.idx.msk [tilespmem:v55+s15+$0x0], $0xffff  }
0x40d: {  	v2 =	vadd.f32 v54, v24;
	v53 =	vor.u32 v4, v43;
	[tilespmem:v57+s20+$0x0] =	vst.idx.msk $0xffff, v63;
	v39 =	vld.idx.msk [tilespmem:v58+s15+$0x0], $0xffff  }
0x40e: {  	v50 =	vadd.f32 v50, v44;
	v54 =	vor.u32 v5, v37;
	v56 =	vor.u32 v11, v49;
	v55 =	vld.idx.msk [tilespmem:v59+s15+$0x0], $0xffff  }
0x40f: {  	v57 =	vor.u32 v7, v35;
	v58 =	vor.u32 $0x10, v3;
	[tilespmem:v60+s20+$0x0] =	vst.idx.msk $0xffff, v2;
	v2 =	vor.u32 v6, v36  }
0x410: {  	v59 =	vor.u32 v8, v33;
	v60 =	vor.u32 v22, v26;
	v47 =	vand.u32 $0x1F, v58;
	v17 =	vld.idx.msk [tilespmem:v17+s15+$0x0], $0xffff  }
0x411: {  	v40 =	vshll.u32 v58, $0x7;
	v1 =	vadd.f32 v1, v34;
	[tilespmem:v48+s20+$0x0] =	vst.idx.msk $0xffff, v50;
	v50 =	vor.u32 v16, v47  }
0x412: {  	v58 =	vor.u32 v9, v33;
	v51 =	vadd.f32 v51, v32;
	v53 =	vld.idx.msk [tilespmem:v53+s15+$0x0], $0xffff;
	v39 =	vadd.f32 v39, v21  }
0x413: {  	v41 =	vadd.f32 v55, v41;
	[tilespmem:v54+s20+$0x0] =	vst.idx.msk $0xffff, v1;
	v54 =	vor.u32 v11, v42  }
0x414: {  	v55 =	vor.u32 v13, v47;
	[tilespmem:v57+s20+$0x0] =	vst.idx.msk $0xffff, v51;
	v2 =	vld.idx.msk [tilespmem:v2+s15+$0x0], $0xffff;
	v57 =	vor.u32 v5, v45  }
0x415: {  	v31 =	vmov v10;
	v48 =	vshll.u32 v10, $0x7;
	v17 =	vadd.f32 v17, v24;
	[tilespmem:v46+s20+$0x0] =	vst.idx.msk $0xffff, v41;
	v59 =	vld.idx.msk [tilespmem:v59+s15+$0x0], $0xffff  }
0x416: {  	v1 =	vor.u32 v13, v30;
	[tilespmem:v60+s20+$0x0] =	vst.idx.msk $0xffff, v39;
	v46 =	vld.idx.msk [tilespmem:v50+s12+$0x0], $0xffff;
	v50 =	vor.u32 v7, v37  }
0x417: {  	v39 =	vld.idx.msk [tilespmem:v56+s15+$0x0], $0xffff;
	v56 =	vor.u32 v6, v43;
	[tilespmem:v61+s20+$0x0] =	vst.idx.msk $0xffff, v17;
	v17 =	vadd.f32 v53, v44  }
0x418: {  	v10 =	vor.u32 v29, v49;
	v61 =	vor.u32 v8, v36;
	v53 =	vor.u32 v19, v35;
	v54 =	vld.idx.msk [tilespmem:v54+s15+$0x0], $0xffff  }
0x419: {  	v38 =	vand.u32 $0x380, v38;
	v55 =	vld.idx.msk [tilespmem:v55+s15+$0x0], $0xffff;
	[tilespmem:v57+s20+$0x0] =	vst.idx.msk $0xffff, v17;
	v17 =	vand.u32 $0xC00, v40;
	v2 =	vadd.f32 v2, v34  }
0x41a: {  	v41 =	vor.u32 v14, v49;
	v51 =	vld.idx.msk [tilespmem:v52+s12+$0x0], $0xffff;
	v57 =	vor.u32 v12, v27;
	v49 =	vor.u32 v38, v17  }
0x41b: {  	v1 =	vld.idx.msk [tilespmem:v1+s15+$0x0], $0xffff;
	v17 =	vadd.f32 v59, v32;
	[tilespmem:v50+s20+$0x0] =	vst.idx.msk $0xffff, v2;
	v2 =	vor.u32 v28, v49  }
0x41c: {  	v52 =	vand.u32 $0x780, v48;
	v39 =	vadd.f32 v39, v21;
	v50 =	vld.idx.msk [tilespmem:v56+s15+$0x0], $0xffff;
	v56 =	vor.u32 v14, v42  }
0x41d: {  	[tilespmem:v53+s20+$0x0] =	vst.idx.msk $0xffff, v17;
	v17 =	vor.u32 v28, v52;
	v59 =	vld.idx.msk [tilespmem:v61+s15+$0x0], $0xffff;
	v54 =	vadd.f32 v54, v24  }
0x41e: {  	v53 =	vor.u32 v4, v47;
	[tilespmem:v62+s20+$0x0] =	vst.idx.msk $0xffff, v39;
	v55 =	vadd.f32 v55, v46  }
0x41f: {  	v14 =	vor.u32 v7, v45;
	v58 =	vld.idx.msk [tilespmem:v58+s15+$0x0], $0xffff;
	[tilespmem:v57+s20+$0x0] =	vst.idx.msk $0xffff, v54;
	v54 =	vor.u32 v19, v37  }
0x420: {  	v1 =	vadd.f32 v1, v51;
	v41 =	vld.idx.msk [tilespmem:v41+s15+$0x0], $0xffff;
	[tilespmem:v2+s20+$0x0] =	vst.idx.msk $0xffff, v55;
	v2 =	vor.u32 v9, v36  }
0x421: {  	v8 =	vor.u32 v8, v43;
	v63 =	vld.idx.msk [tilespmem:v56+s15+$0x0], $0xffff;
	v56 =	vor.u32 v22, v35  }
0x422: {  	[tilespmem:v17+s20+$0x0] =	vst.idx.msk $0xffff, v1;
	v17 =	vor.u32 v15, v26;
	v40 =	vadd.f32 v59, v34  }
0x423: {  	v25 =	vor.u32 v6, v30;
	v50 =	vadd.f32 v50, v44;
	v60 =	vld.idx.msk [tilespmem:v53+s15+$0x0], $0xffff  }
0x424: {  	v53 =	vor.u32 v11, v33;
	v59 =	vld.idx.msk [tilespmem:v0+s15+$0x0], $0xffff;
	v0 =	vadd.f32 v58, v32;
	[tilespmem:v54+s20+$0x0] =	vst.idx.msk $0xffff, v40  }
0x425: {  	v61 =	vor.u32 v15, v27;
	[tilespmem:v14+s20+$0x0] =	vst.idx.msk $0xffff, v50;
	v54 =	vld.idx.msk [tilespmem:v2+s15+$0x0], $0xffff;
	v2 =	vadd.f32 v41, v21  }
0x426: {  	v42 =	vor.u32 v29, v42;
	v14 =	vor.u32 v5, v49;
	[tilespmem:v56+s20+$0x0] =	vst.idx.msk $0xffff, v0  }
0x427: {  	s31 =	simm.s32 $0x7;
	v62 =	vor.u32 v5, v52;
	v1 =	vor.u32 v6, v47;
	v7 =	vld.idx.msk [tilespmem:v8+s15+$0x0], $0xffff;
	[tilespmem:v17+s20+$0x0] =	vst.idx.msk $0xffff, v2  }
0x428: {  	v4 =	vadd.s32 s31, v28;
	v55 =	vor.u32 v12, v35;
	v57 =	vadd.f32 v63, v24;
	[tilespmem:$0x1FDF0] =	vst v16  }
0x429: {  	v50 =	vand.u32 $0xF, v4;
	v58 =	vor.u32 v19, v45;
	v2 =	vadd.f32 v60, v46;
	v53 =	vld.idx.msk [tilespmem:v53+s15+$0x0], $0xffff  }
0x42a: {  	v63 =	vor.u32 v16, v50;
	v0 =	vor.u32 v13, v50;
	[tilespmem:v61+s20+$0x0] =	vst.idx.msk $0xffff, v57;
	v41 =	vld.idx.msk [tilespmem:v10+s15+$0x0], $0xffff  }
0x42b: {  	v56 =	vor.u32 v22, v37;
	v17 =	vadd.f32 v59, v51;
	[tilespmem:v14+s20+$0x0] =	vst.idx.msk $0xffff, v2;
	v42 =	vld.idx.msk [tilespmem:v42+s15+$0x0], $0xffff  }
0x42c: {  	s25 =	simm.s32 $0x8;
	v60 =	vadd.f32 v7, v44;
	v57 =	vor.u32 v11, v36;
	v61 =	vor.u32 v9, v43;
	v59 =	vld.idx.msk [tilespmem:v1+s15+$0x0], $0xffff  }
.LBB2_9:
0x42d: {  	_ = 	snop  }
0x42e: {  	v23 =	vld [tilespmem:$0x1FF90]  }
0x42f: {  	v8 =	vld [tilespmem:$0x1FF60]  }
0x430: {  	v0 =	vld.idx.msk [tilespmem:v0+s15+$0x0], $0xffff  }
0x431: {  	v6 =	vld [tilespmem:$0x1FF40]  }
0x432: {  	v7 =	vld [tilespmem:$0x1FF50]  }
0x433: {  	v16 =	vld [tilespmem:$0x1FF10]  }
0x434: {  	v13 =	vld [tilespmem:$0x1FFC0]  }
0x435: {  	v11 =	vld [tilespmem:$0x1FFA0]  }
0x436: {  	v12 =	vld [tilespmem:$0x1FFB0]  }
0x437: {  	v15 =	vld [tilespmem:$0x1FF80]  }
0x438: {  	v9 =	vld [tilespmem:$0x1FFE0]  }
0x439: {  	v5 =	vshll.u32 v4, $0x7;
	v10 =	vld [tilespmem:$0x1FFF0];
	[tilespmem:v62+s20+$0x0] =	vst.idx.msk $0xffff, v17  }
0x43a: {  	v19 =	vld [tilespmem:$0x1FD70];
	[tilespmem:$0x1FD40] =	vst v5;
	v1 =	vadd.f32 v54, v34  }
0x43b: {  	[tilespmem:v58+s20+$0x0] =	vst.idx.msk $0xffff, v60;
	v14 =	vadd.f32 v53, v32;
	v53 =	vmov v4;
	v4 =	vld [tilespmem:$0x1FD80];
	v2 =	vor.u32 v23, v26  }
0x43c: {  	v29 =	vlaneseq.u32;
	v54 =	vld.idx.msk [tilespmem:v63+s12+$0x0], $0xffff;
	[tilespmem:v56+s20+$0x0] =	vst.idx.msk $0xffff, v1;
	v26 =	vor.u32 v23, v27  }
0x43d: {  	v21 =	vadd.f32 v41, v21;
	v17 =	vor.u32 v8, v33;
	v27 =	vor.u32 v6, v49;
	v56 =	vld.idx.msk [tilespmem:v57+s15+$0x0], $0xffff  }
0x43e: {  	v41 =	vand.u32 $0x780, v5;
	v24 =	vadd.f32 v42, v24;
	v1 =	vor.u32 v7, v47;
	[tilespmem:v55+s20+$0x0] =	vst.idx.msk $0xffff, v14;
	v14 =	vld [tilespmem:$0x1FF70]  }
0x43f: {  	v39 =	vadd.f32 v59, v46;
	v42 =	vor.u32 v29, v41;
	v57 =	vor.u32 v13, v37;
	v40 =	vld.idx.msk [tilespmem:v25+s15+$0x0], $0xffff  }
0x440: {  	v62 =	vadd.s32 s25, v29;
	v55 =	vor.u32 v7, v30;
	v59 =	vand.u32 $0x7, v4;
	v5 =	vmovc v4;
	v4 =	vld [tilespmem:$0x1FF20];
	[tilespmem:v2+s20+$0x0] =	vst.idx.msk $0xffff, v21  }
0x441: {  	v0 =	vadd.f32 v0, v54;
	v2 =	vor.u32 v16, v50;
	[tilespmem:v26+s20+$0x0] =	vst.idx.msk $0xffff, v24;
	v21 =	vld.idx.msk [tilespmem:v61+s15+$0x0], $0xffff  }
0x442: {  	v26 =	vor.u32 v8, v36;
	[tilespmem:v27+s20+$0x0] =	vst.idx.msk $0xffff, v39;
	v17 =	vld.idx.msk [tilespmem:v17+s15+$0x0], $0xffff;
	v27 =	vor.u32 v6, v52  }
0x443: {  	v58 =	vor.u32 v11, v45;
	v22 =	vor.u32 v11, v52;
	v56 =	vadd.f32 v56, v34;
	v1 =	vld.idx.msk [tilespmem:v1+s15+$0x0], $0xffff  }
0x444: {  	v28 =	vor.u32 $0x20, v19;
	v19 =	vld [tilespmem:$0x1FDA0];
	v61 =	vor.u32 v12, v43;
	[tilespmem:v42+s20+$0x0] =	vst.idx.msk $0xffff, v0;
	v0 =	vor.u32 v14, v35  }
0x445: {  	[tilespmem:$0x1FD50] =	vst v5;
	v5 =	vld [tilespmem:$0x1FF30];
	v24 =	vor.u32 $0x30, v20;
	v60 =	vadd.f32 v40, v51;
	v40 =	vor.u32 v9, v49  }
0x446: {  	v20 =	vor.u32 v15, v33;
	v2 =	vld.idx.msk [tilespmem:v2+s15+$0x0], $0xffff;
	[tilespmem:v57+s20+$0x0] =	vst.idx.msk $0xffff, v56;
	v21 =	vadd.f32 v21, v44  }
0x447: {  	v42 =	vor.u32 v10, v47;
	v26 =	vld.idx.msk [tilespmem:v26+s15+$0x0], $0xffff;
	[tilespmem:v27+s20+$0x0] =	vst.idx.msk $0xffff, v60;
	v17 =	vadd.f32 v17, v32  }
0x448: {  	v33 =	vor.u32 v4, v41;
	v27 =	vld.idx.msk [tilespmem:v55+s15+$0x0], $0xffff;
	v1 =	vadd.f32 v1, v46;
	[tilespmem:v58+s20+$0x0] =	vst.idx.msk $0xffff, v21  }
0x449: {  	v63 =	vand.u32 $0xF, v62;
	v36 =	vor.u32 v15, v36;
	v19 =	vor.u32 $0x30, v19;
	v55 =	vld.idx.msk [tilespmem:v61+s15+$0x0], $0xffff;
	[tilespmem:v0+s20+$0x0] =	vst.idx.msk $0xffff, v17  }
0x44a: {  	v39 =	vmov v3;
	v21 =	vor.u32 v5, v50;
	v0 =	vor.u32 v14, v37;
	[tilespmem:v40+s20+$0x0] =	vst.idx.msk $0xffff, v1;
	v40 =	vld [tilespmem:$0x1FFD0]  }
0x44b: {  	v18 =	vor.u32 v5, v63;
	v58 =	vor.u32 v9, v52;
	v1 =	vld.idx.msk [tilespmem:v20+s15+$0x0], $0xffff;
	v2 =	vadd.f32 v2, v54  }
0x44c: {  	v3 =	vmovc v31;
	v31 =	vmovc v30;
	v57 =	vor.u32 v15, v30;
	v56 =	vand.u32 $0x3F, v24;
	v61 =	vor.u32 v10, v30;
	v20 =	vld [tilespmem:$0x1FDF0]  }
0x44d: {  	v42 =	vld.idx.msk [tilespmem:v42+s15+$0x0], $0xffff;
	v26 =	vadd.f32 v26, v34;
	[tilespmem:v33+s20+$0x0] =	vst.idx.msk $0xffff, v2;
	v2 =	vor.u32 v13, v45  }
0x44e: {  	[tilespmem:$0x1FD60] =	vst v18;
	v60 =	vor.u32 v8, v30;
	v33 =	vor.u32 v8, v43;
	v25 =	vadd.f32 v27, v51  }
0x44f: {  	v27 =	vor.u32 v11, v49;
	v21 =	vld.idx.msk [tilespmem:v21+s15+$0x0], $0xffff;
	[tilespmem:v0+s20+$0x0] =	vst.idx.msk $0xffff, v26;
	v0 =	vor.u32 v12, v47  }
0x450: {  	v26 =	vor.u32 v23, v35;
	[tilespmem:v58+s20+$0x0] =	vst.idx.msk $0xffff, v25;
	v55 =	vadd.f32 v55, v44;
	v36 =	vld.idx.msk [tilespmem:v36+s15+$0x0], $0xffff  }
0x451: {  	v35 =	vor.u32 v40, v56;
	v18 =	vor.u32 v20, v56;
	v1 =	vadd.f32 v1, v32;
	v32 =	vld.idx.msk [tilespmem:v61+s15+$0x0], $0xffff  }
0x452: {  	v61 =	vor.u32 v6, v41;
	v58 =	vadd.f32 v42, v46;
	v25 =	vmov v31;
	[tilespmem:v2+s20+$0x0] =	vst.idx.msk $0xffff, v55  }
0x453: {  	v17 =	vor.u32 v12, v30;
	v30 =	vmovc v48;
	v48 =	vmov v62;
	v62 =	vor.u32 v7, v50;
	[tilespmem:$0x1FD70] =	vst v25;
	v25 =	vld [tilespmem:$0x1FD90]  }
0x454: {  	v24 =	vshll.u32 v24, $0x7;
	v42 =	vand.u32 $0x3F, v19;
	v2 =	vor.u32 v23, v37;
	[tilespmem:v27+s20+$0x0] =	vst.idx.msk $0xffff, v58;
	v33 =	vld.idx.msk [tilespmem:v33+s15+$0x0], $0xffff  }
0x455: {  	v27 =	vor.u32 v20, v42;
	v37 =	vadd.f32 v21, v54;
	v0 =	vld.idx.msk [tilespmem:v0+s15+$0x0], $0xffff;
	[tilespmem:v26+s20+$0x0] =	vst.idx.msk $0xffff, v1  }
0x456: {  	v43 =	vor.u32 v15, v43;
	v31 =	vor.u32 v13, v52;
	v1 =	vor.u32 v40, v42;
	v21 =	vld.idx.msk [tilespmem:v18+s12+$0x0], $0xffff  }
0x457: {  	v18 =	vadd.f32 v36, v34;
	[tilespmem:v61+s20+$0x0] =	vst.idx.msk $0xffff, v37;
	v34 =	vor.u32 v14, v45;
	v35 =	vld.idx.msk [tilespmem:v35+s15+$0x0], $0xffff  }
0x458: {  	[tilespmem:$0x1FD80] =	vst v3;
	v55 =	vor.u32 v16, v63;
	v26 =	vand.u32 $0x1C00, v24;
	v61 =	vor.u32 v13, v49;
	v37 =	vld.idx.msk [tilespmem:v62+s15+$0x0], $0xffff  }
0x459: {  	v19 =	vshll.u32 v19, $0x7;
	[tilespmem:v2+s20+$0x0] =	vst.idx.msk $0xffff, v18;
	v2 =	vadd.f32 v32, v51;
	v26 =	vor.u32 v25, v26;
	v25 =	vld [tilespmem:$0x1FDC0]  }
0x45a: {  	v58 =	vor.u32 v7, v56;
	v18 =	vor.u32 v8, v47;
	v24 =	vld.idx.msk [tilespmem:v27+s12+$0x0], $0xffff;
	v27 =	vadd.f32 v33, v44  }
0x45b: {  	v36 =	vor.u32 v16, v56;
	v1 =	vld.idx.msk [tilespmem:v1+s15+$0x0], $0xffff;
	[tilespmem:v22+s20+$0x0] =	vst.idx.msk $0xffff, v2;
	v2 =	vor.u32 v29, v26  }
0x45c: {  	v0 =	vadd.f32 v0, v46;
	v22 =	vor.u32 v9, v41;
	v17 =	vld.idx.msk [tilespmem:v17+s15+$0x0], $0xffff;
	[tilespmem:v34+s20+$0x0] =	vst.idx.msk $0xffff, v27  }
0x45d: {  	v19 =	vand.u32 $0x1C00, v19;
	v62 =	vmovc v63;
	v63 =	vor.u32 v15, v47;
	v34 =	vadd.f32 v35, v21;
	v32 =	vld.idx.msk [tilespmem:v43+s15+$0x0], $0xffff  }
0x45e: {  	[tilespmem:v61+s20+$0x0] =	vst.idx.msk $0xffff, v0;
	v43 =	vand.u32 $0x28, v28;
	v27 =	vor.u32 v25, v19;
	v19 =	vor.u32 v10, v50  }
0x45f: {  	v35 =	vor.u32 v16, v42;
	v37 =	vadd.f32 v37, v54;
	v18 =	vld.idx.msk [tilespmem:v18+s15+$0x0], $0xffff;
	v33 =	vor.u32 v59, v43  }
0x460: {  	v25 =	vld [tilespmem:$0x1FDE0];
	v59 =	vmov v38;
	v43 =	vor.u32 v23, v45;
	v0 =	vor.u32 v29, v27;
	[tilespmem:v2+s20+$0x0] =	vst.idx.msk $0xffff, v34  }
0x461: {  	v38 =	vor.u32 $0x10, v3;
	v45 =	vor.u32 v14, v52;
	v3 =	vld [tilespmem:$0x1FDD0];
	[tilespmem:v22+s20+$0x0] =	vst.idx.msk $0xffff, v37;
	v22 =	vor.u32 v14, v49  }
0x462: {  	v1 =	vadd.f32 v1, v24;
	v34 =	vld.idx.msk [tilespmem:v36+s15+$0x0], $0xffff;
	v17 =	vadd.f32 v17, v51;
	v36 =	vmov v39  }
0x463: {  	v2 =	vor.u32 v20, v33;
	v37 =	vor.u32 v5, v56;
	[tilespmem:$0x1FDA0] =	vst v36;
	v19 =	vld.idx.msk [tilespmem:v19+s15+$0x0], $0xffff  }
0x464: {  	[tilespmem:v31+s20+$0x0] =	vst.idx.msk $0xffff, v17;
	v17 =	vshll.u32 v28, $0x7;
	v18 =	vadd.f32 v18, v46;
	v28 =	vor.u32 v4, v26  }
0x465: {  	[tilespmem:v0+s20+$0x0] =	vst.idx.msk $0xffff, v1;
	v0 =	vadd.f32 v32, v44;
	v1 =	vor.u32 v40, v33;
	v31 =	vld.idx.msk [tilespmem:v60+s15+$0x0], $0xffff  }
0x466: {  	v61 =	vmov v25;
	v60 =	vor.u32 v11, v41;
	v17 =	vand.u32 $0x1400, v17;
	v44 =	vld.idx.msk [tilespmem:v35+s15+$0x0], $0xffff;
	[tilespmem:v22+s20+$0x0] =	vst.idx.msk $0xffff, v18  }
0x467: {  	v39 =	vor.u32 v6, v26;
	v35 =	vor.u32 v61, v17;
	v17 =	vor.u32 $0x20, v3;
	[tilespmem:v43+s20+$0x0] =	vst.idx.msk $0xffff, v0  }
0x468: {  	v0 =	vor.u32 v12, v50;
	v22 =	vadd.f32 v34, v21;
	v32 =	vld.idx.msk [tilespmem:v2+s12+$0x0], $0xffff;
	v2 =	vor.u32 v4, v27  }
0x469: {  	[tilespmem:$0x1FD90] =	vst v61;
	v3 =	vmovc v53;
	v18 =	vld.idx.msk [tilespmem:v63+s15+$0x0], $0xffff;
	v43 =	vand.u32 $0x7, v36;
	v53 =	vand.u32 $0x28, v17;
	v19 =	vadd.f32 v19, v54  }
0x46a: {  	v63 =	vor.u32 v5, v42;
	v36 =	vor.u32 v43, v53;
	v1 =	vld.idx.msk [tilespmem:v1+s15+$0x0], $0xffff;
	[tilespmem:v28+s20+$0x0] =	vst.idx.msk $0xffff, v22  }
0x46b: {  	v25 =	vmov v50;
	v22 =	vadd.f32 v44, v24;
	[tilespmem:v60+s20+$0x0] =	vst.idx.msk $0xffff, v19;
	v19 =	vor.u32 v23, v49  }
0x46c: {  	v61 =	vor.u32 v14, v41;
	v31 =	vadd.f32 v31, v51;
	v28 =	vld.idx.msk [tilespmem:v37+s15+$0x0], $0xffff;
	v60 =	vor.u32 v20, v36  }
0x46d: {  	v0 =	vld.idx.msk [tilespmem:v0+s15+$0x0], $0xffff;
	[tilespmem:v2+s20+$0x0] =	vst.idx.msk $0xffff, v22;
	v2 =	vor.u32 v29, v35;
	v22 =	vor.u32 v40, v36  }
0x46e: {  	v43 =	vand.u32 $0x1F, v38;
	[tilespmem:v45+s20+$0x0] =	vst.idx.msk $0xffff, v31;
	v45 =	vor.u32 v16, v33;
	v18 =	vadd.f32 v18, v46  }
0x46f: {  	v50 =	vor.u32 v8, v25;
	v47 =	vor.u32 v20, v43;
	v49 =	vor.u32 v13, v41;
	v44 =	vld.idx.msk [tilespmem:v63+s15+$0x0], $0xffff  }
0x470: {  	v46 =	vld.idx.msk [tilespmem:v57+s15+$0x0], $0xffff;
	v57 =	vshll.u32 v48, $0x7;
	v1 =	vadd.f32 v1, v32;
	[tilespmem:v19+s20+$0x0] =	vst.idx.msk $0xffff, v18  }
0x471: {  	v63 =	vor.u32 v10, v56;
	v18 =	vor.u32 v6, v27;
	v19 =	vor.u32 v23, v52;
	v34 =	vld.idx.msk [tilespmem:v60+s12+$0x0], $0xffff  }
0x472: {  	v28 =	vadd.f32 v28, v21;
	v52 =	vor.u32 v7, v42;
	[tilespmem:v2+s20+$0x0] =	vst.idx.msk $0xffff, v1;
	v1 =	vld.idx.msk [tilespmem:v22+s15+$0x0], $0xffff  }
0x473: {  	[tilespmem:$0x1FDC0] =	vst v59;
	v31 =	vmovc v48;
	v0 =	vadd.f32 v0, v54;
	v60 =	vand.u32 $0x380, v30;
	v2 =	vshll.u32 v17, $0x7;
	v17 =	vld.idx.msk [tilespmem:v45+s15+$0x0], $0xffff  }
0x474: {  	v2 =	vand.u32 $0x1400, v2;
	[tilespmem:v39+s20+$0x0] =	vst.idx.msk $0xffff, v28;
	v22 =	vadd.f32 v44, v24;
	v28 =	vor.u32 v40, v43  }
0x475: {  	[tilespmem:v49+s20+$0x0] =	vst.idx.msk $0xffff, v0;
	v37 =	vor.u32 v59, v2;
	v0 =	vld.idx.msk [tilespmem:v58+s15+$0x0], $0xffff;
	v2 =	vadd.f32 v46, v51  }
0x476: {  	v39 =	vld.idx.msk [tilespmem:v50+s15+$0x0], $0xffff;
	v46 =	vor.u32 v16, v36;
	v45 =	vor.u32 v29, v37;
	[tilespmem:v18+s20+$0x0] =	vst.idx.msk $0xffff, v22  }
0x477: {  	v58 =	vor.u32 v15, v25;
	v59 =	vor.u32 v9, v27;
	v22 =	vor.u32 v4, v35;
	v48 =	vld.idx.msk [tilespmem:v52+s15+$0x0], $0xffff  }
0x478: {  	[tilespmem:v19+s20+$0x0] =	vst.idx.msk $0xffff, v2;
	v2 =	vshll.u32 v38, $0x7;
	v19 =	vor.u32 v5, v33;
	v38 =	vor.u32 v9, v26  }
0x479: {  	v51 =	vor.u32 v5, v36;
	v18 =	vor.u32 v20, v62;
	v44 =	vld.idx.msk [tilespmem:v47+s12+$0x0], $0xffff;
	v1 =	vadd.f32 v1, v34  }
0x47a: {  	v2 =	vand.u32 $0xC00, v2;
	v28 =	vld.idx.msk [tilespmem:v28+s15+$0x0], $0xffff;
	v17 =	vadd.f32 v17, v32;
	v0 =	vadd.f32 v0, v21  }
0x47b: {  	v30 =	vmov v62;
	[tilespmem:v45+s20+$0x0] =	vst.idx.msk $0xffff, v1;
	v1 =	vor.u32 v10, v42;
	v45 =	vor.u32 v60, v2  }
0x47c: {  	v2 =	vadd.f32 v39, v54;
	[tilespmem:v22+s20+$0x0] =	vst.idx.msk $0xffff, v17;
	v17 =	vld.idx.msk [tilespmem:v46+s15+$0x0], $0xffff;
	v22 =	vor.u32 v29, v45  }
0x47d: {  	v19 =	vld.idx.msk [tilespmem:v19+s15+$0x0], $0xffff;
	[tilespmem:v38+s20+$0x0] =	vst.idx.msk $0xffff, v0;
	v0 =	vadd.f32 v48, v24;
	v38 =	vor.u32 v16, v43  }
0x47e: {  	v49 =	vor.u32 v4, v37;
	v39 =	vor.u32 v40, v62;
	[tilespmem:v61+s20+$0x0] =	vst.idx.msk $0xffff, v2;
	v2 =	vld.idx.msk [tilespmem:v63+s15+$0x0], $0xffff  }
0x47f: {  	v46 =	vld.idx.msk [tilespmem:v58+s15+$0x0], $0xffff;
	[tilespmem:v59+s20+$0x0] =	vst.idx.msk $0xffff, v0;
	v0 =	vadd.f32 v28, v44;
	v28 =	vor.u32 v6, v35  }
0x480: {  	[tilespmem:$0x1FDE0] =	vst v60;
	v60 =	vor.u32 v11, v26;
	v58 =	vor.u32 $0x10, v3;
	v59 =	vor.u32 v7, v33;
	v1 =	vld.idx.msk [tilespmem:v1+s15+$0x0], $0xffff  }
0x481: {  	v47 =	vand.u32 $0x1F, v58;
	[tilespmem:v22+s20+$0x0] =	vst.idx.msk $0xffff, v0;
	v0 =	vor.u32 v23, v41;
	v17 =	vadd.f32 v17, v34  }
0x482: {  	v62 =	vor.u32 v11, v27;
	v61 =	vor.u32 v20, v47;
	v19 =	vadd.f32 v19, v32;
	v22 =	vld.idx.msk [tilespmem:v38+s15+$0x0], $0xffff  }
0x483: {  	v50 =	vor.u32 v12, v56;
	v2 =	vadd.f32 v2, v21;
	[tilespmem:v49+s20+$0x0] =	vst.idx.msk $0xffff, v17  }
0x484: {  	v46 =	vadd.f32 v46, v54;
	[tilespmem:v28+s20+$0x0] =	vst.idx.msk $0xffff, v19;
	v28 =	vor.u32 v4, v45;
	v19 =	vld.idx.msk [tilespmem:v51+s15+$0x0], $0xffff  }
0x485: {  	v54 =	vld.idx.msk [tilespmem:v59+s15+$0x0], $0xffff;
	[tilespmem:v60+s20+$0x0] =	vst.idx.msk $0xffff, v2;
	v1 =	vadd.f32 v1, v24  }
0x486: {  	v51 =	vld.idx.msk [tilespmem:v18+s12+$0x0], $0xffff;
	[tilespmem:v0+s20+$0x0] =	vst.idx.msk $0xffff, v46  }
0x487: {  	v17 =	vor.u32 v12, v42;
	v46 =	vld.idx.msk [tilespmem:v61+s12+$0x0], $0xffff;
	[tilespmem:v62+s20+$0x0] =	vst.idx.msk $0xffff, v1;
	v1 =	vadd.f32 v22, v44  }
0x488: {  	v0 =	vld.idx.msk [tilespmem:v50+s15+$0x0], $0xffff  }
0x489: {  	v48 =	vmov v57;
	v63 =	vor.u32 v40, v47;
	[tilespmem:v28+s20+$0x0] =	vst.idx.msk $0xffff, v1;
	v1 =	vld [tilespmem:$0x1FD40]  }
0x48a: {  	v57 =	vor.u32 v15, v56;
	v52 =	vand.u32 $0x780, v48  }
0x48b: {  	v2 =	vor.u32 v8, v56;
	v56 =	vor.u32 v6, v37;
	v50 =	vor.u32 v5, v43  }
0x48c: {  	v53 =	vor.u32 v16, v47;
	v41 =	vor.u32 v7, v36;
	v49 =	vshll.u32 v58, $0x7;
	v17 =	vld.idx.msk [tilespmem:v17+s15+$0x0], $0xffff  }
0x48d: {  	v58 =	vor.u32 v10, v33;
	v22 =	vor.u32 v9, v35;
	v18 =	vadd.f32 v19, v34  }
0x48e: {  	v59 =	vld.idx.msk [tilespmem:v63+s15+$0x0], $0xffff;
	v28 =	vor.u32 v13, v27;
	v38 =	vand.u32 $0x380, v1;
	v1 =	vand.u32 $0xC00, v49  }
0x48f: {  	v60 =	vor.u32 v13, v26;
	v62 =	vor.u32 v4, v52;
	v19 =	vld.idx.msk [tilespmem:v39+s15+$0x0], $0xffff;
	v49 =	vor.u32 v38, v1  }
0x490: {  	v39 =	vld.idx.msk [tilespmem:v50+s15+$0x0], $0xffff;
	[tilespmem:v56+s20+$0x0] =	vst.idx.msk $0xffff, v18;
	v1 =	vadd.f32 v54, v32;
	v50 =	vor.u32 v29, v49  }
0x491: {  	v18 =	vor.u32 v8, v42;
	v0 =	vadd.f32 v0, v21;
	v17 =	vadd.f32 v17, v24  }
0x492: {  	v56 =	vor.u32 v6, v45;
	[tilespmem:v22+s20+$0x0] =	vst.idx.msk $0xffff, v1;
	v22 =	vor.u32 v29, v52  }
0x493: {  	s26 =	sadd.s32 $0x1, s25;
	v8 =	vadd.f32 v59, v46;
	v59 =	vor.u32 v11, v35;
	v1 =	vld.idx.msk [tilespmem:v41+s15+$0x0], $0xffff;
	[tilespmem:v28+s20+$0x0] =	vst.idx.msk $0xffff, v17  }
0x494: {  	v23 =	vor.u32 v4, v49;
	v4 =	vadd.s32 s26, v29;
	v54 =	vld.idx.msk [tilespmem:v58+s15+$0x0], $0xffff;
	[tilespmem:v60+s20+$0x0] =	vst.idx.msk $0xffff, v0  }
0x495: {  	v17 =	vadd.f32 v19, v51;
	v0 =	vor.u32 v9, v37;
	v2 =	vld.idx.msk [tilespmem:v2+s15+$0x0], $0xffff;
	[tilespmem:v50+s20+$0x0] =	vst.idx.msk $0xffff, v8  }
0x496: {  	v41 =	vor.u32 v7, v43;
	v19 =	vor.u32 v10, v36;
	v28 =	vadd.f32 v39, v44;
	v18 =	vld.idx.msk [tilespmem:v18+s15+$0x0], $0xffff  }
0x497: {  	v39 =	vor.u32 v14, v26;
	v53 =	vld.idx.msk [tilespmem:v53+s15+$0x0], $0xffff;
	[tilespmem:v22+s20+$0x0] =	vst.idx.msk $0xffff, v17;
	v17 =	vor.u32 v12, v33  }
0x498: {  	[tilespmem:$0x1FDD0] =	vst v25;
	v8 =	vor.u32 v14, v27;
	v50 =	vand.u32 $0xF, v4;
	v1 =	vadd.f32 v1, v34  }
0x499: {  	v63 =	vor.u32 v20, v50;
	v22 =	vld.idx.msk [tilespmem:v55+s15+$0x0], $0xffff;
	[tilespmem:v56+s20+$0x0] =	vst.idx.msk $0xffff, v28;
	v28 =	vadd.f32 v54, v32  }
0x49a: {  	v20 =	vld [tilespmem:$0x1FD50];
	[tilespmem:v0+s20+$0x0] =	vst.idx.msk $0xffff, v1;
	v1 =	vor.u32 v15, v42;
	v0 =	vadd.f32 v2, v21  }
0x49b: {  	v25 =	vor.u32 v5, v47;
	v14 =	vld.idx.msk [tilespmem:v41+s15+$0x0], $0xffff;
	[tilespmem:v59+s20+$0x0] =	vst.idx.msk $0xffff, v28;
	v2 =	vadd.f32 v18, v24  }
0x49c: {  	p0 =	slt.u32 s25, $0xE;
	v18 =	vadd.f32 v53, v46;
	v53 =	vld.idx.msk [tilespmem:v17+s15+$0x0], $0xffff;
	[tilespmem:v39+s20+$0x0] =	vst.idx.msk $0xffff, v0  }
.Ltmp6:
0x49d: {  	v54 =	vld.idx.msk [tilespmem:v19+s15+$0x0], $0xffff;
	[tilespmem:v8+s20+$0x0] =	vst.idx.msk $0xffff, v2;
	(pc) =	sbr.rel @p0 .LBB2_9-.Ltmp6, $4  }
0x49e: {  	v41 =	vld.idx.msk [tilespmem:v57+s15+$0x0], $0xffff;
	[tilespmem:v23+s20+$0x0] =	vst.idx.msk $0xffff, v18  }
0x49f: {  	v61 =	vor.u32 v10, v43;
	v58 =	vor.u32 v9, v45;
	v42 =	vld.idx.msk [tilespmem:v1+s15+$0x0], $0xffff  }
0x4a0: {  	v56 =	vor.u32 v11, v37;
	v55 =	vor.u32 v13, v35;
	v0 =	vor.u32 v40, v50;
	v59 =	vld.idx.msk [tilespmem:v25+s15+$0x0], $0xffff  }
0x4a1: {  	s25 =	sadd.s32 $0x2, s25;
	v17 =	vadd.f32 v22, v51;
	v57 =	vor.u32 v12, v36;
	v60 =	vadd.f32 v14, v44;
	v25 =	vld [tilespmem:$0x1FD60]  }
0x4a2: {  	_ =	sdelay $0x3  }
0x4a3: {  	v1 =	vld.idx.msk [tilespmem:v63+s12+$0x0], $0xffff  }
0x4a4: {  	v0 =	vld.idx.msk [tilespmem:v0+s15+$0x0], $0xffff;
	v2 =	vshll.u32 v4, $0x7  }
0x4a5: {  	v5 =	vlaneseq.u32;
	v39 =	vmov v4;
	[tilespmem:$0x1FD00] =	vst v4;
	v4 =	vld [tilespmem:$0x1FF10];
	v18 =	vand.u32 $0x780, v2  }
0x4a6: {  	v19 =	vor.u32 v5, v18;
	_ =	sdelay $0x2  }
0x4a7: {  	v0 =	vadd.f32 v0, v1  }
0x4a8: {  	[tilespmem:v62+s20+$0x0] =	vst.idx.msk $0xffff, v17;
	v22 =	vor.u32 v4, v50  }
0x4a9: {  	[tilespmem:v19+s20+$0x0] =	vst.idx.msk $0xffff, v0  }
0x4aa: {  	v12 =	vld [tilespmem:$0x1FF20];
	_ =	sdelay $0x1  }
0x4ab: {  	v7 =	vld [tilespmem:$0x1FF40]  }
0x4ac: {  	v0 =	vld.idx.msk [tilespmem:v22+s15+$0x0], $0xffff  }
0x4ad: {  	v5 =	vld [tilespmem:$0x1FF30]  }
0x4ae: {  	v28 =	vld.idx.msk [tilespmem:v25+s15+$0x0], $0xffff;
	v63 =	vor.u32 v12, v18  }
0x4af: {  	v8 =	vld [tilespmem:$0x1FF50]  }
0x4b0: {  	v23 =	vor.u32 v7, v52  }
0x4b1: {  	v0 =	vadd.f32 v0, v1  }
0x4b2: {  	v29 =	vor.u32 v5, v50  }
0x4b3: {  	[tilespmem:v63+s20+$0x0] =	vst.idx.msk $0xffff, v0;
	v0 =	vadd.f32 v28, v51  }
0x4b4: {  	v40 =	vor.u32 v8, v30  }
0x4b5: {  	[tilespmem:v23+s20+$0x0] =	vst.idx.msk $0xffff, v0  }
0x4b6: {  	v9 =	vld [tilespmem:$0x1FFE0]  }
0x4b7: {  	v17 =	vld.idx.msk [tilespmem:v29+s15+$0x0], $0xffff;
	_ =	sdelay $0x1  }
0x4b8: {  	v0 =	vor.u32 v7, v18;
	v62 =	vld.idx.msk [tilespmem:v40+s15+$0x0], $0xffff  }
0x4b9: {  	v10 =	vld [tilespmem:$0x1FFF0]  }
0x4ba: {  	v6 =	vor.u32 v9, v52  }
0x4bb: {  	v17 =	vadd.f32 v17, v1  }
0x4bc: {  	v63 =	vor.u32 v8, v50  }
0x4bd: {  	[tilespmem:v0+s20+$0x0] =	vst.idx.msk $0xffff, v17;
	v0 =	vadd.f32 v62, v51  }
0x4be: {  	v28 =	vor.u32 v10, v30  }
0x4bf: {  	[tilespmem:v6+s20+$0x0] =	vst.idx.msk $0xffff, v0  }
0x4c0: {  	v11 =	vld [tilespmem:$0x1FFA0]  }
0x4c1: {  	v17 =	vld.idx.msk [tilespmem:v63+s15+$0x0], $0xffff;
	_ =	sdelay $0x1  }
0x4c2: {  	v0 =	vor.u32 v9, v18;
	v29 =	vld.idx.msk [tilespmem:v28+s15+$0x0], $0xffff  }
0x4c3: {  	v6 =	vld [tilespmem:$0x1FFB0]  }
0x4c4: {  	v62 =	vor.u32 v11, v52  }
0x4c5: {  	v17 =	vadd.f32 v17, v1  }
0x4c6: {  	v40 =	vor.u32 v10, v50  }
0x4c7: {  	[tilespmem:v0+s20+$0x0] =	vst.idx.msk $0xffff, v17;
	v0 =	vadd.f32 v29, v51  }
0x4c8: {  	v63 =	vor.u32 v6, v30  }
0x4c9: {  	[tilespmem:v62+s20+$0x0] =	vst.idx.msk $0xffff, v0  }
0x4ca: {  	v5 =	vld [tilespmem:$0x1FFC0]  }
0x4cb: {  	v17 =	vld.idx.msk [tilespmem:v40+s15+$0x0], $0xffff;
	_ =	sdelay $0x1  }
0x4cc: {  	v0 =	vor.u32 v11, v18;
	v28 =	vld.idx.msk [tilespmem:v63+s15+$0x0], $0xffff  }
0x4cd: {  	v14 =	vld [tilespmem:$0x1FF60]  }
0x4ce: {  	v29 =	vor.u32 v6, v50;
	v40 =	vor.u32 v5, v52  }
0x4cf: {  	v17 =	vadd.f32 v17, v1;
	_ =	sdelay $0x1  }
0x4d0: {  	[tilespmem:v0+s20+$0x0] =	vst.idx.msk $0xffff, v17;
	v0 =	vadd.f32 v28, v51  }
0x4d1: {  	v62 =	vor.u32 v14, v30  }
0x4d2: {  	v17 =	vld.idx.msk [tilespmem:v29+s15+$0x0], $0xffff;
	[tilespmem:v40+s20+$0x0] =	vst.idx.msk $0xffff, v0  }
0x4d3: {  	v15 =	vld [tilespmem:$0x1FF70]  }
0x4d4: {  	v13 =	vld [tilespmem:$0x1FF80];
	_ =	sdelay $0x1  }
0x4d5: {  	v0 =	vor.u32 v5, v18;
	v63 =	vld.idx.msk [tilespmem:v62+s15+$0x0], $0xffff;
	_ =	sdelay $0x1  }
0x4d6: {  	v28 =	vor.u32 v14, v50;
	v29 =	vor.u32 v15, v52  }
0x4d7: {  	v17 =	vadd.f32 v17, v1;
	v40 =	vor.u32 v13, v30;
	_ =	sdelay $0x1  }
0x4d8: {  	[tilespmem:v0+s20+$0x0] =	vst.idx.msk $0xffff, v17;
	v0 =	vadd.f32 v63, v51;
	_ =	sdelay $0x1  }
0x4d9: {  	v17 =	vld.idx.msk [tilespmem:v28+s15+$0x0], $0xffff;
	[tilespmem:v29+s20+$0x0] =	vst.idx.msk $0xffff, v0  }
0x4da: {  	v19 =	vld.idx.msk [tilespmem:v40+s15+$0x0], $0xffff  }
0x4db: {  	v23 =	vor.u32 $0x10, v31;
	[tilespmem:$0x1FD10] =	vst v31;
	v31 =	vld [tilespmem:$0x1FF90]  }
0x4dc: {  	v16 =	vld [tilespmem:$0x1FDF0]  }
0x4dd: {  	v29 =	vld [tilespmem:$0x1FFD0]  }
0x4de: {  	v0 =	vor.u32 v15, v18  }
0x4df: {  	v22 =	vor.u32 v13, v50  }
0x4e0: {  	v40 =	vand.u32 $0x1F, v23;
	v52 =	vor.u32 v31, v52  }
0x4e1: {  	v17 =	vadd.f32 v17, v1;
	v28 =	vor.u32 v16, v40  }
0x4e2: {  	v62 =	vor.u32 v29, v40  }
0x4e3: {  	[tilespmem:v0+s20+$0x0] =	vst.idx.msk $0xffff, v17;
	v0 =	vadd.f32 v19, v51  }
0x4e4: {  	v17 =	vld.idx.msk [tilespmem:v22+s15+$0x0], $0xffff  }
0x4e5: {  	v19 =	vor.u32 $0x10, v39;
	v51 =	vand.u32 $0x380, v48;
	[tilespmem:v52+s20+$0x0] =	vst.idx.msk $0xffff, v0  }
0x4e6: {  	v25 =	vshll.u32 v23, $0x7;
	v63 =	vand.u32 $0x1F, v19;
	v0 =	vor.u32 v31, v18;
	v52 =	vld.idx.msk [tilespmem:v28+s12+$0x0], $0xffff;
	[tilespmem:$0x1FD20] =	vst v51  }
0x4e7: {  	v22 =	vor.u32 v16, v63;
	v18 =	vand.u32 $0xC00, v25;
	v23 =	vld.idx.msk [tilespmem:v62+s15+$0x0], $0xffff  }
0x4e8: {  	v51 =	vor.u32 v51, v18;
	v28 =	vlaneseq.u32;
	v62 =	vor.u32 v29, v63  }
0x4e9: {  	v1 =	vadd.f32 v17, v1;
	v17 =	vor.u32 v28, v51;
	_ =	sdelay $0x1  }
0x4ea: {  	v2 =	vand.u32 $0x380, v2;
	[tilespmem:v0+s20+$0x0] =	vst.idx.msk $0xffff, v1  }
0x4eb: {  	v39 =	vmovc v31;
	v31 =	vor.u32 v4, v40;
	v0 =	vshll.u32 v19, $0x7;
	v48 =	vld.idx.msk [tilespmem:v22+s12+$0x0], $0xffff;
	v1 =	vadd.f32 v23, v52  }
0x4ec: {  	v0 =	vand.u32 $0xC00, v0;
	v23 =	vld.idx.msk [tilespmem:v62+s15+$0x0], $0xffff;
	[tilespmem:$0x1FD30] =	vst v2  }
0x4ed: {  	v62 =	vor.u32 v2, v0;
	[tilespmem:v17+s20+$0x0] =	vst.idx.msk $0xffff, v1  }
0x4ee: {  	v0 =	vor.u32 v28, v62;
	v28 =	vld [tilespmem:$0x1FF30];
	_ =	sdelay $0x1  }
0x4ef: {  	v2 =	vor.u32 v4, v63;
	v1 =	vld.idx.msk [tilespmem:v31+s15+$0x0], $0xffff;
	_ =	sdelay $0x1  }
0x4f0: {  	v17 =	vor.u32 v12, v51;
	v18 =	vadd.f32 v23, v48  }
0x4f1: {  	v25 =	vor.u32 v7, v49;
	v31 =	vor.u32 v28, v40  }
0x4f2: {  	[tilespmem:v0+s20+$0x0] =	vst.idx.msk $0xffff, v18;
	v0 =	vor.u32 v8, v47  }
0x4f3: {  	v1 =	vadd.f32 v1, v52;
	v2 =	vld.idx.msk [tilespmem:v2+s15+$0x0], $0xffff  }
0x4f4: {  	v59 =	vadd.f32 v59, v46  }
0x4f5: {  	[tilespmem:v17+s20+$0x0] =	vst.idx.msk $0xffff, v1;
	v1 =	vor.u32 v12, v62  }
0x4f6: {  	[tilespmem:v25+s20+$0x0] =	vst.idx.msk $0xffff, v59;
	v18 =	vor.u32 v28, v63;
	v17 =	vld.idx.msk [tilespmem:v31+s15+$0x0], $0xffff  }
0x4f7: {  	v0 =	vld.idx.msk [tilespmem:v0+s15+$0x0], $0xffff  }
0x4f8: {  	v19 =	vor.u32 v7, v51;
	[tilespmem:v58+s20+$0x0] =	vst.idx.msk $0xffff, v60;
	v2 =	vadd.f32 v2, v48  }
0x4f9: {  	v60 =	vld.idx.msk [tilespmem:v61+s15+$0x0], $0xffff;
	v61 =	vor.u32 v8, v40;
	v23 =	vor.u32 v9, v49  }
0x4fa: {  	v59 =	vmov v28;
	v28 =	vor.u32 v10, v47;
	[tilespmem:v1+s20+$0x0] =	vst.idx.msk $0xffff, v2  }
0x4fb: {  	v1 =	vor.u32 v11, v45;
	v2 =	vadd.f32 v17, v52;
	v17 =	vld.idx.msk [tilespmem:v18+s15+$0x0], $0xffff  }
0x4fc: {  	v58 =	vor.u32 v6, v43;
	v0 =	vadd.f32 v0, v46  }
0x4fd: {  	[tilespmem:v19+s20+$0x0] =	vst.idx.msk $0xffff, v2;
	v2 =	vor.u32 v7, v62  }
0x4fe: {  	v60 =	vadd.f32 v60, v44;
	[tilespmem:v23+s20+$0x0] =	vst.idx.msk $0xffff, v0;
	v0 =	vld.idx.msk [tilespmem:v61+s15+$0x0], $0xffff;
	v61 =	vor.u32 v8, v63  }
0x4ff: {  	v23 =	vld.idx.msk [tilespmem:v28+s15+$0x0], $0xffff  }
0x500: {  	[tilespmem:v1+s20+$0x0] =	vst.idx.msk $0xffff, v60;
	v1 =	vor.u32 v9, v51;
	v17 =	vadd.f32 v17, v48  }
0x501: {  	v18 =	vld.idx.msk [tilespmem:v58+s15+$0x0], $0xffff;
	v58 =	vor.u32 v10, v40  }
0x502: {  	v19 =	vor.u32 v11, v49;
	[tilespmem:v2+s20+$0x0] =	vst.idx.msk $0xffff, v17  }
0x503: {  	v2 =	vor.u32 v5, v45;
	v0 =	vadd.f32 v0, v52;
	v17 =	vld.idx.msk [tilespmem:v61+s15+$0x0], $0xffff  }
0x504: {  	v60 =	vor.u32 v6, v47;
	v23 =	vadd.f32 v23, v46  }
0x505: {  	v61 =	vor.u32 v14, v43;
	[tilespmem:v1+s20+$0x0] =	vst.idx.msk $0xffff, v0;
	v0 =	vor.u32 v9, v62  }
0x506: {  	v1 =	vadd.f32 v18, v44;
	v18 =	vld.idx.msk [tilespmem:v58+s15+$0x0], $0xffff;
	v58 =	vor.u32 v10, v63  }
0x507: {  	[tilespmem:v19+s20+$0x0] =	vst.idx.msk $0xffff, v23  }
0x508: {  	[tilespmem:v2+s20+$0x0] =	vst.idx.msk $0xffff, v1;
	v1 =	vor.u32 v11, v51;
	v2 =	vadd.f32 v17, v48  }
0x509: {  	v23 =	vld.idx.msk [tilespmem:v60+s15+$0x0], $0xffff  }
0x50a: {  	v17 =	vld.idx.msk [tilespmem:v61+s15+$0x0], $0xffff;
	[tilespmem:v0+s20+$0x0] =	vst.idx.msk $0xffff, v2  }
0x50b: {  	v60 =	vor.u32 v5, v49;
	v61 =	vor.u32 v6, v40;
	v18 =	vadd.f32 v18, v52;
	v19 =	vld.idx.msk [tilespmem:v58+s15+$0x0], $0xffff  }
0x50c: {  	v0 =	vor.u32 v14, v47;
	v2 =	vor.u32 v15, v45  }
0x50d: {  	[tilespmem:v1+s20+$0x0] =	vst.idx.msk $0xffff, v18;
	v1 =	vor.u32 v11, v62  }
0x50e: {  	v23 =	vadd.f32 v23, v46  }
0x50f: {  	v17 =	vadd.f32 v17, v44  }
0x510: {  	[tilespmem:v60+s20+$0x0] =	vst.idx.msk $0xffff, v23;
	v18 =	vld.idx.msk [tilespmem:v61+s15+$0x0], $0xffff;
	v61 =	vadd.f32 v19, v48  }
0x511: {  	v0 =	vld.idx.msk [tilespmem:v0+s15+$0x0], $0xffff;
	[tilespmem:v2+s20+$0x0] =	vst.idx.msk $0xffff, v17  }
0x512: {  	v58 =	vor.u32 v13, v43;
	v43 =	vld [tilespmem:$0x1FD70];
	[tilespmem:v1+s20+$0x0] =	vst.idx.msk $0xffff, v61  }
0x513: {  	v60 =	vor.u32 v6, v63;
	v2 =	vor.u32 v5, v51;
	v1 =	vld [tilespmem:$0x1FD80]  }
0x514: {  	v23 =	vor.u32 v15, v49;
	_ =	sdelay $0x1  }
0x515: {  	v18 =	vadd.f32 v18, v52  }
0x516: {  	v25 =	vor.u32 v14, v40;
	v19 =	vld.idx.msk [tilespmem:v58+s15+$0x0], $0xffff;
	v0 =	vadd.f32 v0, v46;
	v43 =	vor.u32 $0x20, v43  }
0x517: {  	v58 =	vor.u32 v13, v47;
	v22 =	vld.idx.msk [tilespmem:v60+s15+$0x0], $0xffff;
	[tilespmem:v2+s20+$0x0] =	vst.idx.msk $0xffff, v18;
	v61 =	vand.u32 $0x28, v43;
	v1 =	vand.u32 $0x7, v1  }
0x518: {  	[tilespmem:v23+s20+$0x0] =	vst.idx.msk $0xffff, v0;
	v61 =	vor.u32 v1, v61;
	v1 =	vor.u32 v39, v45  }
0x519: {  	v2 =	vor.u32 v5, v62;
	v47 =	vld [tilespmem:$0x1FDD0];
	v17 =	vor.u32 v16, v61;
	_ =	sdelay $0x1  }
0x51a: {  	v18 =	vadd.f32 v19, v44;
	v0 =	vld.idx.msk [tilespmem:v25+s15+$0x0], $0xffff  }
0x51b: {  	v31 =	vmov v9;
	v25 =	vld.idx.msk [tilespmem:v58+s15+$0x0], $0xffff;
	v22 =	vadd.f32 v22, v48  }
0x51c: {  	v9 =	vmov v29;
	v60 =	vor.u32 v15, v51;
	v23 =	vor.u32 v29, v61;
	[tilespmem:v1+s20+$0x0] =	vst.idx.msk $0xffff, v18  }
0x51d: {  	[tilespmem:v2+s20+$0x0] =	vst.idx.msk $0xffff, v22;
	v29 =	vor.u32 $0x20, v47;
	v47 =	vshll.u32 v43, $0x7;
	v43 =	vld.idx.msk [tilespmem:v17+s12+$0x0], $0xffff;
	v17 =	vor.u32 v39, v49  }
0x51e: {  	v49 =	vld [tilespmem:$0x1FDE0]  }
0x51f: {  	v28 =	vand.u32 $0x7, v3;
	v0 =	vadd.f32 v0, v52;
	v58 =	vand.u32 $0x28, v29  }
0x520: {  	v19 =	vor.u32 v14, v63;
	v28 =	vor.u32 v28, v58;
	v58 =	vadd.f32 v25, v46  }
0x521: {  	v1 =	vor.u32 v13, v40;
	[tilespmem:v60+s20+$0x0] =	vst.idx.msk $0xffff, v0  }
0x522: {  	v2 =	vand.u32 $0x1400, v47;
	v18 =	vor.u32 v16, v28;
	v22 =	vld.idx.msk [tilespmem:v23+s15+$0x0], $0xffff;
	[tilespmem:v17+s20+$0x0] =	vst.idx.msk $0xffff, v58  }
0x523: {  	v47 =	vor.u32 v49, v2;
	v2 =	vor.u32 v9, v28;
	v23 =	vld [tilespmem:$0x1FD10];
	_ =	sdelay $0x1  }
0x524: {  	v19 =	vld.idx.msk [tilespmem:v19+s15+$0x0], $0xffff  }
0x525: {  	v30 =	vor.u32 $0x20, v30;
	v46 =	vlaneseq.u32;
	v0 =	vor.u32 v15, v62;
	v1 =	vld.idx.msk [tilespmem:v1+s15+$0x0], $0xffff  }
0x526: {  	v60 =	vor.u32 v13, v63;
	v63 =	vshll.u32 v29, $0x7;
	v49 =	vand.u32 $0x28, v30;
	v44 =	vld.idx.msk [tilespmem:v18+s12+$0x0], $0xffff  }
0x527: {  	v17 =	vand.u32 $0x1400, v63;
	v25 =	vor.u32 v46, v47;
	v2 =	vld.idx.msk [tilespmem:v2+s15+$0x0], $0xffff;
	v23 =	vand.u32 $0x7, v23  }
0x528: {  	v18 =	vor.u32 v39, v51;
	v58 =	vor.u32 v23, v49;
	v49 =	vor.u32 v38, v17  }
0x529: {  	v19 =	vadd.f32 v19, v48;
	v17 =	vor.u32 v46, v49  }
0x52a: {  	v22 =	vadd.f32 v22, v43  }
0x52b: {  	[tilespmem:v0+s20+$0x0] =	vst.idx.msk $0xffff, v19;
	v1 =	vadd.f32 v1, v52  }
0x52c: {  	v40 =	vor.u32 v4, v61;
	[tilespmem:v25+s20+$0x0] =	vst.idx.msk $0xffff, v22;
	v2 =	vadd.f32 v2, v44  }
0x52d: {  	v63 =	vld [tilespmem:$0x1FD00];
	[tilespmem:v18+s20+$0x0] =	vst.idx.msk $0xffff, v1  }
0x52e: {  	v19 =	vld.idx.msk [tilespmem:v60+s15+$0x0], $0xffff;
	[tilespmem:v17+s20+$0x0] =	vst.idx.msk $0xffff, v2  }
0x52f: {  	v2 =	vld [tilespmem:$0x1FD20];
	_ =	sdelay $0x1  }
0x530: {  	v40 =	vld.idx.msk [tilespmem:v40+s15+$0x0], $0xffff;
	v1 =	vor.u32 v39, v62  }
0x531: {  	v30 =	vshll.u32 v30, $0x7;
	v23 =	vor.u32 v16, v58  }
0x532: {  	v25 =	vor.u32 v12, v47;
	v18 =	vand.u32 $0x1400, v30;
	v0 =	vor.u32 v9, v58  }
0x533: {  	v29 =	vor.u32 $0x20, v50;
	v50 =	vor.u32 v2, v18;
	v2 =	vadd.f32 v19, v48  }
0x534: {  	v60 =	vand.u32 $0x28, v29;
	v22 =	vor.u32 v4, v28;
	v52 =	vand.u32 $0x7, v63  }
0x535: {  	v60 =	vor.u32 v52, v60;
	[tilespmem:v1+s20+$0x0] =	vst.idx.msk $0xffff, v2;
	v1 =	vadd.f32 v40, v43  }
0x536: {  	v45 =	vld.idx.msk [tilespmem:v23+s12+$0x0], $0xffff;
	v46 =	vor.u32 v16, v60  }
0x537: {  	v0 =	vld.idx.msk [tilespmem:v0+s15+$0x0], $0xffff;
	v30 =	vor.u32 v9, v60;
	[tilespmem:v25+s20+$0x0] =	vst.idx.msk $0xffff, v1  }
0x538: {  	v51 =	vlaneseq.u32;
	v1 =	vld [tilespmem:$0x1FD30]  }
0x539: {  	v17 =	vor.u32 v59, v61;
	v48 =	vld.idx.msk [tilespmem:v22+s15+$0x0], $0xffff;
	v19 =	vor.u32 v51, v50  }
0x53a: {  	v22 =	vor.u32 v4, v58  }
0x53b: {  	v52 =	vshll.u32 v29, $0x7;
	v2 =	vor.u32 v12, v49;
	v46 =	vld.idx.msk [tilespmem:v46+s12+$0x0], $0xffff  }
0x53c: {  	v23 =	vand.u32 $0x1400, v52;
	v0 =	vadd.f32 v0, v45;
	v40 =	vor.u32 v59, v28;
	v30 =	vld.idx.msk [tilespmem:v30+s15+$0x0], $0xffff  }
0x53d: {  	v62 =	vmov v59;
	v59 =	vor.u32 v1, v23  }
0x53e: {  	v48 =	vadd.f32 v48, v44;
	[tilespmem:v19+s20+$0x0] =	vst.idx.msk $0xffff, v0;
	v1 =	vld.idx.msk [tilespmem:v17+s15+$0x0], $0xffff;
	v0 =	vor.u32 v51, v59  }
0x53f: {  	v18 =	vld.idx.msk [tilespmem:v22+s15+$0x0], $0xffff  }
0x540: {  	v52 =	vor.u32 v4, v60;
	v22 =	vor.u32 v7, v47;
	[tilespmem:v2+s20+$0x0] =	vst.idx.msk $0xffff, v48  }
0x541: {  	v2 =	vor.u32 v8, v61;
	v17 =	vld.idx.msk [tilespmem:v40+s15+$0x0], $0xffff;
	v23 =	vor.u32 v12, v50;
	v40 =	vadd.f32 v30, v46  }
0x542: {  	v51 =	vor.u32 v62, v58  }
0x543: {  	[tilespmem:v0+s20+$0x0] =	vst.idx.msk $0xffff, v40;
	v0 =	vadd.f32 v1, v43;
	v1 =	vor.u32 v7, v49  }
0x544: {  	v18 =	vadd.f32 v18, v45  }
0x545: {  	v48 =	vadd.f32 v54, v34;
	v19 =	vld.idx.msk [tilespmem:v52+s15+$0x0], $0xffff;
	[tilespmem:v22+s20+$0x0] =	vst.idx.msk $0xffff, v0;
	v0 =	vor.u32 v8, v28  }
0x546: {  	v17 =	vadd.f32 v17, v44;
	[tilespmem:v23+s20+$0x0] =	vst.idx.msk $0xffff, v18;
	v52 =	vor.u32 v14, v33;
	v2 =	vld.idx.msk [tilespmem:v2+s15+$0x0], $0xffff  }
0x547: {  	[tilespmem:v56+s20+$0x0] =	vst.idx.msk $0xffff, v48;
	v56 =	vadd.f32 v53, v32;
	v54 =	vor.u32 v12, v59;
	v23 =	vld.idx.msk [tilespmem:v51+s15+$0x0], $0xffff  }
0x548: {  	v29 =	vld.idx.msk [tilespmem:v57+s15+$0x0], $0xffff;
	v30 =	vor.u32 v31, v47;
	[tilespmem:v1+s20+$0x0] =	vst.idx.msk $0xffff, v17;
	v1 =	vor.u32 v62, v60  }
0x549: {  	v48 =	vor.u32 v8, v58;
	v40 =	vor.u32 v7, v50;
	v17 =	vor.u32 v10, v61  }
0x54a: {  	[tilespmem:v55+s20+$0x0] =	vst.idx.msk $0xffff, v56;
	v22 =	vor.u32 v5, v37;
	v19 =	vadd.f32 v19, v46;
	v0 =	vld.idx.msk [tilespmem:v0+s15+$0x0], $0xffff  }
0x54b: {  	v18 =	vor.u32 v14, v36;
	v25 =	vld.idx.msk [tilespmem:v52+s15+$0x0], $0xffff;
	v2 =	vadd.f32 v2, v43  }
0x54c: {  	v51 =	vor.u32 v31, v49;
	v23 =	vadd.f32 v23, v45;
	[tilespmem:v54+s20+$0x0] =	vst.idx.msk $0xffff, v19  }
0x54d: {  	v57 =	vadd.f32 v29, v34;
	[tilespmem:v30+s20+$0x0] =	vst.idx.msk $0xffff, v2;
	v2 =	vor.u32 v15, v35;
	v1 =	vld.idx.msk [tilespmem:v1+s15+$0x0], $0xffff  }
0x54e: {  	v53 =	vor.u32 v13, v33;
	v52 =	vor.u32 v10, v28;
	[tilespmem:v40+s20+$0x0] =	vst.idx.msk $0xffff, v23;
	v17 =	vld.idx.msk [tilespmem:v17+s15+$0x0], $0xffff  }
0x54f: {  	v55 =	vor.u32 v7, v59;
	[tilespmem:v22+s20+$0x0] =	vst.idx.msk $0xffff, v57;
	v19 =	vld.idx.msk [tilespmem:v48+s15+$0x0], $0xffff;
	v0 =	vadd.f32 v0, v44  }
0x550: {  	v56 =	vor.u32 v11, v47;
	v57 =	vor.u32 v8, v60;
	v18 =	vld.idx.msk [tilespmem:v18+s15+$0x0], $0xffff;
	v25 =	vadd.f32 v25, v32  }
0x551: {  	[tilespmem:v51+s20+$0x0] =	vst.idx.msk $0xffff, v0;
	v0 =	vor.u32 v31, v50  }
0x552: {  	[tilespmem:v2+s20+$0x0] =	vst.idx.msk $0xffff, v25;
	v2 =	vor.u32 v6, v61;
	v1 =	vadd.f32 v1, v46  }
0x553: {  	v51 =	vor.u32 v15, v37;
	v48 =	vld.idx.msk [tilespmem:v52+s15+$0x0], $0xffff;
	v52 =	vor.u32 v10, v58;
	v17 =	vadd.f32 v17, v43  }
0x554: {  	v19 =	vadd.f32 v19, v45;
	[tilespmem:v55+s20+$0x0] =	vst.idx.msk $0xffff, v1;
	v1 =	vld.idx.msk [tilespmem:v53+s15+$0x0], $0xffff  }
0x555: {  	v53 =	vor.u32 v11, v49;
	v55 =	vadd.f32 v18, v34;
	[tilespmem:v56+s20+$0x0] =	vst.idx.msk $0xffff, v17;
	v40 =	vld.idx.msk [tilespmem:v57+s15+$0x0], $0xffff  }
0x556: {  	v56 =	vor.u32 v39, v35;
	[tilespmem:v0+s20+$0x0] =	vst.idx.msk $0xffff, v19;
	v0 =	vor.u32 v6, v28  }
0x557: {  	v57 =	vor.u32 v13, v36;
	v36 =	vor.u32 v31, v59;
	v2 =	vld.idx.msk [tilespmem:v2+s15+$0x0], $0xffff  }
0x558: {  	[tilespmem:v51+s20+$0x0] =	vst.idx.msk $0xffff, v55;
	v51 =	vor.u32 v10, v60;
	v25 =	vadd.f32 v48, v44;
	v48 =	vld.idx.msk [tilespmem:v52+s15+$0x0], $0xffff  }
0x559: {  	v55 =	vor.u32 v11, v50;
	v52 =	vor.u32 v5, v47;
	v1 =	vadd.f32 v1, v32  }
0x55a: {  	v30 =	vor.u32 $0x30, v20;
	[tilespmem:v53+s20+$0x0] =	vst.idx.msk $0xffff, v25;
	v53 =	vor.u32 v14, v61;
	v18 =	vadd.f32 v40, v46  }
0x55b: {  	v40 =	vand.u32 $0x3F, v30;
	[tilespmem:v56+s20+$0x0] =	vst.idx.msk $0xffff, v1;
	v0 =	vld.idx.msk [tilespmem:v0+s15+$0x0], $0xffff  }
0x55c: {  	v19 =	vld.idx.msk [tilespmem:v57+s15+$0x0], $0xffff;
	v1 =	vor.u32 v16, v40;
	v2 =	vadd.f32 v2, v43;
	[tilespmem:v36+s20+$0x0] =	vst.idx.msk $0xffff, v18  }
0x55d: {  	v56 =	vor.u32 v6, v58;
	v18 =	vor.u32 v5, v49;
	v17 =	vadd.f32 v48, v45;
	v33 =	vld.idx.msk [tilespmem:v51+s15+$0x0], $0xffff  }
0x55e: {  	v57 =	vor.u32 v39, v37;
	[tilespmem:v52+s20+$0x0] =	vst.idx.msk $0xffff, v2  }
0x55f: {  	v25 =	vor.u32 v11, v59;
	[tilespmem:v55+s20+$0x0] =	vst.idx.msk $0xffff, v17;
	v22 =	vld.idx.msk [tilespmem:v53+s15+$0x0], $0xffff  }
0x560: {  	v51 =	vmov v3;
	v3 =	vld [tilespmem:$0x1FDA0];
	v0 =	vadd.f32 v0, v44  }
0x561: {  	v17 =	vld.idx.msk [tilespmem:v1+s12+$0x0], $0xffff;
	v1 =	vadd.f32 v19, v34  }
0x562: {  	v55 =	vor.u32 v15, v47;
	v56 =	vld.idx.msk [tilespmem:v56+s15+$0x0], $0xffff;
	[tilespmem:v18+s20+$0x0] =	vst.idx.msk $0xffff, v0;
	v33 =	vadd.f32 v33, v46  }
0x563: {  	v2 =	vor.u32 v14, v28;
	[tilespmem:v57+s20+$0x0] =	vst.idx.msk $0xffff, v1  }
0x564: {  	v36 =	vor.u32 v6, v60;
	v57 =	vor.u32 v5, v50;
	[tilespmem:v25+s20+$0x0] =	vst.idx.msk $0xffff, v33  }
0x565: {  	v53 =	vor.u32 $0x30, v3;
	v22 =	vadd.f32 v22, v43;
	v3 =	vld [tilespmem:$0x1FD90];
	_ =	sdelay $0x1  }
0x566: {  	v32 =	vor.u32 v9, v40;
	[tilespmem:v55+s20+$0x0] =	vst.idx.msk $0xffff, v22;
	v55 =	vadd.f32 v56, v45  }
0x567: {  	v48 =	vor.u32 v13, v61;
	v0 =	vshll.u32 v30, $0x7;
	v2 =	vld.idx.msk [tilespmem:v2+s15+$0x0], $0xffff;
	v29 =	vand.u32 $0x3F, v53  }
0x568: {  	v0 =	vand.u32 $0x1C00, v0;
	v61 =	vld.idx.msk [tilespmem:v36+s15+$0x0], $0xffff;
	v1 =	vor.u32 v16, v29;
	[tilespmem:v57+s20+$0x0] =	vst.idx.msk $0xffff, v55  }
0x569: {  	v19 =	vor.u32 v3, v0;
	v0 =	vor.u32 v15, v49;
	v3 =	vld [tilespmem:$0x1FDC0];
	_ =	sdelay $0x1  }
0x56a: {  	v34 =	vor.u32 v5, v59;
	v25 =	vor.u32 v14, v58;
	v53 =	vshll.u32 v53, $0x7  }
0x56b: {  	v32 =	vld.idx.msk [tilespmem:v32+s15+$0x0], $0xffff;
	v36 =	vor.u32 v14, v60;
	v56 =	vlaneseq.u32;
	v2 =	vadd.f32 v2, v44  }
0x56c: {  	v18 =	vld.idx.msk [tilespmem:v1+s12+$0x0], $0xffff;
	v1 =	vand.u32 $0x1C00, v53;
	v57 =	vor.u32 v56, v19  }
0x56d: {  	v22 =	vor.u32 v3, v1;
	v1 =	vld.idx.msk [tilespmem:v48+s15+$0x0], $0xffff;
	[tilespmem:v0+s20+$0x0] =	vst.idx.msk $0xffff, v2;
	v2 =	vadd.f32 v61, v46  }
0x56e: {  	v3 =	vld [tilespmem:$0x1FD80]  }
0x56f: {  	v28 =	vor.u32 v13, v28;
	v0 =	vld.idx.msk [tilespmem:v25+s15+$0x0], $0xffff;
	[tilespmem:v34+s20+$0x0] =	vst.idx.msk $0xffff, v2  }
0x570: {  	v32 =	vadd.f32 v32, v17;
	v61 =	vor.u32 v39, v47;
	v36 =	vld.idx.msk [tilespmem:v36+s15+$0x0], $0xffff  }
0x571: {  	v35 =	vor.u32 v15, v50;
	v52 =	vor.u32 v9, v29  }
0x572: {  	[tilespmem:v57+s20+$0x0] =	vst.idx.msk $0xffff, v32;
	v57 =	vor.u32 v15, v59  }
0x573: {  	v25 =	vor.u32 v56, v22;
	v1 =	vadd.f32 v1, v43;
	v20 =	vor.u32 $0x30, v3  }
0x574: {  	v28 =	vld.idx.msk [tilespmem:v28+s15+$0x0], $0xffff;
	v56 =	vor.u32 v13, v58;
	v0 =	vadd.f32 v0, v45;
	v30 =	vand.u32 $0x3F, v20  }
0x575: {  	[tilespmem:v61+s20+$0x0] =	vst.idx.msk $0xffff, v1;
	v37 =	vor.u32 v16, v30;
	v55 =	vadd.f32 v36, v46  }
0x576: {  	v23 =	vld.idx.msk [tilespmem:v52+s15+$0x0], $0xffff;
	[tilespmem:v35+s20+$0x0] =	vst.idx.msk $0xffff, v0;
	v43 =	vor.u32 v9, v30  }
0x577: {  	v61 =	vor.u32 v13, v60;
	v3 =	vld [tilespmem:$0x1FDE0];
	[tilespmem:v57+s20+$0x0] =	vst.idx.msk $0xffff, v55  }
0x578: {  	v49 =	vor.u32 v39, v49;
	v52 =	vmov v13;
	v13 =	vld [tilespmem:$0x1FD10]  }
0x579: {  	v53 =	vlaneseq.u32;
	v48 =	vor.u32 v4, v40;
	v28 =	vadd.f32 v28, v44;
	v44 =	vld.idx.msk [tilespmem:v56+s15+$0x0], $0xffff  }
0x57a: {  	v58 =	vor.u32 $0x30, v51;
	v2 =	vor.u32 v4, v29;
	v0 =	vshll.u32 v20, $0x7;
	v20 =	vld.idx.msk [tilespmem:v37+s12+$0x0], $0xffff  }
0x57b: {  	v32 =	vand.u32 $0x3F, v58;
	v1 =	vadd.f32 v23, v18;
	v0 =	vand.u32 $0x1C00, v0;
	v37 =	vld.idx.msk [tilespmem:v43+s15+$0x0], $0xffff  }
0x57c: {  	v57 =	vshll.u32 v58, $0x7;
	v58 =	vor.u32 v39, v50;
	v47 =	vld.idx.msk [tilespmem:v61+s15+$0x0], $0xffff;
	v23 =	vor.u32 v3, v0  }
0x57d: {  	[tilespmem:v25+s20+$0x0] =	vst.idx.msk $0xffff, v1;
	v1 =	vor.u32 v53, v23;
	v33 =	vor.u32 $0x30, v13;
	v13 =	vmov v39  }
0x57e: {  	v56 =	vor.u32 v16, v32;
	v55 =	vor.u32 v13, v59  }
0x57f: {  	v44 =	vadd.f32 v44, v45  }
0x580: {  	v60 =	vand.u32 $0x1C00, v57;
	[tilespmem:v49+s20+$0x0] =	vst.idx.msk $0xffff, v28;
	v0 =	vor.u32 v9, v32;
	v57 =	vadd.f32 v37, v20  }
0x581: {  	v48 =	vld.idx.msk [tilespmem:v48+s15+$0x0], $0xffff;
	[tilespmem:v58+s20+$0x0] =	vst.idx.msk $0xffff, v44;
	v34 =	vand.u32 $0x3F, v33;
	v59 =	vadd.f32 v47, v46  }
0x582: {  	v2 =	vld.idx.msk [tilespmem:v2+s15+$0x0], $0xffff;
	v39 =	vor.u32 $0x30, v63;
	v61 =	vor.u32 v16, v34;
	[tilespmem:v1+s20+$0x0] =	vst.idx.msk $0xffff, v57  }
0x583: {  	v25 =	vld.idx.msk [tilespmem:v56+s12+$0x0], $0xffff;
	v35 =	vand.u32 $0x3F, v39;
	v49 =	vor.u32 v9, v34;
	[tilespmem:v55+s20+$0x0] =	vst.idx.msk $0xffff, v59  }
0x584: {  	v54 =	vmov v31;
	v56 =	vor.u32 v16, v35;
	v51 =	vld [tilespmem:$0x1FD20]  }
0x585: {  	v31 =	vor.u32 v38, v60;
	v38 =	vor.u32 v62, v40;
	v0 =	vld.idx.msk [tilespmem:v0+s15+$0x0], $0xffff;
	v58 =	vor.u32 v9, v35  }
0x586: {  	v60 =	vor.u32 v4, v30;
	v3 =	vmovc v9;
	v43 =	vor.u32 v12, v19;
	v45 =	vor.u32 v12, v22;
	v9 =	vld [tilespmem:$0x1FD30]  }
0x587: {  	v33 =	vshll.u32 v33, $0x7;
	v39 =	vshll.u32 v39, $0x7;
	v1 =	vor.u32 v53, v31;
	v16 =	vld.idx.msk [tilespmem:v61+s12+$0x0], $0xffff  }
0x588: {  	v2 =	vadd.f32 v2, v18;
	v50 =	vand.u32 $0x1C00, v33;
	v61 =	vor.u32 v4, v32;
	v63 =	vld.idx.msk [tilespmem:v49+s15+$0x0], $0xffff  }
0x589: {  	v57 =	vor.u32 v4, v34;
	v33 =	vld.idx.msk [tilespmem:v56+s12+$0x0], $0xffff;
	v56 =	vadd.f32 v48, v17;
	v36 =	vor.u32 v51, v50  }
0x58a: {  	v55 =	vand.u32 $0x1C00, v39;
	v0 =	vadd.f32 v0, v25;
	v44 =	vld.idx.msk [tilespmem:v58+s15+$0x0], $0xffff;
	v49 =	vor.u32 v53, v36  }
0x58b: {  	v46 =	vld.idx.msk [tilespmem:v60+s15+$0x0], $0xffff;
	v60 =	vor.u32 v4, v35;
	[tilespmem:v43+s20+$0x0] =	vst.idx.msk $0xffff, v56;
	v37 =	vor.u32 v9, v55  }
0x58c: {  	v58 =	vor.u32 v62, v29;
	[tilespmem:v1+s20+$0x0] =	vst.idx.msk $0xffff, v0;
	v38 =	vld.idx.msk [tilespmem:v38+s15+$0x0], $0xffff;
	v0 =	vor.u32 v53, v37  }
0x58d: {  	[tilespmem:v45+s20+$0x0] =	vst.idx.msk $0xffff, v2;
	v1 =	vld.idx.msk [tilespmem:v61+s15+$0x0], $0xffff;
	v59 =	vadd.f32 v63, v16;
	v63 =	vor.u32 v12, v23  }
0x58e: {  	v2 =	vor.u32 v7, v19;
	v56 =	vor.u32 v8, v40;
	v61 =	vor.u32 v62, v30  }
0x58f: {  	v44 =	vadd.f32 v44, v33;
	v53 =	vor.u32 v12, v31;
	[tilespmem:v49+s20+$0x0] =	vst.idx.msk $0xffff, v59  }
0x590: {  	v46 =	vadd.f32 v46, v20;
	v55 =	vor.u32 v62, v32;
	v48 =	vld.idx.msk [tilespmem:v57+s15+$0x0], $0xffff  }
0x591: {  	v50 =	vld.idx.msk [tilespmem:v58+s15+$0x0], $0xffff;
	v38 =	vadd.f32 v38, v17;
	[tilespmem:v0+s20+$0x0] =	vst.idx.msk $0xffff, v44  }
0x592: {  	v1 =	vadd.f32 v1, v25;
	[tilespmem:v63+s20+$0x0] =	vst.idx.msk $0xffff, v46;
	v39 =	vld.idx.msk [tilespmem:v60+s15+$0x0], $0xffff;
	v57 =	vor.u32 v12, v36  }
0x593: {  	v58 =	vor.u32 v62, v34;
	[tilespmem:v2+s20+$0x0] =	vst.idx.msk $0xffff, v38;
	v0 =	vor.u32 v7, v22;
	v43 =	vld.idx.msk [tilespmem:v61+s15+$0x0], $0xffff  }
0x594: {  	v59 =	vor.u32 v8, v29;
	v49 =	vld.idx.msk [tilespmem:v56+s15+$0x0], $0xffff;
	[tilespmem:v53+s20+$0x0] =	vst.idx.msk $0xffff, v1;
	v1 =	vor.u32 v12, v37  }
0x595: {  	v61 =	vor.u32 v62, v35;
	v2 =	vld.idx.msk [tilespmem:v55+s15+$0x0], $0xffff;
	v60 =	vadd.f32 v48, v16  }
0x596: {  	v63 =	vor.u32 v8, v30;
	v62 =	vadd.f32 v50, v18;
	v53 =	vor.u32 v7, v23  }
0x597: {  	v55 =	vor.u32 v7, v31;
	v39 =	vadd.f32 v39, v33;
	[tilespmem:v57+s20+$0x0] =	vst.idx.msk $0xffff, v60  }
0x598: {  	v56 =	vor.u32 v8, v32;
	[tilespmem:v0+s20+$0x0] =	vst.idx.msk $0xffff, v62;
	v44 =	vld.idx.msk [tilespmem:v58+s15+$0x0], $0xffff  }
0x599: {  	v0 =	vor.u32 v54, v19;
	v43 =	vadd.f32 v43, v20;
	v45 =	vld.idx.msk [tilespmem:v59+s15+$0x0], $0xffff;
	[tilespmem:v1+s20+$0x0] =	vst.idx.msk $0xffff, v39  }
0x59a: {  	v49 =	vadd.f32 v49, v17;
	v2 =	vadd.f32 v2, v25;
	v57 =	vor.u32 v7, v36;
	v38 =	vld.idx.msk [tilespmem:v61+s15+$0x0], $0xffff  }
0x59b: {  	v59 =	vor.u32 v8, v34;
	[tilespmem:v53+s20+$0x0] =	vst.idx.msk $0xffff, v43;
	v58 =	vor.u32 v54, v22  }
0x59c: {  	v1 =	vor.u32 v10, v40;
	v48 =	vld.idx.msk [tilespmem:v63+s15+$0x0], $0xffff;
	[tilespmem:v55+s20+$0x0] =	vst.idx.msk $0xffff, v2;
	v2 =	vor.u32 v7, v37  }
0x59d: {  	v60 =	vor.u32 v10, v29;
	v61 =	vor.u32 v8, v35;
	v44 =	vadd.f32 v44, v16  }
0x59e: {  	v63 =	vor.u32 v54, v23;
	[tilespmem:v0+s20+$0x0] =	vst.idx.msk $0xffff, v49;
	v62 =	vld.idx.msk [tilespmem:v56+s15+$0x0], $0xffff;
	v0 =	vadd.f32 v45, v18  }
0x59f: {  	v38 =	vadd.f32 v38, v33;
	[tilespmem:v57+s20+$0x0] =	vst.idx.msk $0xffff, v44  }
0x5a0: {  	v7 =	vor.u32 v10, v30;
	[tilespmem:v58+s20+$0x0] =	vst.idx.msk $0xffff, v0;
	v0 =	vor.u32 v54, v31;
	v39 =	vld.idx.msk [tilespmem:v59+s15+$0x0], $0xffff  }
0x5a1: {  	v1 =	vld.idx.msk [tilespmem:v1+s15+$0x0], $0xffff;
	v53 =	vadd.f32 v48, v20;
	[tilespmem:v2+s20+$0x0] =	vst.idx.msk $0xffff, v38  }
0x5a2: {  	v55 =	vor.u32 v10, v32;
	v57 =	vor.u32 v54, v36;
	v56 =	vld.idx.msk [tilespmem:v61+s15+$0x0], $0xffff  }
0x5a3: {  	v28 =	vld.idx.msk [tilespmem:v60+s15+$0x0], $0xffff;
	[tilespmem:v63+s20+$0x0] =	vst.idx.msk $0xffff, v53;
	v58 =	vadd.f32 v62, v25;
	v2 =	vor.u32 v11, v19  }
0x5a4: {  	v60 =	vor.u32 v11, v22;
	v62 =	vor.u32 v54, v37;
	v59 =	vor.u32 v10, v34  }
0x5a5: {  	v63 =	vor.u32 v10, v35;
	v61 =	vld.idx.msk [tilespmem:v7+s15+$0x0], $0xffff;
	[tilespmem:v0+s20+$0x0] =	vst.idx.msk $0xffff, v58;
	v0 =	vadd.f32 v39, v16  }
0x5a6: {  	v53 =	vor.u32 v11, v23;
	v7 =	vor.u32 v6, v40;
	v1 =	vadd.f32 v1, v17  }
0x5a7: {  	v38 =	vld.idx.msk [tilespmem:v55+s15+$0x0], $0xffff;
	v44 =	vadd.f32 v56, v33;
	[tilespmem:v57+s20+$0x0] =	vst.idx.msk $0xffff, v0;
	v0 =	vor.u32 v6, v29  }
0x5a8: {  	[tilespmem:v2+s20+$0x0] =	vst.idx.msk $0xffff, v1;
	v1 =	vadd.f32 v28, v18;
	v2 =	vor.u32 v6, v30  }
0x5a9: {  	v9 =	vmov v54;
	v55 =	vor.u32 v11, v31;
	[tilespmem:v62+s20+$0x0] =	vst.idx.msk $0xffff, v44;
	v54 =	vld.idx.msk [tilespmem:v59+s15+$0x0], $0xffff  }
0x5aa: {  	v58 =	vor.u32 v6, v32;
	v56 =	vadd.f32 v61, v20;
	[tilespmem:v60+s20+$0x0] =	vst.idx.msk $0xffff, v1;
	v1 =	vld.idx.msk [tilespmem:v63+s15+$0x0], $0xffff  }
0x5ab: {  	v43 =	vld.idx.msk [tilespmem:v7+s15+$0x0], $0xffff;
	v60 =	vor.u32 v11, v37;
	v57 =	vor.u32 v11, v36  }
0x5ac: {  	[tilespmem:v53+s20+$0x0] =	vst.idx.msk $0xffff, v56;
	v38 =	vadd.f32 v38, v25;
	v59 =	vor.u32 v6, v34;
	v0 =	vld.idx.msk [tilespmem:v0+s15+$0x0], $0xffff  }
0x5ad: {  	v61 =	vor.u32 v5, v19;
	v7 =	vor.u32 v5, v22;
	v62 =	vor.u32 v6, v35;
	v2 =	vld.idx.msk [tilespmem:v2+s15+$0x0], $0xffff  }
0x5ae: {  	v53 =	vor.u32 v14, v29;
	[tilespmem:v55+s20+$0x0] =	vst.idx.msk $0xffff, v38;
	v28 =	vadd.f32 v54, v16  }
0x5af: {  	v56 =	vor.u32 v5, v23;
	v63 =	vor.u32 v14, v40;
	v55 =	vld.idx.msk [tilespmem:v58+s15+$0x0], $0xffff;
	v1 =	vadd.f32 v1, v33  }
0x5b0: {  	v58 =	vor.u32 v14, v30;
	v54 =	vadd.f32 v43, v17;
	[tilespmem:v57+s20+$0x0] =	vst.idx.msk $0xffff, v28  }
0x5b1: {  	[tilespmem:v60+s20+$0x0] =	vst.idx.msk $0xffff, v1;
	v1 =	vor.u32 v5, v31;
	v46 =	vld.idx.msk [tilespmem:v59+s15+$0x0], $0xffff;
	v0 =	vadd.f32 v0, v18  }
0x5b2: {  	v2 =	vadd.f32 v2, v20;
	[tilespmem:v61+s20+$0x0] =	vst.idx.msk $0xffff, v54;
	v60 =	vor.u32 v5, v37;
	v57 =	vld.idx.msk [tilespmem:v62+s15+$0x0], $0xffff  }
0x5b3: {  	v59 =	vor.u32 v5, v36;
	[tilespmem:v7+s20+$0x0] =	vst.idx.msk $0xffff, v0;
	v0 =	vor.u32 v14, v32  }
0x5b4: {  	v43 =	vadd.f32 v55, v25;
	[tilespmem:v56+s20+$0x0] =	vst.idx.msk $0xffff, v2;
	v2 =	vor.u32 v14, v34;
	v28 =	vld.idx.msk [tilespmem:v53+s15+$0x0], $0xffff  }
0x5b5: {  	v38 =	vld.idx.msk [tilespmem:v63+s15+$0x0], $0xffff;
	v62 =	vor.u32 v14, v35  }
0x5b6: {  	[tilespmem:v1+s20+$0x0] =	vst.idx.msk $0xffff, v43;
	v1 =	vor.u32 v15, v22;
	v46 =	vadd.f32 v46, v16  }
0x5b7: {  	v50 =	vor.u32 v15, v31;
	v61 =	vor.u32 v15, v19;
	v63 =	vld.idx.msk [tilespmem:v58+s15+$0x0], $0xffff;
	v39 =	vadd.f32 v57, v33  }
0x5b8: {  	v48 =	vor.u32 v15, v23;
	v7 =	vor.u32 v52, v40;
	[tilespmem:v59+s20+$0x0] =	vst.idx.msk $0xffff, v46;
	v0 =	vld.idx.msk [tilespmem:v0+s15+$0x0], $0xffff  }
0x5b9: {  	v29 =	vor.u32 v52, v29;
	[tilespmem:v60+s20+$0x0] =	vst.idx.msk $0xffff, v39;
	v2 =	vld.idx.msk [tilespmem:v2+s15+$0x0], $0xffff;
	v28 =	vadd.f32 v28, v18  }
0x5ba: {  	v30 =	vor.u32 v52, v30;
	v34 =	vor.u32 v52, v34;
	v38 =	vadd.f32 v38, v17;
	v51 =	vld.idx.msk [tilespmem:v62+s15+$0x0], $0xffff  }
0x5bb: {  	v53 =	vor.u32 v15, v36;
	[tilespmem:v1+s20+$0x0] =	vst.idx.msk $0xffff, v28;
	v1 =	vor.u32 v52, v32  }
0x5bc: {  	v55 =	vor.u32 v15, v37;
	v54 =	vadd.f32 v63, v20;
	[tilespmem:v61+s20+$0x0] =	vst.idx.msk $0xffff, v38  }
0x5bd: {  	v26 =	vor.u32 v13, v26;
	v35 =	vor.u32 v52, v35;
	v39 =	vld.idx.msk [tilespmem:v7+s15+$0x0], $0xffff;
	v0 =	vadd.f32 v0, v25  }
0x5be: {  	v27 =	vor.u32 v13, v27;
	[tilespmem:v48+s20+$0x0] =	vst.idx.msk $0xffff, v54;
	v29 =	vld.idx.msk [tilespmem:v29+s15+$0x0], $0xffff;
	v2 =	vadd.f32 v2, v16  }
0x5bf: {  	v56 =	vld.idx.msk [tilespmem:v30+s15+$0x0], $0xffff;
	v57 =	vadd.f32 v51, v33;
	[tilespmem:v50+s20+$0x0] =	vst.idx.msk $0xffff, v0;
	v0 =	vor.u32 v13, v19  }
0x5c0: {  	v58 =	vor.u32 v13, v22;
	[tilespmem:v53+s20+$0x0] =	vst.idx.msk $0xffff, v2;
	v2 =	vadd.f32 v41, v21;
	v1 =	vld.idx.msk [tilespmem:v1+s15+$0x0], $0xffff  }
0x5c1: {  	v23 =	vor.u32 v13, v23;
	v59 =	vadd.f32 v42, v24;
	[tilespmem:v55+s20+$0x0] =	vst.idx.msk $0xffff, v57;
	v60 =	vld.idx.msk [tilespmem:v34+s15+$0x0], $0xffff  }
0x5c2: {  	v61 =	vor.u32 v13, v31;
	v62 =	vld.idx.msk [tilespmem:v35+s15+$0x0], $0xffff;
	[tilespmem:v26+s20+$0x0] =	vst.idx.msk $0xffff, v2;
	v2 =	vadd.f32 v39, v17  }
0x5c3: {  	v63 =	vor.u32 v13, v36;
	[tilespmem:v27+s20+$0x0] =	vst.idx.msk $0xffff, v59;
	v18 =	vadd.f32 v29, v18  }
0x5c4: {  	[tilespmem:v0+s20+$0x0] =	vst.idx.msk $0xffff, v2;
	v0 =	vadd.f32 v56, v20;
	v2 =	vor.u32 v13, v37  }
0x5c5: {  	p0 =	seq.s32 s23, $0x18;
	[tilespmem:v58+s20+$0x0] =	vst.idx.msk $0xffff, v18;
	v1 =	vadd.f32 v1, v25  }
.Ltmp7:
0x5c6: {  	s24 =	sshll.u32 s24, $0x12;
	[tilespmem:v23+s20+$0x0] =	vst.idx.msk $0xffff, v0;
	v0 =	vadd.f32 v60, v16;
	(pc) =	sbr.rel @p0 .LBB2_12-.Ltmp7, $4  }
0x5c7: {  	s24 =	sor.u32 s4, s24;
	[tilespmem:v61+s20+$0x0] =	vst.idx.msk $0xffff, v1;
	v1 =	vadd.f32 v62, v33  }
0x5c8: {  	s24 =	sshrl.u32 s24, $0x3;
	[tilespmem:v63+s20+$0x0] =	vst.idx.msk $0xffff, v0  }
0x5c9: {  	s24 =	sadd.s32 s2, s24;
	v4 =	vmov v13;
	[tilespmem:v2+s20+$0x0] =	vst.idx.msk $0xffff, v1  }
0x5ca: {  	v12 =	vmovc v6;
	v13 =	vmov v5;
	v1 =	vlaneseq.u32;
	v2 =	vmov v4;
	[hbm4b:s24+s9] =	stream.strided.scatter [tilespmem:s20], [sflag:$0x4], $0x2000, s10, s9, $0x38;
	[tilespmem:$0xA880] =	vst v63  }
0x5cb: {  	v4 =	vld [tilespmem:$0x1FF10]  }
0x5cc: {  	v5 =	vld [tilespmem:$0x1FF20]  }
0x5cd: {  	v6 =	vld [tilespmem:$0x1FF30]  }
.Ltmp8:
0x5ce: {  	v7 =	vld [tilespmem:$0x1FF40];
	(pc) =	sbr.rel .LBB2_2-.Ltmp8, $4  }
0x5cf: {  	s24 =	sshll.u32 s23, $0x8;
	v8 =	vld [tilespmem:$0x1FF50]  }
0x5d0: {  	v14 =	vld [tilespmem:$0x1FF70];
	s24 =	sadd.s32 $0x180, s24  }
0x5d1: {  	s23 =	sadd.s32 $0x1, s23;
	v0 =	vld [tilespmem:$0x1FF80];
	s24 =	sand.u32 $0x3F80, s24  }
0x5d2: {  	v15 =	vld [tilespmem:$0x1FF60];
	[tilespmem:s15], [sflag:$0x2] =	stream.indirect.gather [hbm4b:s5+s13], $0x40, s24, s13, $0xb8  }
.LBB2_13:
0x5d3: {  	_ =	sfence.sel $0x180000  }
0x5d4: {  	[bflag:$0x0] =	sbarrier.arrive $0xFFFF  }
0x5d5: {  	p0 =	sne.s32 s1, $0x0;
	_ =	strace $0x90000047  }
0x5d6: {  	s0 =	sadd.s32 @!p0 $0x100000, s0;
	[bflag:$0x2] =	sbarrier.arrive $0xFFFF  }
0x5d7: {  	[sflag:s0] =	ssyncadd.tile.s32 @!p0 $0x1;
	_ =	shalt  }
.Lfunc_end2:
_tile_overlayer_lowered:
.L_overlay_start_2:
0x5d8: {  	(tag) =	ssettag $0x2  }
0x5d9: {  	s0 =	rddreg [dreg:$0x0];
	s2 =	stileid.u32  }
0x5da: {  	s1 =	rddreg [dreg:$0x1];
	p0 =	sne.s32 s2, $0x0  }
0x5db: {  	s3 =	rddreg [dreg:$0x2];
	[bflag:$0x3] =	sbarrier.arrive $0xFFFF;
	s2 =	simm.s32 @!p0 $0x1C05  }
0x5dc: {  	[timem:s3], [sflag:s2] =	dma.local @!p0 [hbm:s0], s1  }
0x5dd: {  	s0 =	simm.s32 @!p0 $0x5  }
0x5de: {  	_ =	swait.ge @!p0 [sflag:s0], s1  }
0x5df: {  	s1 =	ssub.s32 @!p0 $0x0, s1;
	[sflag:s0] =	ssyncset.done @!p0 $0x0  }
0x5e0: {  	[sflag:s0] =	ssyncadd.s32 @!p0 s1  }
0x5e1: {  	[bflag:$0x3] =	sbarrier.arrive $0xFFFF  }
0x5e2: {  	_ =	shalt  }

</sc_bundles>
